<compile_context>
chip_gen: v7x
topology: tpu7x:2x2x1
jax: 0.10.2.dev20260603
libtpu: 0.0.44.dev20260713+nightly
codegen_flags: <defaults>
</compile_context>

<pallas_src>
import functools

import jax
import jax.numpy as jnp
from jax import lax
from jax.experimental import pallas as pl
from jax.experimental.pallas import tpu as pltpu
from jax.experimental.pallas import tpu_sc as plsc

F = 26
B = 4096
L = 20
V = 100000
D = 16

NC = 2
NS = 16
NW = NC * NS

NB = 16
NF = 2
FPW = F // NF
R = B // NB
IDX_PER_CHUNK = R * L
GROWS = 128
NWIN = 2
HBAGS = R // NWIN
VQ = V // 8

_mesh = plsc.VectorSubcoreMesh(
    core_axis_name="c", subcore_axis_name="s", num_cores=NC, num_subcores=NS
)


def _tc_prep_body(tab_ref, idx_ref, ptab_ref, pidx_ref):
    for vv in range(8):
        x = tab_ref[0, :, vv * VQ:(vv + 1) * VQ]
        ptab_ref[0, :, vv * D:(vv + 1) * D] = x.T
    f = pl.program_id(0)
    v = idx_ref[0]
    q = (v >= VQ).astype(jnp.int32)
    for k in range(2, 8):
        q = q + (v >= k * VQ).astype(jnp.int32)
    pidx_ref[0] = v * 8 - q * (8 * VQ - 1) + f * V


def _tc_prep(tab_t, idx_t):
    return pl.pallas_call(
        _tc_prep_body,
        grid=(F,),
        in_specs=[
            pl.BlockSpec((1, D, V), lambda f: (f, 0, 0)),
            pl.BlockSpec((1, L, B), lambda f: (f, 0, 0)),
        ],
        out_specs=[
            pl.BlockSpec((1, VQ, 128), lambda f: (f, 0, 0)),
            pl.BlockSpec((1, L, B), lambda f: (f, 0, 0)),
        ],
        out_shape=[
            jax.ShapeDtypeStruct((F, VQ, 128), jnp.float32),
            jax.ShapeDtypeStruct((F, L, B), jnp.int32),
        ],
    )(tab_t, idx_t)


@functools.partial(
    pl.kernel,
    out_type=jax.ShapeDtypeStruct((B, F * D), jnp.float32),
    mesh=_mesh,
    scratch_types=[
        pltpu.VMEM((L, R), jnp.int32),
        pltpu.VMEM((IDX_PER_CHUNK, D), jnp.float32),
        pltpu.VMEM((R, D), jnp.float32),
        pltpu.SemaphoreType.DMA((NWIN,)),
    ],
    compiler_params=pltpu.CompilerParams(use_tc_tiling_on_sc=False),
)
def _pooled_gather(tab_hbm, idxt_hbm, out_hbm, idx_v, g_v, o_v, sems):
    wid = lax.axis_index("s") * NC + lax.axis_index("c")
    fh = wid // NB
    bc = wid - fh * NB
    bag0 = pl.multiple_of(bc * R, 8)

    @pl.loop(0, FPW)
    def _feat(fi):
        f = fh * FPW + fi
        pltpu.sync_copy(idxt_hbm.at[f, :, pl.ds(bag0, R)], idx_v)
        copies = [
            pltpu.async_copy(
                tab_hbm.at[idx_v.at[l, pl.ds(h * GROWS, GROWS)]],
                g_v.at[pl.ds(l * R + h * GROWS, GROWS)],
                sems.at[h],
            )
            for h in range(NWIN)
            for l in range(L)
        ]
        for h in range(NWIN):
            for cp in copies[h * L : (h + 1) * L]:
                cp.wait()

            @pl.loop(0, HBAGS)
            def _bag(b):
                base = h * GROWS + b
                acc = g_v[base, :]
                for l in range(1, L):
                    acc = acc + g_v[l * R + base, :]
                o_v[base, :] = acc

        pltpu.sync_copy(o_v, out_hbm.at[pl.ds(bag0, R), pl.ds(f * D, D)])


def kernel(indices, tables):
    packed, gidx = _tc_prep(
        tables.transpose(0, 2, 1), indices.transpose(0, 2, 1)
    )
    return _pooled_gather(packed.reshape(F * V, D), gidx)

# --- scband reference (transcript-rebuilt; emitter-appended) ---
"""Pipeline reference for scband-sparse-arch-14766097564306 (READ-ONLY COPY).

The authoritative reference and input builder live on the scoring server;
editing this copy changes nothing except your own understanding.
"""

import jax, jax.numpy as jnp
import numpy as np

F = 26        # number of sparse fields / embedding tables
B = 4096      # batch size
L = 20        # multi-hot bag size (fixed-length KJT bags)
V = 100000    # num_embeddings per table
D = 16        # embedding_dim


def setup_inputs(seed: int = 0) -> dict:
    key = jax.random.key(seed)
    k1, k2 = jax.random.split(key)
    # KeyedJaggedTensor values, regularized to fixed bag length L per (feature, sample)
    indices = jax.random.randint(k1, (F, B, L), 0, V, dtype=jnp.int32)
    # EmbeddingBagCollection parameters: one table per feature
    tables = jax.random.normal(k2, (F, V, D), dtype=jnp.float32) * 0.01
    return {"indices": indices, "tables": tables}


def reference(indices, tables):
    # Per-table embedding lookup (gather) followed by sum-pooling over each bag,
    # matching EmbeddingBagCollection with pooling='sum'.
    emb = jax.vmap(lambda t, idx: jnp.take(t, idx, axis=0))(tables, indices)  # [F, B, L, D]
    pooled = emb.sum(axis=2)  # [F, B, D]
    # KeyedTensor: concat per-feature pooled embeddings along dim -> [B, F*D]
    out = jnp.transpose(pooled, (1, 0, 2)).reshape(B, F * D)
    return out

if __name__ == "__main__":
    import jax
    _d = setup_inputs()
    print(jax.jit(kernel)(*tuple(_d.values())))

</pallas_src>

<mosaic_0001>
#map = affine_map<(d0, d1) -> (0, 0)>
#map1 = affine_map<(d0, d1) -> (0, 0, 0)>
module attributes {stable_mosaic.version = 14 : i64} {
  func.func @_pooled_gather(%arg0: i32, %arg1: i32, %arg2: memref<2600000x16xf32, #tpu.memory_space<hbm>>, %arg3: memref<26x20x4096xi32, #tpu.memory_space<hbm>>, %arg4: memref<4096x416xf32, #tpu.memory_space<hbm>>, %arg5: memref<20x256xi32, #tpu.memory_space<vmem>>, %arg6: memref<5120x16xf32, #tpu.memory_space<vmem>>, %arg7: memref<256x16xf32, #tpu.memory_space<vmem>>, %arg8: memref<2x!tpu.dma_semaphore, #tpu.memory_space<semaphore_mem>>) attributes {dimension_semantics = [#tpu.dimension_semantics<core_parallel>, #tpu.dimension_semantics<subcore_parallel>], iteration_bounds = array<i64: 2, 16>, scalar_prefetch = 0 : i64, scratch_operands = 4 : i64, tpu.core_type = #tpu.core_type<sc_vector_subcore>, window_params = [{transform_indices = #map}, {transform_indices = #map1}, {transform_indices = #map}]} {
    %mul3A = arith.constant 2 : i32
    %mul3A_0 = arith.muli %arg1, %mul3A : i32
    %add3A = arith.addi %mul3A_0, %arg0 : i32
    %jit3A = arith.constant 16 : i32
    %div3A = arith.divsi %add3A, %jit3A : i32
    %sign3A = arith.constant 0 : i32
    %sign3A_1 = arith.cmpi sgt, %add3A, %sign3A : i32
    %sign3A_2 = arith.extui %sign3A_1 : i1 to i32
    %sign3A_3 = arith.constant 0 : i32
    %sign3A_4 = arith.cmpi slt, %add3A, %sign3A_3 : i32
    %sign3A_5 = arith.extui %sign3A_4 : i1 to i32
    %sign3A_6 = arith.subi %sign3A_2, %sign3A_5 : i32
    %sign3A_7 = arith.constant 0 : i32
    %sign3A_8 = arith.cmpi sgt, %jit3A, %sign3A_7 : i32
    %sign3A_9 = arith.extui %sign3A_8 : i1 to i32
    %sign3A_10 = arith.constant 0 : i32
    %sign3A_11 = arith.cmpi slt, %jit3A, %sign3A_10 : i32
    %sign3A_12 = arith.extui %sign3A_11 : i1 to i32
    %sign3A_13 = arith.subi %sign3A_9, %sign3A_12 : i32
    %ne3A = arith.cmpi ne, %sign3A_6, %sign3A_13 : i32
    %rem3A = arith.remsi %add3A, %jit3A : i32
    %ne3A_14 = arith.constant 0 : i32
    %ne3A_15 = arith.cmpi ne, %rem3A, %ne3A_14 : i32
    %and3A = arith.andi %ne3A, %ne3A_15 : i1
    %sub3A = arith.constant 1 : i32
    %sub3A_16 = arith.subi %div3A, %sub3A : i32
    %select_n3A = arith.select %and3A, %sub3A_16, %div3A : i32
    %mul3A_17 = arith.constant 16 : i32
    %mul3A_18 = arith.muli %select_n3A, %mul3A_17 : i32
    %sub3A_19 = arith.subi %add3A, %mul3A_18 : i32
    %mul3A_20 = arith.constant 256 : i32
    %mul3A_21 = arith.muli %sub3A_19, %mul3A_20 : i32
    %multiple_of3A = tpu.assume_multiple %mul3A_21, 8 : i32
    %scan3A = arith.constant 0 : i32
    %scan3A_22 = arith.constant 13 : i32
    %scan3A_23 = arith.addi %scan3A, %scan3A_22 : i32
    %scan3A_24 = arith.constant 1 : i32
    scf.for %scan3A_26 = %scan3A to %scan3A_23 step %scan3A_24  : i32 {
      %mul3A_27 = arith.constant 1 : i32
      %mul3A_28 = arith.muli %scan3A_26, %mul3A_27 : i32
      %add3A_29 = arith.constant 0 : i32
      %add3A_30 = arith.addi %add3A_29, %mul3A_28 : i32
      %mul3A_31 = arith.constant 13 : i32
      %mul3A_32 = arith.muli %select_n3A, %mul3A_31 : i32
      %add3A_33 = arith.addi %mul3A_32, %add3A_30 : i32
      "tpu.region"() ({
        %run_scoped3A = tpu.sem_alloc : memref<!tpu.dma_semaphore, #tpu.memory_space<semaphore_mem>>
        %dma_start3A_1084 = arith.constant 0 : i32
        %dma_start3A_1085 = tpu.memref_slice %arg3[%add3A_33, %dma_start3A_1084, %multiple_of3A] : memref<26x20x4096xi32, #tpu.memory_space<hbm>> -> memref<1x20x256xi32, #tpu.memory_space<hbm>>
        %dma_start3A_1086 = tpu.memref_squeeze %dma_start3A_1085 : memref<1x20x256xi32, #tpu.memory_space<hbm>> -> memref<20x256xi32, #tpu.memory_space<hbm>>
        %dma_start3A_1087 = arith.constant 0 : i32
        %dma_start3A_1088 = tpu.memref_slice %arg3[%add3A_33, %dma_start3A_1087, %multiple_of3A] : memref<26x20x4096xi32, #tpu.memory_space<hbm>> -> memref<1x20x256xi32, #tpu.memory_space<hbm>>
        %dma_start3A_1089 = tpu.memref_squeeze %dma_start3A_1088 : memref<1x20x256xi32, #tpu.memory_space<hbm>> -> memref<20x256xi32, #tpu.memory_space<hbm>>
        tpu.enqueue_dma source(%dma_start3A_1089 : memref<20x256xi32, #tpu.memory_space<hbm>>) target(%arg5 : memref<20x256xi32, #tpu.memory_space<vmem>>) target_semaphore(%run_scoped3A : memref<!tpu.dma_semaphore, #tpu.memory_space<semaphore_mem>>)
        %dma_wait3A_1090 = arith.constant 0 : i32
        %dma_wait3A_1091 = tpu.memref_slice %arg3[%add3A_33, %dma_wait3A_1090, %multiple_of3A] : memref<26x20x4096xi32, #tpu.memory_space<hbm>> -> memref<1x20x256xi32, #tpu.memory_space<hbm>>
        %dma_wait3A_1092 = tpu.memref_squeeze %dma_wait3A_1091 : memref<1x20x256xi32, #tpu.memory_space<hbm>> -> memref<20x256xi32, #tpu.memory_space<hbm>>
        %dma_wait3A_1093 = arith.constant 0 : i32
        %dma_wait3A_1094 = tpu.memref_slice %arg3[%add3A_33, %dma_wait3A_1093, %multiple_of3A] : memref<26x20x4096xi32, #tpu.memory_space<hbm>> -> memref<1x20x256xi32, #tpu.memory_space<hbm>>
        %dma_wait3A_1095 = tpu.memref_squeeze %dma_wait3A_1094 : memref<1x20x256xi32, #tpu.memory_space<hbm>> -> memref<20x256xi32, #tpu.memory_space<hbm>>
        tpu.wait_dma2 semaphore(%run_scoped3A : memref<!tpu.dma_semaphore, #tpu.memory_space<semaphore_mem>>) src(%dma_wait3A_1095 : memref<20x256xi32, #tpu.memory_space<hbm>>) dst(%arg5 : memref<20x256xi32, #tpu.memory_space<vmem>>)
        tpu.yield
      }) : () -> ()
      %dma_start3A = arith.constant 0 : i32
      %dma_start3A_34 = arith.constant 0 : i32
      %dma_start3A_35 = arith.constant 0 : i32
      %dma_start3A_36 = arith.constant 0 : i32
      %dma_start3A_37 = tpu.memref_slice %arg6[%dma_start3A_35, %dma_start3A_36] : memref<5120x16xf32, #tpu.memory_space<vmem>> -> memref<128x16xf32, #tpu.memory_space<vmem>>
      %dma_start3A_38 = arith.constant 0 : i32
      %dma_start3A_39 = tpu.memref_slice %arg5[%dma_start3A, %dma_start3A_38] : memref<20x256xi32, #tpu.memory_space<vmem>> -> memref<1x128xi32, #tpu.memory_space<vmem>>
      %dma_start3A_40 = tpu.memref_squeeze %dma_start3A_39 : memref<1x128xi32, #tpu.memory_space<vmem>> -> memref<128xi32, #tpu.memory_space<vmem>>
      %dma_start3A_41 = arith.constant 0 : i32
      %dma_start3A_42 = arith.constant 0 : i32
      %dma_start3A_43 = tpu.memref_slice %arg2[%dma_start3A_41, %dma_start3A_42] : memref<2600000x16xf32, #tpu.memory_space<hbm>> -> memref<2600000x16xf32, #tpu.memory_space<hbm>>
      %dma_start3A_44 = tpu.memref_slice %arg8[%dma_start3A_34] : memref<2x!tpu.dma_semaphore, #tpu.memory_space<semaphore_mem>> -> memref<1x!tpu.dma_semaphore, #tpu.memory_space<semaphore_mem>>
      %dma_start3A_45 = tpu.memref_squeeze %dma_start3A_44 : memref<1x!tpu.dma_semaphore, #tpu.memory_space<semaphore_mem>> -> memref<!tpu.dma_semaphore, #tpu.memory_space<semaphore_mem>>
      tpu.enqueue_indirect_dma source(%dma_start3A_43 : memref<2600000x16xf32, #tpu.memory_space<hbm>>) target(%dma_start3A_37 : memref<128x16xf32, #tpu.memory_space<vmem>>) offsets(%dma_start3A_40 : memref<128xi32, #tpu.memory_space<vmem>>) semaphore(%dma_start3A_45 : memref<!tpu.dma_semaphore, #tpu.memory_space<semaphore_mem>>)
      %dma_start3A_46 = arith.constant 1 : i32
      %dma_start3A_47 = arith.constant 0 : i32
      %dma_start3A_48 = arith.constant 256 : i32
      %dma_start3A_49 = arith.constant 0 : i32
      %dma_start3A_50 = tpu.memref_slice %arg6[%dma_start3A_48, %dma_start3A_49] : memref<5120x16xf32, #tpu.memory_space<vmem>> -> memref<128x16xf32, #tpu.memory_space<vmem>>
      %dma_start3A_51 = arith.constant 0 : i32
      %dma_start3A_52 = tpu.memref_slice %arg5[%dma_start3A_46, %dma_start3A_51] : memref<20x256xi32, #tpu.memory_space<vmem>> -> memref<1x128xi32, #tpu.memory_space<vmem>>
      %dma_start3A_53 = tpu.memref_squeeze %dma_start3A_52 : memref<1x128xi32, #tpu.memory_space<vmem>> -> memref<128xi32, #tpu.memory_space<vmem>>
      %dma_start3A_54 = arith.constant 0 : i32
      %dma_start3A_55 = arith.constant 0 : i32
      %dma_start3A_56 = tpu.memref_slice %arg2[%dma_start3A_54, %dma_start3A_55] : memref<2600000x16xf32, #tpu.memory_space<hbm>> -> memref<2600000x16xf32, #tpu.memory_space<hbm>>
      %dma_start3A_57 = tpu.memref_slice %arg8[%dma_start3A_47] : memref<2x!tpu.dma_semaphore, #tpu.memory_space<semaphore_mem>> -> memref<1x!tpu.dma_semaphore, #tpu.memory_space<semaphore_mem>>
      %dma_start3A_58 = tpu.memref_squeeze %dma_start3A_57 : memref<1x!tpu.dma_semaphore, #tpu.memory_space<semaphore_mem>> -> memref<!tpu.dma_semaphore, #tpu.memory_space<semaphore_mem>>
      tpu.enqueue_indirect_dma source(%dma_start3A_56 : memref<2600000x16xf32, #tpu.memory_space<hbm>>) target(%dma_start3A_50 : memref<128x16xf32, #tpu.memory_space<vmem>>) offsets(%dma_start3A_53 : memref<128xi32, #tpu.memory_space<vmem>>) semaphore(%dma_start3A_58 : memref<!tpu.dma_semaphore, #tpu.memory_space<semaphore_mem>>)
      %dma_start3A_59 = arith.constant 2 : i32
      %dma_start3A_60 = arith.constant 0 : i32
      %dma_start3A_61 = arith.constant 512 : i32
      %dma_start3A_62 = arith.constant 0 : i32
      %dma_start3A_63 = tpu.memref_slice %arg6[%dma_start3A_61, %dma_start3A_62] : memref<5120x16xf32, #tpu.memory_space<vmem>> -> memref<128x16xf32, #tpu.memory_space<vmem>>
      %dma_start3A_64 = arith.constant 0 : i32
      %dma_start3A_65 = tpu.memref_slice %arg5[%dma_start3A_59, %dma_start3A_64] : memref<20x256xi32, #tpu.memory_space<vmem>> -> memref<1x128xi32, #tpu.memory_space<vmem>>
      %dma_start3A_66 = tpu.memref_squeeze %dma_start3A_65 : memref<1x128xi32, #tpu.memory_space<vmem>> -> memref<128xi32, #tpu.memory_space<vmem>>
      %dma_start3A_67 = arith.constant 0 : i32
      %dma_start3A_68 = arith.constant 0 : i32
      %dma_start3A_69 = tpu.memref_slice %arg2[%dma_start3A_67, %dma_start3A_68] : memref<2600000x16xf32, #tpu.memory_space<hbm>> -> memref<2600000x16xf32, #tpu.memory_space<hbm>>
      %dma_start3A_70 = tpu.memref_slice %arg8[%dma_start3A_60] : memref<2x!tpu.dma_semaphore, #tpu.memory_space<semaphore_mem>> -> memref<1x!tpu.dma_semaphore, #tpu.memory_space<semaphore_mem>>
      %dma_start3A_71 = tpu.memref_squeeze %dma_start3A_70 : memref<1x!tpu.dma_semaphore, #tpu.memory_space<semaphore_mem>> -> memref<!tpu.dma_semaphore, #tpu.memory_space<semaphore_mem>>
      tpu.enqueue_indirect_dma source(%dma_start3A_69 : memref<2600000x16xf32, #tpu.memory_space<hbm>>) target(%dma_start3A_63 : memref<128x16xf32, #tpu.memory_space<vmem>>) offsets(%dma_start3A_66 : memref<128xi32, #tpu.memory_space<vmem>>) semaphore(%dma_start3A_71 : memref<!tpu.dma_semaphore, #tpu.memory_space<semaphore_mem>>)
      %dma_start3A_72 = arith.constant 3 : i32
      %dma_start3A_73 = arith.constant 0 : i32
      %dma_start3A_74 = arith.constant 768 : i32
      %dma_start3A_75 = arith.constant 0 : i32
      %dma_start3A_76 = tpu.memref_slice %arg6[%dma_start3A_74, %dma_start3A_75] : memref<5120x16xf32, #tpu.memory_space<vmem>> -> memref<128x16xf32, #tpu.memory_space<vmem>>
      %dma_start3A_77 = arith.constant 0 : i32
      %dma_start3A_78 = tpu.memref_slice %arg5[%dma_start3A_72, %dma_start3A_77] : memref<20x256xi32, #tpu.memory_space<vmem>> -> memref<1x128xi32, #tpu.memory_space<vmem>>
      %dma_start3A_79 = tpu.memref_squeeze %dma_start3A_78 : memref<1x128xi32, #tpu.memory_space<vmem>> -> memref<128xi32, #tpu.memory_space<vmem>>
      %dma_start3A_80 = arith.constant 0 : i32
      %dma_start3A_81 = arith.constant 0 : i32
      %dma_start3A_82 = tpu.memref_slice %arg2[%dma_start3A_80, %dma_start3A_81] : memref<2600000x16xf32, #tpu.memory_space<hbm>> -> memref<2600000x16xf32, #tpu.memory_space<hbm>>
      %dma_start3A_83 = tpu.memref_slice %arg8[%dma_start3A_73] : memref<2x!tpu.dma_semaphore, #tpu.memory_space<semaphore_mem>> -> memref<1x!tpu.dma_semaphore, #tpu.memory_space<semaphore_mem>>
      %dma_start3A_84 = tpu.memref_squeeze %dma_start3A_83 : memref<1x!tpu.dma_semaphore, #tpu.memory_space<semaphore_mem>> -> memref<!tpu.dma_semaphore, #tpu.memory_space<semaphore_mem>>
      tpu.enqueue_indirect_dma source(%dma_start3A_82 : memref<2600000x16xf32, #tpu.memory_space<hbm>>) target(%dma_start3A_76 : memref<128x16xf32, #tpu.memory_space<vmem>>) offsets(%dma_start3A_79 : memref<128xi32, #tpu.memory_space<vmem>>) semaphore(%dma_start3A_84 : memref<!tpu.dma_semaphore, #tpu.memory_space<semaphore_mem>>)
      %dma_start3A_85 = arith.constant 4 : i32
      %dma_start3A_86 = arith.constant 0 : i32
      %dma_start3A_87 = arith.constant 1024 : i32
      %dma_start3A_88 = arith.constant 0 : i32
      %dma_start3A_89 = tpu.memref_slice %arg6[%dma_start3A_87, %dma_start3A_88] : memref<5120x16xf32, #tpu.memory_space<vmem>> -> memref<128x16xf32, #tpu.memory_space<vmem>>
      %dma_start3A_90 = arith.constant 0 : i32
      %dma_start3A_91 = tpu.memref_slice %arg5[%dma_start3A_85, %dma_start3A_90] : memref<20x256xi32, #tpu.memory_space<vmem>> -> memref<1x128xi32, #tpu.memory_space<vmem>>
      %dma_start3A_92 = tpu.memref_squeeze %dma_start3A_91 : memref<1x128xi32, #tpu.memory_space<vmem>> -> memref<128xi32, #tpu.memory_space<vmem>>
      %dma_start3A_93 = arith.constant 0 : i32
      %dma_start3A_94 = arith.constant 0 : i32
      %dma_start3A_95 = tpu.memref_slice %arg2[%dma_start3A_93, %dma_start3A_94] : memref<2600000x16xf32, #tpu.memory_space<hbm>> -> memref<2600000x16xf32, #tpu.memory_space<hbm>>
      %dma_start3A_96 = tpu.memref_slice %arg8[%dma_start3A_86] : memref<2x!tpu.dma_semaphore, #tpu.memory_space<semaphore_mem>> -> memref<1x!tpu.dma_semaphore, #tpu.memory_space<semaphore_mem>>
      %dma_start3A_97 = tpu.memref_squeeze %dma_start3A_96 : memref<1x!tpu.dma_semaphore, #tpu.memory_space<semaphore_mem>> -> memref<!tpu.dma_semaphore, #tpu.memory_space<semaphore_mem>>
      tpu.enqueue_indirect_dma source(%dma_start3A_95 : memref<2600000x16xf32, #tpu.memory_space<hbm>>) target(%dma_start3A_89 : memref<128x16xf32, #tpu.memory_space<vmem>>) offsets(%dma_start3A_92 : memref<128xi32, #tpu.memory_space<vmem>>) semaphore(%dma_start3A_97 : memref<!tpu.dma_semaphore, #tpu.memory_space<semaphore_mem>>)
      %dma_start3A_98 = arith.constant 5 : i32
      %dma_start3A_99 = arith.constant 0 : i32
      %dma_start3A_100 = arith.constant 1280 : i32
      %dma_start3A_101 = arith.constant 0 : i32
      %dma_start3A_102 = tpu.memref_slice %arg6[%dma_start3A_100, %dma_start3A_101] : memref<5120x16xf32, #tpu.memory_space<vmem>> -> memref<128x16xf32, #tpu.memory_space<vmem>>
      %dma_start3A_103 = arith.constant 0 : i32
      %dma_start3A_104 = tpu.memref_slice %arg5[%dma_start3A_98, %dma_start3A_103] : memref<20x256xi32, #tpu.memory_space<vmem>> -> memref<1x128xi32, #tpu.memory_space<vmem>>
      %dma_start3A_105 = tpu.memref_squeeze %dma_start3A_104 : memref<1x128xi32, #tpu.memory_space<vmem>> -> memref<128xi32, #tpu.memory_space<vmem>>
      %dma_start3A_106 = arith.constant 0 : i32
      %dma_start3A_107 = arith.constant 0 : i32
      %dma_start3A_108 = tpu.memref_slice %arg2[%dma_start3A_106, %dma_start3A_107] : memref<2600000x16xf32, #tpu.memory_space<hbm>> -> memref<2600000x16xf32, #tpu.memory_space<hbm>>
      %dma_start3A_109 = tpu.memref_slice %arg8[%dma_start3A_99] : memref<2x!tpu.dma_semaphore, #tpu.memory_space<semaphore_mem>> -> memref<1x!tpu.dma_semaphore, #tpu.memory_space<semaphore_mem>>
      %dma_start3A_110 = tpu.memref_squeeze %dma_start3A_109 : memref<1x!tpu.dma_semaphore, #tpu.memory_space<semaphore_mem>> -> memref<!tpu.dma_semaphore, #tpu.memory_space<semaphore_mem>>
      tpu.enqueue_indirect_dma source(%dma_start3A_108 : memref<2600000x16xf32, #tpu.memory_space<hbm>>) target(%dma_start3A_102 : memref<128x16xf32, #tpu.memory_space<vmem>>) offsets(%dma_start3A_105 : memref<128xi32, #tpu.memory_space<vmem>>) semaphore(%dma_start3A_110 : memref<!tpu.dma_semaphore, #tpu.memory_space<semaphore_mem>>)
      %dma_start3A_111 = arith.constant 6 : i32
      %dma_start3A_112 = arith.constant 0 : i32
      %dma_start3A_113 = arith.constant 1536 : i32
      %dma_start3A_114 = arith.constant 0 : i32
      %dma_start3A_115 = tpu.memref_slice %arg6[%dma_start3A_113, %dma_start3A_114] : memref<5120x16xf32, #tpu.memory_space<vmem>> -> memref<128x16xf32, #tpu.memory_space<vmem>>
      %dma_start3A_116 = arith.constant 0 : i32
      %dma_start3A_117 = tpu.memref_slice %arg5[%dma_start3A_111, %dma_start3A_116] : memref<20x256xi32, #tpu.memory_space<vmem>> -> memref<1x128xi32, #tpu.memory_space<vmem>>
      %dma_start3A_118 = tpu.memref_squeeze %dma_start3A_117 : memref<1x128xi32, #tpu.memory_space<vmem>> -> memref<128xi32, #tpu.memory_space<vmem>>
      %dma_start3A_119 = arith.constant 0 : i32
      %dma_start3A_120 = arith.constant 0 : i32
      %dma_start3A_121 = tpu.memref_slice %arg2[%dma_start3A_119, %dma_start3A_120] : memref<2600000x16xf32, #tpu.memory_space<hbm>> -> memref<2600000x16xf32, #tpu.memory_space<hbm>>
      %dma_start3A_122 = tpu.memref_slice %arg8[%dma_start3A_112] : memref<2x!tpu.dma_semaphore, #tpu.memory_space<semaphore_mem>> -> memref<1x!tpu.dma_semaphore, #tpu.memory_space<semaphore_mem>>
      %dma_start3A_123 = tpu.memref_squeeze %dma_start3A_122 : memref<1x!tpu.dma_semaphore, #tpu.memory_space<semaphore_mem>> -> memref<!tpu.dma_semaphore, #tpu.memory_space<semaphore_mem>>
      tpu.enqueue_indirect_dma source(%dma_start3A_121 : memref<2600000x16xf32, #tpu.memory_space<hbm>>) target(%dma_start3A_115 : memref<128x16xf32, #tpu.memory_space<vmem>>) offsets(%dma_start3A_118 : memref<128xi32, #tpu.memory_space<vmem>>) semaphore(%dma_start3A_123 : memref<!tpu.dma_semaphore, #tpu.memory_space<semaphore_mem>>)
      %dma_start3A_124 = arith.constant 7 : i32
      %dma_start3A_125 = arith.constant 0 : i32
      %dma_start3A_126 = arith.constant 1792 : i32
      %dma_start3A_127 = arith.constant 0 : i32
      %dma_start3A_128 = tpu.memref_slice %arg6[%dma_start3A_126, %dma_start3A_127] : memref<5120x16xf32, #tpu.memory_space<vmem>> -> memref<128x16xf32, #tpu.memory_space<vmem>>
      %dma_start3A_129 = arith.constant 0 : i32
      %dma_start3A_130 = tpu.memref_slice %arg5[%dma_start3A_124, %dma_start3A_129] : memref<20x256xi32, #tpu.memory_space<vmem>> -> memref<1x128xi32, #tpu.memory_space<vmem>>
      %dma_start3A_131 = tpu.memref_squeeze %dma_start3A_130 : memref<1x128xi32, #tpu.memory_space<vmem>> -> memref<128xi32, #tpu.memory_space<vmem>>
      %dma_start3A_132 = arith.constant 0 : i32
      %dma_start3A_133 = arith.constant 0 : i32
      %dma_start3A_134 = tpu.memref_slice %arg2[%dma_start3A_132, %dma_start3A_133] : memref<2600000x16xf32, #tpu.memory_space<hbm>> -> memref<2600000x16xf32, #tpu.memory_space<hbm>>
      %dma_start3A_135 = tpu.memref_slice %arg8[%dma_start3A_125] : memref<2x!tpu.dma_semaphore, #tpu.memory_space<semaphore_mem>> -> memref<1x!tpu.dma_semaphore, #tpu.memory_space<semaphore_mem>>
      %dma_start3A_136 = tpu.memref_squeeze %dma_start3A_135 : memref<1x!tpu.dma_semaphore, #tpu.memory_space<semaphore_mem>> -> memref<!tpu.dma_semaphore, #tpu.memory_space<semaphore_mem>>
      tpu.enqueue_indirect_dma source(%dma_start3A_134 : memref<2600000x16xf32, #tpu.memory_space<hbm>>) target(%dma_start3A_128 : memref<128x16xf32, #tpu.memory_space<vmem>>) offsets(%dma_start3A_131 : memref<128xi32, #tpu.memory_space<vmem>>) semaphore(%dma_start3A_136 : memref<!tpu.dma_semaphore, #tpu.memory_space<semaphore_mem>>)
      %dma_start3A_137 = arith.constant 8 : i32
      %dma_start3A_138 = arith.constant 0 : i32
      %dma_start3A_139 = arith.constant 2048 : i32
      %dma_start3A_140 = arith.constant 0 : i32
      %dma_start3A_141 = tpu.memref_slice %arg6[%dma_start3A_139, %dma_start3A_140] : memref<5120x16xf32, #tpu.memory_space<vmem>> -> memref<128x16xf32, #tpu.memory_space<vmem>>
      %dma_start3A_142 = arith.constant 0 : i32
      %dma_start3A_143 = tpu.memref_slice %arg5[%dma_start3A_137, %dma_start3A_142] : memref<20x256xi32, #tpu.memory_space<vmem>> -> memref<1x128xi32, #tpu.memory_space<vmem>>
      %dma_start3A_144 = tpu.memref_squeeze %dma_start3A_143 : memref<1x128xi32, #tpu.memory_space<vmem>> -> memref<128xi32, #tpu.memory_space<vmem>>
      %dma_start3A_145 = arith.constant 0 : i32
      %dma_start3A_146 = arith.constant 0 : i32
      %dma_start3A_147 = tpu.memref_slice %arg2[%dma_start3A_145, %dma_start3A_146] : memref<2600000x16xf32, #tpu.memory_space<hbm>> -> memref<2600000x16xf32, #tpu.memory_space<hbm>>
      %dma_start3A_148 = tpu.memref_slice %arg8[%dma_start3A_138] : memref<2x!tpu.dma_semaphore, #tpu.memory_space<semaphore_mem>> -> memref<1x!tpu.dma_semaphore, #tpu.memory_space<semaphore_mem>>
      %dma_start3A_149 = tpu.memref_squeeze %dma_start3A_148 : memref<1x!tpu.dma_semaphore, #tpu.memory_space<semaphore_mem>> -> memref<!tpu.dma_semaphore, #tpu.memory_space<semaphore_mem>>
      tpu.enqueue_indirect_dma source(%dma_start3A_147 : memref<2600000x16xf32, #tpu.memory_space<hbm>>) target(%dma_start3A_141 : memref<128x16xf32, #tpu.memory_space<vmem>>) offsets(%dma_start3A_144 : memref<128xi32, #tpu.memory_space<vmem>>) semaphore(%dma_start3A_149 : memref<!tpu.dma_semaphore, #tpu.memory_space<semaphore_mem>>)
      %dma_start3A_150 = arith.constant 9 : i32
      %dma_start3A_151 = arith.constant 0 : i32
      %dma_start3A_152 = arith.constant 2304 : i32
      %dma_start3A_153 = arith.constant 0 : i32
      %dma_start3A_154 = tpu.memref_slice %arg6[%dma_start3A_152, %dma_start3A_153] : memref<5120x16xf32, #tpu.memory_space<vmem>> -> memref<128x16xf32, #tpu.memory_space<vmem>>
      %dma_start3A_155 = arith.constant 0 : i32
      %dma_start3A_156 = tpu.memref_slice %arg5[%dma_start3A_150, %dma_start3A_155] : memref<20x256xi32, #tpu.memory_space<vmem>> -> memref<1x128xi32, #tpu.memory_space<vmem>>
      %dma_start3A_157 = tpu.memref_squeeze %dma_start3A_156 : memref<1x128xi32, #tpu.memory_space<vmem>> -> memref<128xi32, #tpu.memory_space<vmem>>
      %dma_start3A_158 = arith.constant 0 : i32
      %dma_start3A_159 = arith.constant 0 : i32
      %dma_start3A_160 = tpu.memref_slice %arg2[%dma_start3A_158, %dma_start3A_159] : memref<2600000x16xf32, #tpu.memory_space<hbm>> -> memref<2600000x16xf32, #tpu.memory_space<hbm>>
      %dma_start3A_161 = tpu.memref_slice %arg8[%dma_start3A_151] : memref<2x!tpu.dma_semaphore, #tpu.memory_space<semaphore_mem>> -> memref<1x!tpu.dma_semaphore, #tpu.memory_space<semaphore_mem>>
      %dma_start3A_162 = tpu.memref_squeeze %dma_start3A_161 : memref<1x!tpu.dma_semaphore, #tpu.memory_space<semaphore_mem>> -> memref<!tpu.dma_semaphore, #tpu.memory_space<semaphore_mem>>
      tpu.enqueue_indirect_dma source(%dma_start3A_160 : memref<2600000x16xf32, #tpu.memory_space<hbm>>) target(%dma_start3A_154 : memref<128x16xf32, #tpu.memory_space<vmem>>) offsets(%dma_start3A_157 : memref<128xi32, #tpu.memory_space<vmem>>) semaphore(%dma_start3A_162 : memref<!tpu.dma_semaphore, #tpu.memory_space<semaphore_mem>>)
      %dma_start3A_163 = arith.constant 10 : i32
      %dma_start3A_164 = arith.constant 0 : i32
      %dma_start3A_165 = arith.constant 2560 : i32
      %dma_start3A_166 = arith.constant 0 : i32
      %dma_start3A_167 = tpu.memref_slice %arg6[%dma_start3A_165, %dma_start3A_166] : memref<5120x16xf32, #tpu.memory_space<vmem>> -> memref<128x16xf32, #tpu.memory_space<vmem>>
      %dma_start3A_168 = arith.constant 0 : i32
      %dma_start3A_169 = tpu.memref_slice %arg5[%dma_start3A_163, %dma_start3A_168] : memref<20x256xi32, #tpu.memory_space<vmem>> -> memref<1x128xi32, #tpu.memory_space<vmem>>
      %dma_start3A_170 = tpu.memref_squeeze %dma_start3A_169 : memref<1x128xi32, #tpu.memory_space<vmem>> -> memref<128xi32, #tpu.memory_space<vmem>>
      %dma_start3A_171 = arith.constant 0 : i32
      %dma_start3A_172 = arith.constant 0 : i32
      %dma_start3A_173 = tpu.memref_slice %arg2[%dma_start3A_171, %dma_start3A_172] : memref<2600000x16xf32, #tpu.memory_space<hbm>> -> memref<2600000x16xf32, #tpu.memory_space<hbm>>
      %dma_start3A_174 = tpu.memref_slice %arg8[%dma_start3A_164] : memref<2x!tpu.dma_semaphore, #tpu.memory_space<semaphore_mem>> -> memref<1x!tpu.dma_semaphore, #tpu.memory_space<semaphore_mem>>
      %dma_start3A_175 = tpu.memref_squeeze %dma_start3A_174 : memref<1x!tpu.dma_semaphore, #tpu.memory_space<semaphore_mem>> -> memref<!tpu.dma_semaphore, #tpu.memory_space<semaphore_mem>>
      tpu.enqueue_indirect_dma source(%dma_start3A_173 : memref<2600000x16xf32, #tpu.memory_space<hbm>>) target(%dma_start3A_167 : memref<128x16xf32, #tpu.memory_space<vmem>>) offsets(%dma_start3A_170 : memref<128xi32, #tpu.memory_space<vmem>>) semaphore(%dma_start3A_175 : memref<!tpu.dma_semaphore, #tpu.memory_space<semaphore_mem>>)
      %dma_start3A_176 = arith.constant 11 : i32
      %dma_start3A_177 = arith.constant 0 : i32
      %dma_start3A_178 = arith.constant 2816 : i32
      %dma_start3A_179 = arith.constant 0 : i32
      %dma_start3A_180 = tpu.memref_slice %arg6[%dma_start3A_178, %dma_start3A_179] : memref<5120x16xf32, #tpu.memory_space<vmem>> -> memref<128x16xf32, #tpu.memory_space<vmem>>
      %dma_start3A_181 = arith.constant 0 : i32
      %dma_start3A_182 = tpu.memref_slice %arg5[%dma_start3A_176, %dma_start3A_181] : memref<20x256xi32, #tpu.memory_space<vmem>> -> memref<1x128xi32, #tpu.memory_space<vmem>>
      %dma_start3A_183 = tpu.memref_squeeze %dma_start3A_182 : memref<1x128xi32, #tpu.memory_space<vmem>> -> memref<128xi32, #tpu.memory_space<vmem>>
      %dma_start3A_184 = arith.constant 0 : i32
      %dma_start3A_185 = arith.constant 0 : i32
      %dma_start3A_186 = tpu.memref_slice %arg2[%dma_start3A_184, %dma_start3A_185] : memref<2600000x16xf32, #tpu.memory_space<hbm>> -> memref<2600000x16xf32, #tpu.memory_space<hbm>>
      %dma_start3A_187 = tpu.memref_slice %arg8[%dma_start3A_177] : memref<2x!tpu.dma_semaphore, #tpu.memory_space<semaphore_mem>> -> memref<1x!tpu.dma_semaphore, #tpu.memory_space<semaphore_mem>>
      %dma_start3A_188 = tpu.memref_squeeze %dma_start3A_187 : memref<1x!tpu.dma_semaphore, #tpu.memory_space<semaphore_mem>> -> memref<!tpu.dma_semaphore, #tpu.memory_space<semaphore_mem>>
      tpu.enqueue_indirect_dma source(%dma_start3A_186 : memref<2600000x16xf32, #tpu.memory_space<hbm>>) target(%dma_start3A_180 : memref<128x16xf32, #tpu.memory_space<vmem>>) offsets(%dma_start3A_183 : memref<128xi32, #tpu.memory_space<vmem>>) semaphore(%dma_start3A_188 : memref<!tpu.dma_semaphore, #tpu.memory_space<semaphore_mem>>)
      %dma_start3A_189 = arith.constant 12 : i32
      %dma_start3A_190 = arith.constant 0 : i32
      %dma_start3A_191 = arith.constant 3072 : i32
      %dma_start3A_192 = arith.constant 0 : i32
      %dma_start3A_193 = tpu.memref_slice %arg6[%dma_start3A_191, %dma_start3A_192] : memref<5120x16xf32, #tpu.memory_space<vmem>> -> memref<128x16xf32, #tpu.memory_space<vmem>>
      %dma_start3A_194 = arith.constant 0 : i32
      %dma_start3A_195 = tpu.memref_slice %arg5[%dma_start3A_189, %dma_start3A_194] : memref<20x256xi32, #tpu.memory_space<vmem>> -> memref<1x128xi32, #tpu.memory_space<vmem>>
      %dma_start3A_196 = tpu.memref_squeeze %dma_start3A_195 : memref<1x128xi32, #tpu.memory_space<vmem>> -> memref<128xi32, #tpu.memory_space<vmem>>
      %dma_start3A_197 = arith.constant 0 : i32
      %dma_start3A_198 = arith.constant 0 : i32
      %dma_start3A_199 = tpu.memref_slice %arg2[%dma_start3A_197, %dma_start3A_198] : memref<2600000x16xf32, #tpu.memory_space<hbm>> -> memref<2600000x16xf32, #tpu.memory_space<hbm>>
      %dma_start3A_200 = tpu.memref_slice %arg8[%dma_start3A_190] : memref<2x!tpu.dma_semaphore, #tpu.memory_space<semaphore_mem>> -> memref<1x!tpu.dma_semaphore, #tpu.memory_space<semaphore_mem>>
      %dma_start3A_201 = tpu.memref_squeeze %dma_start3A_200 : memref<1x!tpu.dma_semaphore, #tpu.memory_space<semaphore_mem>> -> memref<!tpu.dma_semaphore, #tpu.memory_space<semaphore_mem>>
      tpu.enqueue_indirect_dma source(%dma_start3A_199 : memref<2600000x16xf32, #tpu.memory_space<hbm>>) target(%dma_start3A_193 : memref<128x16xf32, #tpu.memory_space<vmem>>) offsets(%dma_start3A_196 : memref<128xi32, #tpu.memory_space<vmem>>) semaphore(%dma_start3A_201 : memref<!tpu.dma_semaphore, #tpu.memory_space<semaphore_mem>>)
      %dma_start3A_202 = arith.constant 13 : i32
      %dma_start3A_203 = arith.constant 0 : i32
      %dma_start3A_204 = arith.constant 3328 : i32
      %dma_start3A_205 = arith.constant 0 : i32
      %dma_start3A_206 = tpu.memref_slice %arg6[%dma_start3A_204, %dma_start3A_205] : memref<5120x16xf32, #tpu.memory_space<vmem>> -> memref<128x16xf32, #tpu.memory_space<vmem>>
      %dma_start3A_207 = arith.constant 0 : i32
      %dma_start3A_208 = tpu.memref_slice %arg5[%dma_start3A_202, %dma_start3A_207] : memref<20x256xi32, #tpu.memory_space<vmem>> -> memref<1x128xi32, #tpu.memory_space<vmem>>
      %dma_start3A_209 = tpu.memref_squeeze %dma_start3A_208 : memref<1x128xi32, #tpu.memory_space<vmem>> -> memref<128xi32, #tpu.memory_space<vmem>>
      %dma_start3A_210 = arith.constant 0 : i32
      %dma_start3A_211 = arith.constant 0 : i32
      %dma_start3A_212 = tpu.memref_slice %arg2[%dma_start3A_210, %dma_start3A_211] : memref<2600000x16xf32, #tpu.memory_space<hbm>> -> memref<2600000x16xf32, #tpu.memory_space<hbm>>
      %dma_start3A_213 = tpu.memref_slice %arg8[%dma_start3A_203] : memref<2x!tpu.dma_semaphore, #tpu.memory_space<semaphore_mem>> -> memref<1x!tpu.dma_semaphore, #tpu.memory_space<semaphore_mem>>
      %dma_start3A_214 = tpu.memref_squeeze %dma_start3A_213 : memref<1x!tpu.dma_semaphore, #tpu.memory_space<semaphore_mem>> -> memref<!tpu.dma_semaphore, #tpu.memory_space<semaphore_mem>>
      tpu.enqueue_indirect_dma source(%dma_start3A_212 : memref<2600000x16xf32, #tpu.memory_space<hbm>>) target(%dma_start3A_206 : memref<128x16xf32, #tpu.memory_space<vmem>>) offsets(%dma_start3A_209 : memref<128xi32, #tpu.memory_space<vmem>>) semaphore(%dma_start3A_214 : memref<!tpu.dma_semaphore, #tpu.memory_space<semaphore_mem>>)
      %dma_start3A_215 = arith.constant 14 : i32
      %dma_start3A_216 = arith.constant 0 : i32
      %dma_start3A_217 = arith.constant 3584 : i32
      %dma_start3A_218 = arith.constant 0 : i32
      %dma_start3A_219 = tpu.memref_slice %arg6[%dma_start3A_217, %dma_start3A_218] : memref<5120x16xf32, #tpu.memory_space<vmem>> -> memref<128x16xf32, #tpu.memory_space<vmem>>
      %dma_start3A_220 = arith.constant 0 : i32
      %dma_start3A_221 = tpu.memref_slice %arg5[%dma_start3A_215, %dma_start3A_220] : memref<20x256xi32, #tpu.memory_space<vmem>> -> memref<1x128xi32, #tpu.memory_space<vmem>>
      %dma_start3A_222 = tpu.memref_squeeze %dma_start3A_221 : memref<1x128xi32, #tpu.memory_space<vmem>> -> memref<128xi32, #tpu.memory_space<vmem>>
      %dma_start3A_223 = arith.constant 0 : i32
      %dma_start3A_224 = arith.constant 0 : i32
      %dma_start3A_225 = tpu.memref_slice %arg2[%dma_start3A_223, %dma_start3A_224] : memref<2600000x16xf32, #tpu.memory_space<hbm>> -> memref<2600000x16xf32, #tpu.memory_space<hbm>>
      %dma_start3A_226 = tpu.memref_slice %arg8[%dma_start3A_216] : memref<2x!tpu.dma_semaphore, #tpu.memory_space<semaphore_mem>> -> memref<1x!tpu.dma_semaphore, #tpu.memory_space<semaphore_mem>>
      %dma_start3A_227 = tpu.memref_squeeze %dma_start3A_226 : memref<1x!tpu.dma_semaphore, #tpu.memory_space<semaphore_mem>> -> memref<!tpu.dma_semaphore, #tpu.memory_space<semaphore_mem>>
      tpu.enqueue_indirect_dma source(%dma_start3A_225 : memref<2600000x16xf32, #tpu.memory_space<hbm>>) target(%dma_start3A_219 : memref<128x16xf32, #tpu.memory_space<vmem>>) offsets(%dma_start3A_222 : memref<128xi32, #tpu.memory_space<vmem>>) semaphore(%dma_start3A_227 : memref<!tpu.dma_semaphore, #tpu.memory_space<semaphore_mem>>)
      %dma_start3A_228 = arith.constant 15 : i32
      %dma_start3A_229 = arith.constant 0 : i32
      %dma_start3A_230 = arith.constant 3840 : i32
      %dma_start3A_231 = arith.constant 0 : i32
      %dma_start3A_232 = tpu.memref_slice %arg6[%dma_start3A_230, %dma_start3A_231] : memref<5120x16xf32, #tpu.memory_space<vmem>> -> memref<128x16xf32, #tpu.memory_space<vmem>>
      %dma_start3A_233 = arith.constant 0 : i32
      %dma_start3A_234 = tpu.memref_slice %arg5[%dma_start3A_228, %dma_start3A_233] : memref<20x256xi32, #tpu.memory_space<vmem>> -> memref<1x128xi32, #tpu.memory_space<vmem>>
      %dma_start3A_235 = tpu.memref_squeeze %dma_start3A_234 : memref<1x128xi32, #tpu.memory_space<vmem>> -> memref<128xi32, #tpu.memory_space<vmem>>
      %dma_start3A_236 = arith.constant 0 : i32
      %dma_start3A_237 = arith.constant 0 : i32
      %dma_start3A_238 = tpu.memref_slice %arg2[%dma_start3A_236, %dma_start3A_237] : memref<2600000x16xf32, #tpu.memory_space<hbm>> -> memref<2600000x16xf32, #tpu.memory_space<hbm>>
      %dma_start3A_239 = tpu.memref_slice %arg8[%dma_start3A_229] : memref<2x!tpu.dma_semaphore, #tpu.memory_space<semaphore_mem>> -> memref<1x!tpu.dma_semaphore, #tpu.memory_space<semaphore_mem>>
      %dma_start3A_240 = tpu.memref_squeeze %dma_start3A_239 : memref<1x!tpu.dma_semaphore, #tpu.memory_space<semaphore_mem>> -> memref<!tpu.dma_semaphore, #tpu.memory_space<semaphore_mem>>
      tpu.enqueue_indirect_dma source(%dma_start3A_238 : memref<2600000x16xf32, #tpu.memory_space<hbm>>) target(%dma_start3A_232 : memref<128x16xf32, #tpu.memory_space<vmem>>) offsets(%dma_start3A_235 : memref<128xi32, #tpu.memory_space<vmem>>) semaphore(%dma_start3A_240 : memref<!tpu.dma_semaphore, #tpu.memory_space<semaphore_mem>>)
      %dma_start3A_241 = arith.constant 16 : i32
      %dma_start3A_242 = arith.constant 0 : i32
      %dma_start3A_243 = arith.constant 4096 : i32
      %dma_start3A_244 = arith.constant 0 : i32
      %dma_start3A_245 = tpu.memref_slice %arg6[%dma_start3A_243, %dma_start3A_244] : memref<5120x16xf32, #tpu.memory_space<vmem>> -> memref<128x16xf32, #tpu.memory_space<vmem>>
      %dma_start3A_246 = arith.constant 0 : i32
      %dma_start3A_247 = tpu.memref_slice %arg5[%dma_start3A_241, %dma_start3A_246] : memref<20x256xi32, #tpu.memory_space<vmem>> -> memref<1x128xi32, #tpu.memory_space<vmem>>
      %dma_start3A_248 = tpu.memref_squeeze %dma_start3A_247 : memref<1x128xi32, #tpu.memory_space<vmem>> -> memref<128xi32, #tpu.memory_space<vmem>>
      %dma_start3A_249 = arith.constant 0 : i32
      %dma_start3A_250 = arith.constant 0 : i32
      %dma_start3A_251 = tpu.memref_slice %arg2[%dma_start3A_249, %dma_start3A_250] : memref<2600000x16xf32, #tpu.memory_space<hbm>> -> memref<2600000x16xf32, #tpu.memory_space<hbm>>
      %dma_start3A_252 = tpu.memref_slice %arg8[%dma_start3A_242] : memref<2x!tpu.dma_semaphore, #tpu.memory_space<semaphore_mem>> -> memref<1x!tpu.dma_semaphore, #tpu.memory_space<semaphore_mem>>
      %dma_start3A_253 = tpu.memref_squeeze %dma_start3A_252 : memref<1x!tpu.dma_semaphore, #tpu.memory_space<semaphore_mem>> -> memref<!tpu.dma_semaphore, #tpu.memory_space<semaphore_mem>>
      tpu.enqueue_indirect_dma source(%dma_start3A_251 : memref<2600000x16xf32, #tpu.memory_space<hbm>>) target(%dma_start3A_245 : memref<128x16xf32, #tpu.memory_space<vmem>>) offsets(%dma_start3A_248 : memref<128xi32, #tpu.memory_space<vmem>>) semaphore(%dma_start3A_253 : memref<!tpu.dma_semaphore, #tpu.memory_space<semaphore_mem>>)
      %dma_start3A_254 = arith.constant 17 : i32
      %dma_start3A_255 = arith.constant 0 : i32
      %dma_start3A_256 = arith.constant 4352 : i32
      %dma_start3A_257 = arith.constant 0 : i32
      %dma_start3A_258 = tpu.memref_slice %arg6[%dma_start3A_256, %dma_start3A_257] : memref<5120x16xf32, #tpu.memory_space<vmem>> -> memref<128x16xf32, #tpu.memory_space<vmem>>
      %dma_start3A_259 = arith.constant 0 : i32
      %dma_start3A_260 = tpu.memref_slice %arg5[%dma_start3A_254, %dma_start3A_259] : memref<20x256xi32, #tpu.memory_space<vmem>> -> memref<1x128xi32, #tpu.memory_space<vmem>>
      %dma_start3A_261 = tpu.memref_squeeze %dma_start3A_260 : memref<1x128xi32, #tpu.memory_space<vmem>> -> memref<128xi32, #tpu.memory_space<vmem>>
      %dma_start3A_262 = arith.constant 0 : i32
      %dma_start3A_263 = arith.constant 0 : i32
      %dma_start3A_264 = tpu.memref_slice %arg2[%dma_start3A_262, %dma_start3A_263] : memref<2600000x16xf32, #tpu.memory_space<hbm>> -> memref<2600000x16xf32, #tpu.memory_space<hbm>>
      %dma_start3A_265 = tpu.memref_slice %arg8[%dma_start3A_255] : memref<2x!tpu.dma_semaphore, #tpu.memory_space<semaphore_mem>> -> memref<1x!tpu.dma_semaphore, #tpu.memory_space<semaphore_mem>>
      %dma_start3A_266 = tpu.memref_squeeze %dma_start3A_265 : memref<1x!tpu.dma_semaphore, #tpu.memory_space<semaphore_mem>> -> memref<!tpu.dma_semaphore, #tpu.memory_space<semaphore_mem>>
      tpu.enqueue_indirect_dma source(%dma_start3A_264 : memref<2600000x16xf32, #tpu.memory_space<hbm>>) target(%dma_start3A_258 : memref<128x16xf32, #tpu.memory_space<vmem>>) offsets(%dma_start3A_261 : memref<128xi32, #tpu.memory_space<vmem>>) semaphore(%dma_start3A_266 : memref<!tpu.dma_semaphore, #tpu.memory_space<semaphore_mem>>)
      %dma_start3A_267 = arith.constant 18 : i32
      %dma_start3A_268 = arith.constant 0 : i32
      %dma_start3A_269 = arith.constant 4608 : i32
      %dma_start3A_270 = arith.constant 0 : i32
      %dma_start3A_271 = tpu.memref_slice %arg6[%dma_start3A_269, %dma_start3A_270] : memref<5120x16xf32, #tpu.memory_space<vmem>> -> memref<128x16xf32, #tpu.memory_space<vmem>>
      %dma_start3A_272 = arith.constant 0 : i32
      %dma_start3A_273 = tpu.memref_slice %arg5[%dma_start3A_267, %dma_start3A_272] : memref<20x256xi32, #tpu.memory_space<vmem>> -> memref<1x128xi32, #tpu.memory_space<vmem>>
      %dma_start3A_274 = tpu.memref_squeeze %dma_start3A_273 : memref<1x128xi32, #tpu.memory_space<vmem>> -> memref<128xi32, #tpu.memory_space<vmem>>
      %dma_start3A_275 = arith.constant 0 : i32
      %dma_start3A_276 = arith.constant 0 : i32
      %dma_start3A_277 = tpu.memref_slice %arg2[%dma_start3A_275, %dma_start3A_276] : memref<2600000x16xf32, #tpu.memory_space<hbm>> -> memref<2600000x16xf32, #tpu.memory_space<hbm>>
      %dma_start3A_278 = tpu.memref_slice %arg8[%dma_start3A_268] : memref<2x!tpu.dma_semaphore, #tpu.memory_space<semaphore_mem>> -> memref<1x!tpu.dma_semaphore, #tpu.memory_space<semaphore_mem>>
      %dma_start3A_279 = tpu.memref_squeeze %dma_start3A_278 : memref<1x!tpu.dma_semaphore, #tpu.memory_space<semaphore_mem>> -> memref<!tpu.dma_semaphore, #tpu.memory_space<semaphore_mem>>
      tpu.enqueue_indirect_dma source(%dma_start3A_277 : memref<2600000x16xf32, #tpu.memory_space<hbm>>) target(%dma_start3A_271 : memref<128x16xf32, #tpu.memory_space<vmem>>) offsets(%dma_start3A_274 : memref<128xi32, #tpu.memory_space<vmem>>) semaphore(%dma_start3A_279 : memref<!tpu.dma_semaphore, #tpu.memory_space<semaphore_mem>>)
      %dma_start3A_280 = arith.constant 19 : i32
      %dma_start3A_281 = arith.constant 0 : i32
      %dma_start3A_282 = arith.constant 4864 : i32
      %dma_start3A_283 = arith.constant 0 : i32
      %dma_start3A_284 = tpu.memref_slice %arg6[%dma_start3A_282, %dma_start3A_283] : memref<5120x16xf32, #tpu.memory_space<vmem>> -> memref<128x16xf32, #tpu.memory_space<vmem>>
      %dma_start3A_285 = arith.constant 0 : i32
      %dma_start3A_286 = tpu.memref_slice %arg5[%dma_start3A_280, %dma_start3A_285] : memref<20x256xi32, #tpu.memory_space<vmem>> -> memref<1x128xi32, #tpu.memory_space<vmem>>
      %dma_start3A_287 = tpu.memref_squeeze %dma_start3A_286 : memref<1x128xi32, #tpu.memory_space<vmem>> -> memref<128xi32, #tpu.memory_space<vmem>>
      %dma_start3A_288 = arith.constant 0 : i32
      %dma_start3A_289 = arith.constant 0 : i32
      %dma_start3A_290 = tpu.memref_slice %arg2[%dma_start3A_288, %dma_start3A_289] : memref<2600000x16xf32, #tpu.memory_space<hbm>> -> memref<2600000x16xf32, #tpu.memory_space<hbm>>
      %dma_start3A_291 = tpu.memref_slice %arg8[%dma_start3A_281] : memref<2x!tpu.dma_semaphore, #tpu.memory_space<semaphore_mem>> -> memref<1x!tpu.dma_semaphore, #tpu.memory_space<semaphore_mem>>
      %dma_start3A_292 = tpu.memref_squeeze %dma_start3A_291 : memref<1x!tpu.dma_semaphore, #tpu.memory_space<semaphore_mem>> -> memref<!tpu.dma_semaphore, #tpu.memory_space<semaphore_mem>>
      tpu.enqueue_indirect_dma source(%dma_start3A_290 : memref<2600000x16xf32, #tpu.memory_space<hbm>>) target(%dma_start3A_284 : memref<128x16xf32, #tpu.memory_space<vmem>>) offsets(%dma_start3A_287 : memref<128xi32, #tpu.memory_space<vmem>>) semaphore(%dma_start3A_292 : memref<!tpu.dma_semaphore, #tpu.memory_space<semaphore_mem>>)
      %dma_start3A_293 = arith.constant 0 : i32
      %dma_start3A_294 = arith.constant 1 : i32
      %dma_start3A_295 = arith.constant 128 : i32
      %dma_start3A_296 = arith.constant 0 : i32
      %dma_start3A_297 = tpu.memref_slice %arg6[%dma_start3A_295, %dma_start3A_296] : memref<5120x16xf32, #tpu.memory_space<vmem>> -> memref<128x16xf32, #tpu.memory_space<vmem>>
      %dma_start3A_298 = arith.constant 128 : i32
      %dma_start3A_299 = tpu.memref_slice %arg5[%dma_start3A_293, %dma_start3A_298] : memref<20x256xi32, #tpu.memory_space<vmem>> -> memref<1x128xi32, #tpu.memory_space<vmem>>
      %dma_start3A_300 = tpu.memref_squeeze %dma_start3A_299 : memref<1x128xi32, #tpu.memory_space<vmem>> -> memref<128xi32, #tpu.memory_space<vmem>>
      %dma_start3A_301 = arith.constant 0 : i32
      %dma_start3A_302 = arith.constant 0 : i32
      %dma_start3A_303 = tpu.memref_slice %arg2[%dma_start3A_301, %dma_start3A_302] : memref<2600000x16xf32, #tpu.memory_space<hbm>> -> memref<2600000x16xf32, #tpu.memory_space<hbm>>
      %dma_start3A_304 = tpu.memref_slice %arg8[%dma_start3A_294] : memref<2x!tpu.dma_semaphore, #tpu.memory_space<semaphore_mem>> -> memref<1x!tpu.dma_semaphore, #tpu.memory_space<semaphore_mem>>
      %dma_start3A_305 = tpu.memref_squeeze %dma_start3A_304 : memref<1x!tpu.dma_semaphore, #tpu.memory_space<semaphore_mem>> -> memref<!tpu.dma_semaphore, #tpu.memory_space<semaphore_mem>>
      tpu.enqueue_indirect_dma source(%dma_start3A_303 : memref<2600000x16xf32, #tpu.memory_space<hbm>>) target(%dma_start3A_297 : memref<128x16xf32, #tpu.memory_space<vmem>>) offsets(%dma_start3A_300 : memref<128xi32, #tpu.memory_space<vmem>>) semaphore(%dma_start3A_305 : memref<!tpu.dma_semaphore, #tpu.memory_space<semaphore_mem>>)
      %dma_start3A_306 = arith.constant 1 : i32
      %dma_start3A_307 = arith.constant 1 : i32
      %dma_start3A_308 = arith.constant 384 : i32
      %dma_start3A_309 = arith.constant 0 : i32
      %dma_start3A_310 = tpu.memref_slice %arg6[%dma_start3A_308, %dma_start3A_309] : memref<5120x16xf32, #tpu.memory_space<vmem>> -> memref<128x16xf32, #tpu.memory_space<vmem>>
      %dma_start3A_311 = arith.constant 128 : i32
      %dma_start3A_312 = tpu.memref_slice %arg5[%dma_start3A_306, %dma_start3A_311] : memref<20x256xi32, #tpu.memory_space<vmem>> -> memref<1x128xi32, #tpu.memory_space<vmem>>
      %dma_start3A_313 = tpu.memref_squeeze %dma_start3A_312 : memref<1x128xi32, #tpu.memory_space<vmem>> -> memref<128xi32, #tpu.memory_space<vmem>>
      %dma_start3A_314 = arith.constant 0 : i32
      %dma_start3A_315 = arith.constant 0 : i32
      %dma_start3A_316 = tpu.memref_slice %arg2[%dma_start3A_314, %dma_start3A_315] : memref<2600000x16xf32, #tpu.memory_space<hbm>> -> memref<2600000x16xf32, #tpu.memory_space<hbm>>
      %dma_start3A_317 = tpu.memref_slice %arg8[%dma_start3A_307] : memref<2x!tpu.dma_semaphore, #tpu.memory_space<semaphore_mem>> -> memref<1x!tpu.dma_semaphore, #tpu.memory_space<semaphore_mem>>
      %dma_start3A_318 = tpu.memref_squeeze %dma_start3A_317 : memref<1x!tpu.dma_semaphore, #tpu.memory_space<semaphore_mem>> -> memref<!tpu.dma_semaphore, #tpu.memory_space<semaphore_mem>>
      tpu.enqueue_indirect_dma source(%dma_start3A_316 : memref<2600000x16xf32, #tpu.memory_space<hbm>>) target(%dma_start3A_310 : memref<128x16xf32, #tpu.memory_space<vmem>>) offsets(%dma_start3A_313 : memref<128xi32, #tpu.memory_space<vmem>>) semaphore(%dma_start3A_318 : memref<!tpu.dma_semaphore, #tpu.memory_space<semaphore_mem>>)
      %dma_start3A_319 = arith.constant 2 : i32
      %dma_start3A_320 = arith.constant 1 : i32
      %dma_start3A_321 = arith.constant 640 : i32
      %dma_start3A_322 = arith.constant 0 : i32
      %dma_start3A_323 = tpu.memref_slice %arg6[%dma_start3A_321, %dma_start3A_322] : memref<5120x16xf32, #tpu.memory_space<vmem>> -> memref<128x16xf32, #tpu.memory_space<vmem>>
      %dma_start3A_324 = arith.constant 128 : i32
      %dma_start3A_325 = tpu.memref_slice %arg5[%dma_start3A_319, %dma_start3A_324] : memref<20x256xi32, #tpu.memory_space<vmem>> -> memref<1x128xi32, #tpu.memory_space<vmem>>
      %dma_start3A_326 = tpu.memref_squeeze %dma_start3A_325 : memref<1x128xi32, #tpu.memory_space<vmem>> -> memref<128xi32, #tpu.memory_space<vmem>>
      %dma_start3A_327 = arith.constant 0 : i32
      %dma_start3A_328 = arith.constant 0 : i32
      %dma_start3A_329 = tpu.memref_slice %arg2[%dma_start3A_327, %dma_start3A_328] : memref<2600000x16xf32, #tpu.memory_space<hbm>> -> memref<2600000x16xf32, #tpu.memory_space<hbm>>
      %dma_start3A_330 = tpu.memref_slice %arg8[%dma_start3A_320] : memref<2x!tpu.dma_semaphore, #tpu.memory_space<semaphore_mem>> -> memref<1x!tpu.dma_semaphore, #tpu.memory_space<semaphore_mem>>
      %dma_start3A_331 = tpu.memref_squeeze %dma_start3A_330 : memref<1x!tpu.dma_semaphore, #tpu.memory_space<semaphore_mem>> -> memref<!tpu.dma_semaphore, #tpu.memory_space<semaphore_mem>>
      tpu.enqueue_indirect_dma source(%dma_start3A_329 : memref<2600000x16xf32, #tpu.memory_space<hbm>>) target(%dma_start3A_323 : memref<128x16xf32, #tpu.memory_space<vmem>>) offsets(%dma_start3A_326 : memref<128xi32, #tpu.memory_space<vmem>>) semaphore(%dma_start3A_331 : memref<!tpu.dma_semaphore, #tpu.memory_space<semaphore_mem>>)
      %dma_start3A_332 = arith.constant 3 : i32
      %dma_start3A_333 = arith.constant 1 : i32
      %dma_start3A_334 = arith.constant 896 : i32
      %dma_start3A_335 = arith.constant 0 : i32
      %dma_start3A_336 = tpu.memref_slice %arg6[%dma_start3A_334, %dma_start3A_335] : memref<5120x16xf32, #tpu.memory_space<vmem>> -> memref<128x16xf32, #tpu.memory_space<vmem>>
      %dma_start3A_337 = arith.constant 128 : i32
      %dma_start3A_338 = tpu.memref_slice %arg5[%dma_start3A_332, %dma_start3A_337] : memref<20x256xi32, #tpu.memory_space<vmem>> -> memref<1x128xi32, #tpu.memory_space<vmem>>
      %dma_start3A_339 = tpu.memref_squeeze %dma_start3A_338 : memref<1x128xi32, #tpu.memory_space<vmem>> -> memref<128xi32, #tpu.memory_space<vmem>>
      %dma_start3A_340 = arith.constant 0 : i32
      %dma_start3A_341 = arith.constant 0 : i32
      %dma_start3A_342 = tpu.memref_slice %arg2[%dma_start3A_340, %dma_start3A_341] : memref<2600000x16xf32, #tpu.memory_space<hbm>> -> memref<2600000x16xf32, #tpu.memory_space<hbm>>
      %dma_start3A_343 = tpu.memref_slice %arg8[%dma_start3A_333] : memref<2x!tpu.dma_semaphore, #tpu.memory_space<semaphore_mem>> -> memref<1x!tpu.dma_semaphore, #tpu.memory_space<semaphore_mem>>
      %dma_start3A_344 = tpu.memref_squeeze %dma_start3A_343 : memref<1x!tpu.dma_semaphore, #tpu.memory_space<semaphore_mem>> -> memref<!tpu.dma_semaphore, #tpu.memory_space<semaphore_mem>>
      tpu.enqueue_indirect_dma source(%dma_start3A_342 : memref<2600000x16xf32, #tpu.memory_space<hbm>>) target(%dma_start3A_336 : memref<128x16xf32, #tpu.memory_space<vmem>>) offsets(%dma_start3A_339 : memref<128xi32, #tpu.memory_space<vmem>>) semaphore(%dma_start3A_344 : memref<!tpu.dma_semaphore, #tpu.memory_space<semaphore_mem>>)
      %dma_start3A_345 = arith.constant 4 : i32
      %dma_start3A_346 = arith.constant 1 : i32
      %dma_start3A_347 = arith.constant 1152 : i32
      %dma_start3A_348 = arith.constant 0 : i32
      %dma_start3A_349 = tpu.memref_slice %arg6[%dma_start3A_347, %dma_start3A_348] : memref<5120x16xf32, #tpu.memory_space<vmem>> -> memref<128x16xf32, #tpu.memory_space<vmem>>
      %dma_start3A_350 = arith.constant 128 : i32
      %dma_start3A_351 = tpu.memref_slice %arg5[%dma_start3A_345, %dma_start3A_350] : memref<20x256xi32, #tpu.memory_space<vmem>> -> memref<1x128xi32, #tpu.memory_space<vmem>>
      %dma_start3A_352 = tpu.memref_squeeze %dma_start3A_351 : memref<1x128xi32, #tpu.memory_space<vmem>> -> memref<128xi32, #tpu.memory_space<vmem>>
      %dma_start3A_353 = arith.constant 0 : i32
      %dma_start3A_354 = arith.constant 0 : i32
      %dma_start3A_355 = tpu.memref_slice %arg2[%dma_start3A_353, %dma_start3A_354] : memref<2600000x16xf32, #tpu.memory_space<hbm>> -> memref<2600000x16xf32, #tpu.memory_space<hbm>>
      %dma_start3A_356 = tpu.memref_slice %arg8[%dma_start3A_346] : memref<2x!tpu.dma_semaphore, #tpu.memory_space<semaphore_mem>> -> memref<1x!tpu.dma_semaphore, #tpu.memory_space<semaphore_mem>>
      %dma_start3A_357 = tpu.memref_squeeze %dma_start3A_356 : memref<1x!tpu.dma_semaphore, #tpu.memory_space<semaphore_mem>> -> memref<!tpu.dma_semaphore, #tpu.memory_space<semaphore_mem>>
      tpu.enqueue_indirect_dma source(%dma_start3A_355 : memref<2600000x16xf32, #tpu.memory_space<hbm>>) target(%dma_start3A_349 : memref<128x16xf32, #tpu.memory_space<vmem>>) offsets(%dma_start3A_352 : memref<128xi32, #tpu.memory_space<vmem>>) semaphore(%dma_start3A_357 : memref<!tpu.dma_semaphore, #tpu.memory_space<semaphore_mem>>)
      %dma_start3A_358 = arith.constant 5 : i32
      %dma_start3A_359 = arith.constant 1 : i32
      %dma_start3A_360 = arith.constant 1408 : i32
      %dma_start3A_361 = arith.constant 0 : i32
      %dma_start3A_362 = tpu.memref_slice %arg6[%dma_start3A_360, %dma_start3A_361] : memref<5120x16xf32, #tpu.memory_space<vmem>> -> memref<128x16xf32, #tpu.memory_space<vmem>>
      %dma_start3A_363 = arith.constant 128 : i32
      %dma_start3A_364 = tpu.memref_slice %arg5[%dma_start3A_358, %dma_start3A_363] : memref<20x256xi32, #tpu.memory_space<vmem>> -> memref<1x128xi32, #tpu.memory_space<vmem>>
      %dma_start3A_365 = tpu.memref_squeeze %dma_start3A_364 : memref<1x128xi32, #tpu.memory_space<vmem>> -> memref<128xi32, #tpu.memory_space<vmem>>
      %dma_start3A_366 = arith.constant 0 : i32
      %dma_start3A_367 = arith.constant 0 : i32
      %dma_start3A_368 = tpu.memref_slice %arg2[%dma_start3A_366, %dma_start3A_367] : memref<2600000x16xf32, #tpu.memory_space<hbm>> -> memref<2600000x16xf32, #tpu.memory_space<hbm>>
      %dma_start3A_369 = tpu.memref_slice %arg8[%dma_start3A_359] : memref<2x!tpu.dma_semaphore, #tpu.memory_space<semaphore_mem>> -> memref<1x!tpu.dma_semaphore, #tpu.memory_space<semaphore_mem>>
      %dma_start3A_370 = tpu.memref_squeeze %dma_start3A_369 : memref<1x!tpu.dma_semaphore, #tpu.memory_space<semaphore_mem>> -> memref<!tpu.dma_semaphore, #tpu.memory_space<semaphore_mem>>
      tpu.enqueue_indirect_dma source(%dma_start3A_368 : memref<2600000x16xf32, #tpu.memory_space<hbm>>) target(%dma_start3A_362 : memref<128x16xf32, #tpu.memory_space<vmem>>) offsets(%dma_start3A_365 : memref<128xi32, #tpu.memory_space<vmem>>) semaphore(%dma_start3A_370 : memref<!tpu.dma_semaphore, #tpu.memory_space<semaphore_mem>>)
      %dma_start3A_371 = arith.constant 6 : i32
      %dma_start3A_372 = arith.constant 1 : i32
      %dma_start3A_373 = arith.constant 1664 : i32
      %dma_start3A_374 = arith.constant 0 : i32
      %dma_start3A_375 = tpu.memref_slice %arg6[%dma_start3A_373, %dma_start3A_374] : memref<5120x16xf32, #tpu.memory_space<vmem>> -> memref<128x16xf32, #tpu.memory_space<vmem>>
      %dma_start3A_376 = arith.constant 128 : i32
      %dma_start3A_377 = tpu.memref_slice %arg5[%dma_start3A_371, %dma_start3A_376] : memref<20x256xi32, #tpu.memory_space<vmem>> -> memref<1x128xi32, #tpu.memory_space<vmem>>
      %dma_start3A_378 = tpu.memref_squeeze %dma_start3A_377 : memref<1x128xi32, #tpu.memory_space<vmem>> -> memref<128xi32, #tpu.memory_space<vmem>>
      %dma_start3A_379 = arith.constant 0 : i32
      %dma_start3A_380 = arith.constant 0 : i32
      %dma_start3A_381 = tpu.memref_slice %arg2[%dma_start3A_379, %dma_start3A_380] : memref<2600000x16xf32, #tpu.memory_space<hbm>> -> memref<2600000x16xf32, #tpu.memory_space<hbm>>
      %dma_start3A_382 = tpu.memref_slice %arg8[%dma_start3A_372] : memref<2x!tpu.dma_semaphore, #tpu.memory_space<semaphore_mem>> -> memref<1x!tpu.dma_semaphore, #tpu.memory_space<semaphore_mem>>
      %dma_start3A_383 = tpu.memref_squeeze %dma_start3A_382 : memref<1x!tpu.dma_semaphore, #tpu.memory_space<semaphore_mem>> -> memref<!tpu.dma_semaphore, #tpu.memory_space<semaphore_mem>>
      tpu.enqueue_indirect_dma source(%dma_start3A_381 : memref<2600000x16xf32, #tpu.memory_space<hbm>>) target(%dma_start3A_375 : memref<128x16xf32, #tpu.memory_space<vmem>>) offsets(%dma_start3A_378 : memref<128xi32, #tpu.memory_space<vmem>>) semaphore(%dma_start3A_383 : memref<!tpu.dma_semaphore, #tpu.memory_space<semaphore_mem>>)
      %dma_start3A_384 = arith.constant 7 : i32
      %dma_start3A_385 = arith.constant 1 : i32
      %dma_start3A_386 = arith.constant 1920 : i32
      %dma_start3A_387 = arith.constant 0 : i32
      %dma_start3A_388 = tpu.memref_slice %arg6[%dma_start3A_386, %dma_start3A_387] : memref<5120x16xf32, #tpu.memory_space<vmem>> -> memref<128x16xf32, #tpu.memory_space<vmem>>
      %dma_start3A_389 = arith.constant 128 : i32
      %dma_start3A_390 = tpu.memref_slice %arg5[%dma_start3A_384, %dma_start3A_389] : memref<20x256xi32, #tpu.memory_space<vmem>> -> memref<1x128xi32, #tpu.memory_space<vmem>>
      %dma_start3A_391 = tpu.memref_squeeze %dma_start3A_390 : memref<1x128xi32, #tpu.memory_space<vmem>> -> memref<128xi32, #tpu.memory_space<vmem>>
      %dma_start3A_392 = arith.constant 0 : i32
      %dma_start3A_393 = arith.constant 0 : i32
      %dma_start3A_394 = tpu.memref_slice %arg2[%dma_start3A_392, %dma_start3A_393] : memref<2600000x16xf32, #tpu.memory_space<hbm>> -> memref<2600000x16xf32, #tpu.memory_space<hbm>>
      %dma_start3A_395 = tpu.memref_slice %arg8[%dma_start3A_385] : memref<2x!tpu.dma_semaphore, #tpu.memory_space<semaphore_mem>> -> memref<1x!tpu.dma_semaphore, #tpu.memory_space<semaphore_mem>>
      %dma_start3A_396 = tpu.memref_squeeze %dma_start3A_395 : memref<1x!tpu.dma_semaphore, #tpu.memory_space<semaphore_mem>> -> memref<!tpu.dma_semaphore, #tpu.memory_space<semaphore_mem>>
      tpu.enqueue_indirect_dma source(%dma_start3A_394 : memref<2600000x16xf32, #tpu.memory_space<hbm>>) target(%dma_start3A_388 : memref<128x16xf32, #tpu.memory_space<vmem>>) offsets(%dma_start3A_391 : memref<128xi32, #tpu.memory_space<vmem>>) semaphore(%dma_start3A_396 : memref<!tpu.dma_semaphore, #tpu.memory_space<semaphore_mem>>)
      %dma_start3A_397 = arith.constant 8 : i32
      %dma_start3A_398 = arith.constant 1 : i32
      %dma_start3A_399 = arith.constant 2176 : i32
      %dma_start3A_400 = arith.constant 0 : i32
      %dma_start3A_401 = tpu.memref_slice %arg6[%dma_start3A_399, %dma_start3A_400] : memref<5120x16xf32, #tpu.memory_space<vmem>> -> memref<128x16xf32, #tpu.memory_space<vmem>>
      %dma_start3A_402 = arith.constant 128 : i32
      %dma_start3A_403 = tpu.memref_slice %arg5[%dma_start3A_397, %dma_start3A_402] : memref<20x256xi32, #tpu.memory_space<vmem>> -> memref<1x128xi32, #tpu.memory_space<vmem>>
      %dma_start3A_404 = tpu.memref_squeeze %dma_start3A_403 : memref<1x128xi32, #tpu.memory_space<vmem>> -> memref<128xi32, #tpu.memory_space<vmem>>
      %dma_start3A_405 = arith.constant 0 : i32
      %dma_start3A_406 = arith.constant 0 : i32
      %dma_start3A_407 = tpu.memref_slice %arg2[%dma_start3A_405, %dma_start3A_406] : memref<2600000x16xf32, #tpu.memory_space<hbm>> -> memref<2600000x16xf32, #tpu.memory_space<hbm>>
      %dma_start3A_408 = tpu.memref_slice %arg8[%dma_start3A_398] : memref<2x!tpu.dma_semaphore, #tpu.memory_space<semaphore_mem>> -> memref<1x!tpu.dma_semaphore, #tpu.memory_space<semaphore_mem>>
      %dma_start3A_409 = tpu.memref_squeeze %dma_start3A_408 : memref<1x!tpu.dma_semaphore, #tpu.memory_space<semaphore_mem>> -> memref<!tpu.dma_semaphore, #tpu.memory_space<semaphore_mem>>
      tpu.enqueue_indirect_dma source(%dma_start3A_407 : memref<2600000x16xf32, #tpu.memory_space<hbm>>) target(%dma_start3A_401 : memref<128x16xf32, #tpu.memory_space<vmem>>) offsets(%dma_start3A_404 : memref<128xi32, #tpu.memory_space<vmem>>) semaphore(%dma_start3A_409 : memref<!tpu.dma_semaphore, #tpu.memory_space<semaphore_mem>>)
      %dma_start3A_410 = arith.constant 9 : i32
      %dma_start3A_411 = arith.constant 1 : i32
      %dma_start3A_412 = arith.constant 2432 : i32
      %dma_start3A_413 = arith.constant 0 : i32
      %dma_start3A_414 = tpu.memref_slice %arg6[%dma_start3A_412, %dma_start3A_413] : memref<5120x16xf32, #tpu.memory_space<vmem>> -> memref<128x16xf32, #tpu.memory_space<vmem>>
      %dma_start3A_415 = arith.constant 128 : i32
      %dma_start3A_416 = tpu.memref_slice %arg5[%dma_start3A_410, %dma_start3A_415] : memref<20x256xi32, #tpu.memory_space<vmem>> -> memref<1x128xi32, #tpu.memory_space<vmem>>
      %dma_start3A_417 = tpu.memref_squeeze %dma_start3A_416 : memref<1x128xi32, #tpu.memory_space<vmem>> -> memref<128xi32, #tpu.memory_space<vmem>>
      %dma_start3A_418 = arith.constant 0 : i32
      %dma_start3A_419 = arith.constant 0 : i32
      %dma_start3A_420 = tpu.memref_slice %arg2[%dma_start3A_418, %dma_start3A_419] : memref<2600000x16xf32, #tpu.memory_space<hbm>> -> memref<2600000x16xf32, #tpu.memory_space<hbm>>
      %dma_start3A_421 = tpu.memref_slice %arg8[%dma_start3A_411] : memref<2x!tpu.dma_semaphore, #tpu.memory_space<semaphore_mem>> -> memref<1x!tpu.dma_semaphore, #tpu.memory_space<semaphore_mem>>
      %dma_start3A_422 = tpu.memref_squeeze %dma_start3A_421 : memref<1x!tpu.dma_semaphore, #tpu.memory_space<semaphore_mem>> -> memref<!tpu.dma_semaphore, #tpu.memory_space<semaphore_mem>>
      tpu.enqueue_indirect_dma source(%dma_start3A_420 : memref<2600000x16xf32, #tpu.memory_space<hbm>>) target(%dma_start3A_414 : memref<128x16xf32, #tpu.memory_space<vmem>>) offsets(%dma_start3A_417 : memref<128xi32, #tpu.memory_space<vmem>>) semaphore(%dma_start3A_422 : memref<!tpu.dma_semaphore, #tpu.memory_space<semaphore_mem>>)
      %dma_start3A_423 = arith.constant 10 : i32
      %dma_start3A_424 = arith.constant 1 : i32
      %dma_start3A_425 = arith.constant 2688 : i32
      %dma_start3A_426 = arith.constant 0 : i32
      %dma_start3A_427 = tpu.memref_slice %arg6[%dma_start3A_425, %dma_start3A_426] : memref<5120x16xf32, #tpu.memory_space<vmem>> -> memref<128x16xf32, #tpu.memory_space<vmem>>
      %dma_start3A_428 = arith.constant 128 : i32
      %dma_start3A_429 = tpu.memref_slice %arg5[%dma_start3A_423, %dma_start3A_428] : memref<20x256xi32, #tpu.memory_space<vmem>> -> memref<1x128xi32, #tpu.memory_space<vmem>>
      %dma_start3A_430 = tpu.memref_squeeze %dma_start3A_429 : memref<1x128xi32, #tpu.memory_space<vmem>> -> memref<128xi32, #tpu.memory_space<vmem>>
      %dma_start3A_431 = arith.constant 0 : i32
      %dma_start3A_432 = arith.constant 0 : i32
      %dma_start3A_433 = tpu.memref_slice %arg2[%dma_start3A_431, %dma_start3A_432] : memref<2600000x16xf32, #tpu.memory_space<hbm>> -> memref<2600000x16xf32, #tpu.memory_space<hbm>>
      %dma_start3A_434 = tpu.memref_slice %arg8[%dma_start3A_424] : memref<2x!tpu.dma_semaphore, #tpu.memory_space<semaphore_mem>> -> memref<1x!tpu.dma_semaphore, #tpu.memory_space<semaphore_mem>>
      %dma_start3A_435 = tpu.memref_squeeze %dma_start3A_434 : memref<1x!tpu.dma_semaphore, #tpu.memory_space<semaphore_mem>> -> memref<!tpu.dma_semaphore, #tpu.memory_space<semaphore_mem>>
      tpu.enqueue_indirect_dma source(%dma_start3A_433 : memref<2600000x16xf32, #tpu.memory_space<hbm>>) target(%dma_start3A_427 : memref<128x16xf32, #tpu.memory_space<vmem>>) offsets(%dma_start3A_430 : memref<128xi32, #tpu.memory_space<vmem>>) semaphore(%dma_start3A_435 : memref<!tpu.dma_semaphore, #tpu.memory_space<semaphore_mem>>)
      %dma_start3A_436 = arith.constant 11 : i32
      %dma_start3A_437 = arith.constant 1 : i32
      %dma_start3A_438 = arith.constant 2944 : i32
      %dma_start3A_439 = arith.constant 0 : i32
      %dma_start3A_440 = tpu.memref_slice %arg6[%dma_start3A_438, %dma_start3A_439] : memref<5120x16xf32, #tpu.memory_space<vmem>> -> memref<128x16xf32, #tpu.memory_space<vmem>>
      %dma_start3A_441 = arith.constant 128 : i32
      %dma_start3A_442 = tpu.memref_slice %arg5[%dma_start3A_436, %dma_start3A_441] : memref<20x256xi32, #tpu.memory_space<vmem>> -> memref<1x128xi32, #tpu.memory_space<vmem>>
      %dma_start3A_443 = tpu.memref_squeeze %dma_start3A_442 : memref<1x128xi32, #tpu.memory_space<vmem>> -> memref<128xi32, #tpu.memory_space<vmem>>
      %dma_start3A_444 = arith.constant 0 : i32
      %dma_start3A_445 = arith.constant 0 : i32
      %dma_start3A_446 = tpu.memref_slice %arg2[%dma_start3A_444, %dma_start3A_445] : memref<2600000x16xf32, #tpu.memory_space<hbm>> -> memref<2600000x16xf32, #tpu.memory_space<hbm>>
      %dma_start3A_447 = tpu.memref_slice %arg8[%dma_start3A_437] : memref<2x!tpu.dma_semaphore, #tpu.memory_space<semaphore_mem>> -> memref<1x!tpu.dma_semaphore, #tpu.memory_space<semaphore_mem>>
      %dma_start3A_448 = tpu.memref_squeeze %dma_start3A_447 : memref<1x!tpu.dma_semaphore, #tpu.memory_space<semaphore_mem>> -> memref<!tpu.dma_semaphore, #tpu.memory_space<semaphore_mem>>
      tpu.enqueue_indirect_dma source(%dma_start3A_446 : memref<2600000x16xf32, #tpu.memory_space<hbm>>) target(%dma_start3A_440 : memref<128x16xf32, #tpu.memory_space<vmem>>) offsets(%dma_start3A_443 : memref<128xi32, #tpu.memory_space<vmem>>) semaphore(%dma_start3A_448 : memref<!tpu.dma_semaphore, #tpu.memory_space<semaphore_mem>>)
      %dma_start3A_449 = arith.constant 12 : i32
      %dma_start3A_450 = arith.constant 1 : i32
      %dma_start3A_451 = arith.constant 3200 : i32
      %dma_start3A_452 = arith.constant 0 : i32
      %dma_start3A_453 = tpu.memref_slice %arg6[%dma_start3A_451, %dma_start3A_452] : memref<5120x16xf32, #tpu.memory_space<vmem>> -> memref<128x16xf32, #tpu.memory_space<vmem>>
      %dma_start3A_454 = arith.constant 128 : i32
      %dma_start3A_455 = tpu.memref_slice %arg5[%dma_start3A_449, %dma_start3A_454] : memref<20x256xi32, #tpu.memory_space<vmem>> -> memref<1x128xi32, #tpu.memory_space<vmem>>
      %dma_start3A_456 = tpu.memref_squeeze %dma_start3A_455 : memref<1x128xi32, #tpu.memory_space<vmem>> -> memref<128xi32, #tpu.memory_space<vmem>>
      %dma_start3A_457 = arith.constant 0 : i32
      %dma_start3A_458 = arith.constant 0 : i32
      %dma_start3A_459 = tpu.memref_slice %arg2[%dma_start3A_457, %dma_start3A_458] : memref<2600000x16xf32, #tpu.memory_space<hbm>> -> memref<2600000x16xf32, #tpu.memory_space<hbm>>
      %dma_start3A_460 = tpu.memref_slice %arg8[%dma_start3A_450] : memref<2x!tpu.dma_semaphore, #tpu.memory_space<semaphore_mem>> -> memref<1x!tpu.dma_semaphore, #tpu.memory_space<semaphore_mem>>
      %dma_start3A_461 = tpu.memref_squeeze %dma_start3A_460 : memref<1x!tpu.dma_semaphore, #tpu.memory_space<semaphore_mem>> -> memref<!tpu.dma_semaphore, #tpu.memory_space<semaphore_mem>>
      tpu.enqueue_indirect_dma source(%dma_start3A_459 : memref<2600000x16xf32, #tpu.memory_space<hbm>>) target(%dma_start3A_453 : memref<128x16xf32, #tpu.memory_space<vmem>>) offsets(%dma_start3A_456 : memref<128xi32, #tpu.memory_space<vmem>>) semaphore(%dma_start3A_461 : memref<!tpu.dma_semaphore, #tpu.memory_space<semaphore_mem>>)
      %dma_start3A_462 = arith.constant 13 : i32
      %dma_start3A_463 = arith.constant 1 : i32
      %dma_start3A_464 = arith.constant 3456 : i32
      %dma_start3A_465 = arith.constant 0 : i32
      %dma_start3A_466 = tpu.memref_slice %arg6[%dma_start3A_464, %dma_start3A_465] : memref<5120x16xf32, #tpu.memory_space<vmem>> -> memref<128x16xf32, #tpu.memory_space<vmem>>
      %dma_start3A_467 = arith.constant 128 : i32
      %dma_start3A_468 = tpu.memref_slice %arg5[%dma_start3A_462, %dma_start3A_467] : memref<20x256xi32, #tpu.memory_space<vmem>> -> memref<1x128xi32, #tpu.memory_space<vmem>>
      %dma_start3A_469 = tpu.memref_squeeze %dma_start3A_468 : memref<1x128xi32, #tpu.memory_space<vmem>> -> memref<128xi32, #tpu.memory_space<vmem>>
      %dma_start3A_470 = arith.constant 0 : i32
      %dma_start3A_471 = arith.constant 0 : i32
      %dma_start3A_472 = tpu.memref_slice %arg2[%dma_start3A_470, %dma_start3A_471] : memref<2600000x16xf32, #tpu.memory_space<hbm>> -> memref<2600000x16xf32, #tpu.memory_space<hbm>>
      %dma_start3A_473 = tpu.memref_slice %arg8[%dma_start3A_463] : memref<2x!tpu.dma_semaphore, #tpu.memory_space<semaphore_mem>> -> memref<1x!tpu.dma_semaphore, #tpu.memory_space<semaphore_mem>>
      %dma_start3A_474 = tpu.memref_squeeze %dma_start3A_473 : memref<1x!tpu.dma_semaphore, #tpu.memory_space<semaphore_mem>> -> memref<!tpu.dma_semaphore, #tpu.memory_space<semaphore_mem>>
      tpu.enqueue_indirect_dma source(%dma_start3A_472 : memref<2600000x16xf32, #tpu.memory_space<hbm>>) target(%dma_start3A_466 : memref<128x16xf32, #tpu.memory_space<vmem>>) offsets(%dma_start3A_469 : memref<128xi32, #tpu.memory_space<vmem>>) semaphore(%dma_start3A_474 : memref<!tpu.dma_semaphore, #tpu.memory_space<semaphore_mem>>)
      %dma_start3A_475 = arith.constant 14 : i32
      %dma_start3A_476 = arith.constant 1 : i32
      %dma_start3A_477 = arith.constant 3712 : i32
      %dma_start3A_478 = arith.constant 0 : i32
      %dma_start3A_479 = tpu.memref_slice %arg6[%dma_start3A_477, %dma_start3A_478] : memref<5120x16xf32, #tpu.memory_space<vmem>> -> memref<128x16xf32, #tpu.memory_space<vmem>>
      %dma_start3A_480 = arith.constant 128 : i32
      %dma_start3A_481 = tpu.memref_slice %arg5[%dma_start3A_475, %dma_start3A_480] : memref<20x256xi32, #tpu.memory_space<vmem>> -> memref<1x128xi32, #tpu.memory_space<vmem>>
      %dma_start3A_482 = tpu.memref_squeeze %dma_start3A_481 : memref<1x128xi32, #tpu.memory_space<vmem>> -> memref<128xi32, #tpu.memory_space<vmem>>
      %dma_start3A_483 = arith.constant 0 : i32
      %dma_start3A_484 = arith.constant 0 : i32
      %dma_start3A_485 = tpu.memref_slice %arg2[%dma_start3A_483, %dma_start3A_484] : memref<2600000x16xf32, #tpu.memory_space<hbm>> -> memref<2600000x16xf32, #tpu.memory_space<hbm>>
      %dma_start3A_486 = tpu.memref_slice %arg8[%dma_start3A_476] : memref<2x!tpu.dma_semaphore, #tpu.memory_space<semaphore_mem>> -> memref<1x!tpu.dma_semaphore, #tpu.memory_space<semaphore_mem>>
      %dma_start3A_487 = tpu.memref_squeeze %dma_start3A_486 : memref<1x!tpu.dma_semaphore, #tpu.memory_space<semaphore_mem>> -> memref<!tpu.dma_semaphore, #tpu.memory_space<semaphore_mem>>
      tpu.enqueue_indirect_dma source(%dma_start3A_485 : memref<2600000x16xf32, #tpu.memory_space<hbm>>) target(%dma_start3A_479 : memref<128x16xf32, #tpu.memory_space<vmem>>) offsets(%dma_start3A_482 : memref<128xi32, #tpu.memory_space<vmem>>) semaphore(%dma_start3A_487 : memref<!tpu.dma_semaphore, #tpu.memory_space<semaphore_mem>>)
      %dma_start3A_488 = arith.constant 15 : i32
      %dma_start3A_489 = arith.constant 1 : i32
      %dma_start3A_490 = arith.constant 3968 : i32
      %dma_start3A_491 = arith.constant 0 : i32
      %dma_start3A_492 = tpu.memref_slice %arg6[%dma_start3A_490, %dma_start3A_491] : memref<5120x16xf32, #tpu.memory_space<vmem>> -> memref<128x16xf32, #tpu.memory_space<vmem>>
      %dma_start3A_493 = arith.constant 128 : i32
      %dma_start3A_494 = tpu.memref_slice %arg5[%dma_start3A_488, %dma_start3A_493] : memref<20x256xi32, #tpu.memory_space<vmem>> -> memref<1x128xi32, #tpu.memory_space<vmem>>
      %dma_start3A_495 = tpu.memref_squeeze %dma_start3A_494 : memref<1x128xi32, #tpu.memory_space<vmem>> -> memref<128xi32, #tpu.memory_space<vmem>>
      %dma_start3A_496 = arith.constant 0 : i32
      %dma_start3A_497 = arith.constant 0 : i32
      %dma_start3A_498 = tpu.memref_slice %arg2[%dma_start3A_496, %dma_start3A_497] : memref<2600000x16xf32, #tpu.memory_space<hbm>> -> memref<2600000x16xf32, #tpu.memory_space<hbm>>
      %dma_start3A_499 = tpu.memref_slice %arg8[%dma_start3A_489] : memref<2x!tpu.dma_semaphore, #tpu.memory_space<semaphore_mem>> -> memref<1x!tpu.dma_semaphore, #tpu.memory_space<semaphore_mem>>
      %dma_start3A_500 = tpu.memref_squeeze %dma_start3A_499 : memref<1x!tpu.dma_semaphore, #tpu.memory_space<semaphore_mem>> -> memref<!tpu.dma_semaphore, #tpu.memory_space<semaphore_mem>>
      tpu.enqueue_indirect_dma source(%dma_start3A_498 : memref<2600000x16xf32, #tpu.memory_space<hbm>>) target(%dma_start3A_492 : memref<128x16xf32, #tpu.memory_space<vmem>>) offsets(%dma_start3A_495 : memref<128xi32, #tpu.memory_space<vmem>>) semaphore(%dma_start3A_500 : memref<!tpu.dma_semaphore, #tpu.memory_space<semaphore_mem>>)
      %dma_start3A_501 = arith.constant 16 : i32
      %dma_start3A_502 = arith.constant 1 : i32
      %dma_start3A_503 = arith.constant 4224 : i32
      %dma_start3A_504 = arith.constant 0 : i32
      %dma_start3A_505 = tpu.memref_slice %arg6[%dma_start3A_503, %dma_start3A_504] : memref<5120x16xf32, #tpu.memory_space<vmem>> -> memref<128x16xf32, #tpu.memory_space<vmem>>
      %dma_start3A_506 = arith.constant 128 : i32
      %dma_start3A_507 = tpu.memref_slice %arg5[%dma_start3A_501, %dma_start3A_506] : memref<20x256xi32, #tpu.memory_space<vmem>> -> memref<1x128xi32, #tpu.memory_space<vmem>>
      %dma_start3A_508 = tpu.memref_squeeze %dma_start3A_507 : memref<1x128xi32, #tpu.memory_space<vmem>> -> memref<128xi32, #tpu.memory_space<vmem>>
      %dma_start3A_509 = arith.constant 0 : i32
      %dma_start3A_510 = arith.constant 0 : i32
      %dma_start3A_511 = tpu.memref_slice %arg2[%dma_start3A_509, %dma_start3A_510] : memref<2600000x16xf32, #tpu.memory_space<hbm>> -> memref<2600000x16xf32, #tpu.memory_space<hbm>>
      %dma_start3A_512 = tpu.memref_slice %arg8[%dma_start3A_502] : memref<2x!tpu.dma_semaphore, #tpu.memory_space<semaphore_mem>> -> memref<1x!tpu.dma_semaphore, #tpu.memory_space<semaphore_mem>>
      %dma_start3A_513 = tpu.memref_squeeze %dma_start3A_512 : memref<1x!tpu.dma_semaphore, #tpu.memory_space<semaphore_mem>> -> memref<!tpu.dma_semaphore, #tpu.memory_space<semaphore_mem>>
      tpu.enqueue_indirect_dma source(%dma_start3A_511 : memref<2600000x16xf32, #tpu.memory_space<hbm>>) target(%dma_start3A_505 : memref<128x16xf32, #tpu.memory_space<vmem>>) offsets(%dma_start3A_508 : memref<128xi32, #tpu.memory_space<vmem>>) semaphore(%dma_start3A_513 : memref<!tpu.dma_semaphore, #tpu.memory_space<semaphore_mem>>)
      %dma_start3A_514 = arith.constant 17 : i32
      %dma_start3A_515 = arith.constant 1 : i32
      %dma_start3A_516 = arith.constant 4480 : i32
      %dma_start3A_517 = arith.constant 0 : i32
      %dma_start3A_518 = tpu.memref_slice %arg6[%dma_start3A_516, %dma_start3A_517] : memref<5120x16xf32, #tpu.memory_space<vmem>> -> memref<128x16xf32, #tpu.memory_space<vmem>>
      %dma_start3A_519 = arith.constant 128 : i32
      %dma_start3A_520 = tpu.memref_slice %arg5[%dma_start3A_514, %dma_start3A_519] : memref<20x256xi32, #tpu.memory_space<vmem>> -> memref<1x128xi32, #tpu.memory_space<vmem>>
      %dma_start3A_521 = tpu.memref_squeeze %dma_start3A_520 : memref<1x128xi32, #tpu.memory_space<vmem>> -> memref<128xi32, #tpu.memory_space<vmem>>
      %dma_start3A_522 = arith.constant 0 : i32
      %dma_start3A_523 = arith.constant 0 : i32
      %dma_start3A_524 = tpu.memref_slice %arg2[%dma_start3A_522, %dma_start3A_523] : memref<2600000x16xf32, #tpu.memory_space<hbm>> -> memref<2600000x16xf32, #tpu.memory_space<hbm>>
      %dma_start3A_525 = tpu.memref_slice %arg8[%dma_start3A_515] : memref<2x!tpu.dma_semaphore, #tpu.memory_space<semaphore_mem>> -> memref<1x!tpu.dma_semaphore, #tpu.memory_space<semaphore_mem>>
      %dma_start3A_526 = tpu.memref_squeeze %dma_start3A_525 : memref<1x!tpu.dma_semaphore, #tpu.memory_space<semaphore_mem>> -> memref<!tpu.dma_semaphore, #tpu.memory_space<semaphore_mem>>
      tpu.enqueue_indirect_dma source(%dma_start3A_524 : memref<2600000x16xf32, #tpu.memory_space<hbm>>) target(%dma_start3A_518 : memref<128x16xf32, #tpu.memory_space<vmem>>) offsets(%dma_start3A_521 : memref<128xi32, #tpu.memory_space<vmem>>) semaphore(%dma_start3A_526 : memref<!tpu.dma_semaphore, #tpu.memory_space<semaphore_mem>>)
      %dma_start3A_527 = arith.constant 18 : i32
      %dma_start3A_528 = arith.constant 1 : i32
      %dma_start3A_529 = arith.constant 4736 : i32
      %dma_start3A_530 = arith.constant 0 : i32
      %dma_start3A_531 = tpu.memref_slice %arg6[%dma_start3A_529, %dma_start3A_530] : memref<5120x16xf32, #tpu.memory_space<vmem>> -> memref<128x16xf32, #tpu.memory_space<vmem>>
      %dma_start3A_532 = arith.constant 128 : i32
      %dma_start3A_533 = tpu.memref_slice %arg5[%dma_start3A_527, %dma_start3A_532] : memref<20x256xi32, #tpu.memory_space<vmem>> -> memref<1x128xi32, #tpu.memory_space<vmem>>
      %dma_start3A_534 = tpu.memref_squeeze %dma_start3A_533 : memref<1x128xi32, #tpu.memory_space<vmem>> -> memref<128xi32, #tpu.memory_space<vmem>>
      %dma_start3A_535 = arith.constant 0 : i32
      %dma_start3A_536 = arith.constant 0 : i32
      %dma_start3A_537 = tpu.memref_slice %arg2[%dma_start3A_535, %dma_start3A_536] : memref<2600000x16xf32, #tpu.memory_space<hbm>> -> memref<2600000x16xf32, #tpu.memory_space<hbm>>
      %dma_start3A_538 = tpu.memref_slice %arg8[%dma_start3A_528] : memref<2x!tpu.dma_semaphore, #tpu.memory_space<semaphore_mem>> -> memref<1x!tpu.dma_semaphore, #tpu.memory_space<semaphore_mem>>
      %dma_start3A_539 = tpu.memref_squeeze %dma_start3A_538 : memref<1x!tpu.dma_semaphore, #tpu.memory_space<semaphore_mem>> -> memref<!tpu.dma_semaphore, #tpu.memory_space<semaphore_mem>>
      tpu.enqueue_indirect_dma source(%dma_start3A_537 : memref<2600000x16xf32, #tpu.memory_space<hbm>>) target(%dma_start3A_531 : memref<128x16xf32, #tpu.memory_space<vmem>>) offsets(%dma_start3A_534 : memref<128xi32, #tpu.memory_space<vmem>>) semaphore(%dma_start3A_539 : memref<!tpu.dma_semaphore, #tpu.memory_space<semaphore_mem>>)
      %dma_start3A_540 = arith.constant 19 : i32
      %dma_start3A_541 = arith.constant 1 : i32
      %dma_start3A_542 = arith.constant 4992 : i32
      %dma_start3A_543 = arith.constant 0 : i32
      %dma_start3A_544 = tpu.memref_slice %arg6[%dma_start3A_542, %dma_start3A_543] : memref<5120x16xf32, #tpu.memory_space<vmem>> -> memref<128x16xf32, #tpu.memory_space<vmem>>
      %dma_start3A_545 = arith.constant 128 : i32
      %dma_start3A_546 = tpu.memref_slice %arg5[%dma_start3A_540, %dma_start3A_545] : memref<20x256xi32, #tpu.memory_space<vmem>> -> memref<1x128xi32, #tpu.memory_space<vmem>>
      %dma_start3A_547 = tpu.memref_squeeze %dma_start3A_546 : memref<1x128xi32, #tpu.memory_space<vmem>> -> memref<128xi32, #tpu.memory_space<vmem>>
      %dma_start3A_548 = arith.constant 0 : i32
      %dma_start3A_549 = arith.constant 0 : i32
      %dma_start3A_550 = tpu.memref_slice %arg2[%dma_start3A_548, %dma_start3A_549] : memref<2600000x16xf32, #tpu.memory_space<hbm>> -> memref<2600000x16xf32, #tpu.memory_space<hbm>>
      %dma_start3A_551 = tpu.memref_slice %arg8[%dma_start3A_541] : memref<2x!tpu.dma_semaphore, #tpu.memory_space<semaphore_mem>> -> memref<1x!tpu.dma_semaphore, #tpu.memory_space<semaphore_mem>>
      %dma_start3A_552 = tpu.memref_squeeze %dma_start3A_551 : memref<1x!tpu.dma_semaphore, #tpu.memory_space<semaphore_mem>> -> memref<!tpu.dma_semaphore, #tpu.memory_space<semaphore_mem>>
      tpu.enqueue_indirect_dma source(%dma_start3A_550 : memref<2600000x16xf32, #tpu.memory_space<hbm>>) target(%dma_start3A_544 : memref<128x16xf32, #tpu.memory_space<vmem>>) offsets(%dma_start3A_547 : memref<128xi32, #tpu.memory_space<vmem>>) semaphore(%dma_start3A_552 : memref<!tpu.dma_semaphore, #tpu.memory_space<semaphore_mem>>)
      %dma_wait3A = arith.constant 0 : i32
      %dma_wait3A_553 = arith.constant 0 : i32
      %dma_wait3A_554 = arith.constant 0 : i32
      %dma_wait3A_555 = arith.constant 0 : i32
      %dma_wait3A_556 = tpu.memref_slice %arg6[%dma_wait3A_554, %dma_wait3A_555] : memref<5120x16xf32, #tpu.memory_space<vmem>> -> memref<128x16xf32, #tpu.memory_space<vmem>>
      %dma_wait3A_557 = arith.constant 0 : i32
      %dma_wait3A_558 = tpu.memref_slice %arg5[%dma_wait3A, %dma_wait3A_557] : memref<20x256xi32, #tpu.memory_space<vmem>> -> memref<1x128xi32, #tpu.memory_space<vmem>>
      %dma_wait3A_559 = tpu.memref_squeeze %dma_wait3A_558 : memref<1x128xi32, #tpu.memory_space<vmem>> -> memref<128xi32, #tpu.memory_space<vmem>>
      %dma_wait3A_560 = arith.constant 0 : i32
      %dma_wait3A_561 = arith.constant 0 : i32
      %dma_wait3A_562 = tpu.memref_slice %arg2[%dma_wait3A_560, %dma_wait3A_561] : memref<2600000x16xf32, #tpu.memory_space<hbm>> -> memref<2600000x16xf32, #tpu.memory_space<hbm>>
      %dma_wait3A_563 = tpu.memref_slice %arg8[%dma_wait3A_553] : memref<2x!tpu.dma_semaphore, #tpu.memory_space<semaphore_mem>> -> memref<1x!tpu.dma_semaphore, #tpu.memory_space<semaphore_mem>>
      %dma_wait3A_564 = tpu.memref_squeeze %dma_wait3A_563 : memref<1x!tpu.dma_semaphore, #tpu.memory_space<semaphore_mem>> -> memref<!tpu.dma_semaphore, #tpu.memory_space<semaphore_mem>>
      tpu.wait_indirect_dma semaphore(%dma_wait3A_564 : memref<!tpu.dma_semaphore, #tpu.memory_space<semaphore_mem>>) src(%dma_wait3A_562 : memref<2600000x16xf32, #tpu.memory_space<hbm>>) dst(%dma_wait3A_556 : memref<128x16xf32, #tpu.memory_space<vmem>>)
      %dma_wait3A_565 = arith.constant 1 : i32
      %dma_wait3A_566 = arith.constant 0 : i32
      %dma_wait3A_567 = arith.constant 256 : i32
      %dma_wait3A_568 = arith.constant 0 : i32
      %dma_wait3A_569 = tpu.memref_slice %arg6[%dma_wait3A_567, %dma_wait3A_568] : memref<5120x16xf32, #tpu.memory_space<vmem>> -> memref<128x16xf32, #tpu.memory_space<vmem>>
      %dma_wait3A_570 = arith.constant 0 : i32
      %dma_wait3A_571 = tpu.memref_slice %arg5[%dma_wait3A_565, %dma_wait3A_570] : memref<20x256xi32, #tpu.memory_space<vmem>> -> memref<1x128xi32, #tpu.memory_space<vmem>>
      %dma_wait3A_572 = tpu.memref_squeeze %dma_wait3A_571 : memref<1x128xi32, #tpu.memory_space<vmem>> -> memref<128xi32, #tpu.memory_space<vmem>>
      %dma_wait3A_573 = arith.constant 0 : i32
      %dma_wait3A_574 = arith.constant 0 : i32
      %dma_wait3A_575 = tpu.memref_slice %arg2[%dma_wait3A_573, %dma_wait3A_574] : memref<2600000x16xf32, #tpu.memory_space<hbm>> -> memref<2600000x16xf32, #tpu.memory_space<hbm>>
      %dma_wait3A_576 = tpu.memref_slice %arg8[%dma_wait3A_566] : memref<2x!tpu.dma_semaphore, #tpu.memory_space<semaphore_mem>> -> memref<1x!tpu.dma_semaphore, #tpu.memory_space<semaphore_mem>>
      %dma_wait3A_577 = tpu.memref_squeeze %dma_wait3A_576 : memref<1x!tpu.dma_semaphore, #tpu.memory_space<semaphore_mem>> -> memref<!tpu.dma_semaphore, #tpu.memory_space<semaphore_mem>>
      tpu.wait_indirect_dma semaphore(%dma_wait3A_577 : memref<!tpu.dma_semaphore, #tpu.memory_space<semaphore_mem>>) src(%dma_wait3A_575 : memref<2600000x16xf32, #tpu.memory_space<hbm>>) dst(%dma_wait3A_569 : memref<128x16xf32, #tpu.memory_space<vmem>>)
      %dma_wait3A_578 = arith.constant 2 : i32
      %dma_wait3A_579 = arith.constant 0 : i32
      %dma_wait3A_580 = arith.constant 512 : i32
      %dma_wait3A_581 = arith.constant 0 : i32
      %dma_wait3A_582 = tpu.memref_slice %arg6[%dma_wait3A_580, %dma_wait3A_581] : memref<5120x16xf32, #tpu.memory_space<vmem>> -> memref<128x16xf32, #tpu.memory_space<vmem>>
      %dma_wait3A_583 = arith.constant 0 : i32
      %dma_wait3A_584 = tpu.memref_slice %arg5[%dma_wait3A_578, %dma_wait3A_583] : memref<20x256xi32, #tpu.memory_space<vmem>> -> memref<1x128xi32, #tpu.memory_space<vmem>>
      %dma_wait3A_585 = tpu.memref_squeeze %dma_wait3A_584 : memref<1x128xi32, #tpu.memory_space<vmem>> -> memref<128xi32, #tpu.memory_space<vmem>>
      %dma_wait3A_586 = arith.constant 0 : i32
      %dma_wait3A_587 = arith.constant 0 : i32
      %dma_wait3A_588 = tpu.memref_slice %arg2[%dma_wait3A_586, %dma_wait3A_587] : memref<2600000x16xf32, #tpu.memory_space<hbm>> -> memref<2600000x16xf32, #tpu.memory_space<hbm>>
      %dma_wait3A_589 = tpu.memref_slice %arg8[%dma_wait3A_579] : memref<2x!tpu.dma_semaphore, #tpu.memory_space<semaphore_mem>> -> memref<1x!tpu.dma_semaphore, #tpu.memory_space<semaphore_mem>>
      %dma_wait3A_590 = tpu.memref_squeeze %dma_wait3A_589 : memref<1x!tpu.dma_semaphore, #tpu.memory_space<semaphore_mem>> -> memref<!tpu.dma_semaphore, #tpu.memory_space<semaphore_mem>>
      tpu.wait_indirect_dma semaphore(%dma_wait3A_590 : memref<!tpu.dma_semaphore, #tpu.memory_space<semaphore_mem>>) src(%dma_wait3A_588 : memref<2600000x16xf32, #tpu.memory_space<hbm>>) dst(%dma_wait3A_582 : memref<128x16xf32, #tpu.memory_space<vmem>>)
      %dma_wait3A_591 = arith.constant 3 : i32
      %dma_wait3A_592 = arith.constant 0 : i32
      %dma_wait3A_593 = arith.constant 768 : i32
      %dma_wait3A_594 = arith.constant 0 : i32
      %dma_wait3A_595 = tpu.memref_slice %arg6[%dma_wait3A_593, %dma_wait3A_594] : memref<5120x16xf32, #tpu.memory_space<vmem>> -> memref<128x16xf32, #tpu.memory_space<vmem>>
      %dma_wait3A_596 = arith.constant 0 : i32
      %dma_wait3A_597 = tpu.memref_slice %arg5[%dma_wait3A_591, %dma_wait3A_596] : memref<20x256xi32, #tpu.memory_space<vmem>> -> memref<1x128xi32, #tpu.memory_space<vmem>>
      %dma_wait3A_598 = tpu.memref_squeeze %dma_wait3A_597 : memref<1x128xi32, #tpu.memory_space<vmem>> -> memref<128xi32, #tpu.memory_space<vmem>>
      %dma_wait3A_599 = arith.constant 0 : i32
      %dma_wait3A_600 = arith.constant 0 : i32
      %dma_wait3A_601 = tpu.memref_slice %arg2[%dma_wait3A_599, %dma_wait3A_600] : memref<2600000x16xf32, #tpu.memory_space<hbm>> -> memref<2600000x16xf32, #tpu.memory_space<hbm>>
      %dma_wait3A_602 = tpu.memref_slice %arg8[%dma_wait3A_592] : memref<2x!tpu.dma_semaphore, #tpu.memory_space<semaphore_mem>> -> memref<1x!tpu.dma_semaphore, #tpu.memory_space<semaphore_mem>>
      %dma_wait3A_603 = tpu.memref_squeeze %dma_wait3A_602 : memref<1x!tpu.dma_semaphore, #tpu.memory_space<semaphore_mem>> -> memref<!tpu.dma_semaphore, #tpu.memory_space<semaphore_mem>>
      tpu.wait_indirect_dma semaphore(%dma_wait3A_603 : memref<!tpu.dma_semaphore, #tpu.memory_space<semaphore_mem>>) src(%dma_wait3A_601 : memref<2600000x16xf32, #tpu.memory_space<hbm>>) dst(%dma_wait3A_595 : memref<128x16xf32, #tpu.memory_space<vmem>>)
      %dma_wait3A_604 = arith.constant 4 : i32
      %dma_wait3A_605 = arith.constant 0 : i32
      %dma_wait3A_606 = arith.constant 1024 : i32
      %dma_wait3A_607 = arith.constant 0 : i32
      %dma_wait3A_608 = tpu.memref_slice %arg6[%dma_wait3A_606, %dma_wait3A_607] : memref<5120x16xf32, #tpu.memory_space<vmem>> -> memref<128x16xf32, #tpu.memory_space<vmem>>
      %dma_wait3A_609 = arith.constant 0 : i32
      %dma_wait3A_610 = tpu.memref_slice %arg5[%dma_wait3A_604, %dma_wait3A_609] : memref<20x256xi32, #tpu.memory_space<vmem>> -> memref<1x128xi32, #tpu.memory_space<vmem>>
      %dma_wait3A_611 = tpu.memref_squeeze %dma_wait3A_610 : memref<1x128xi32, #tpu.memory_space<vmem>> -> memref<128xi32, #tpu.memory_space<vmem>>
      %dma_wait3A_612 = arith.constant 0 : i32
      %dma_wait3A_613 = arith.constant 0 : i32
      %dma_wait3A_614 = tpu.memref_slice %arg2[%dma_wait3A_612, %dma_wait3A_613] : memref<2600000x16xf32, #tpu.memory_space<hbm>> -> memref<2600000x16xf32, #tpu.memory_space<hbm>>
      %dma_wait3A_615 = tpu.memref_slice %arg8[%dma_wait3A_605] : memref<2x!tpu.dma_semaphore, #tpu.memory_space<semaphore_mem>> -> memref<1x!tpu.dma_semaphore, #tpu.memory_space<semaphore_mem>>
      %dma_wait3A_616 = tpu.memref_squeeze %dma_wait3A_615 : memref<1x!tpu.dma_semaphore, #tpu.memory_space<semaphore_mem>> -> memref<!tpu.dma_semaphore, #tpu.memory_space<semaphore_mem>>
      tpu.wait_indirect_dma semaphore(%dma_wait3A_616 : memref<!tpu.dma_semaphore, #tpu.memory_space<semaphore_mem>>) src(%dma_wait3A_614 : memref<2600000x16xf32, #tpu.memory_space<hbm>>) dst(%dma_wait3A_608 : memref<128x16xf32, #tpu.memory_space<vmem>>)
      %dma_wait3A_617 = arith.constant 5 : i32
      %dma_wait3A_618 = arith.constant 0 : i32
      %dma_wait3A_619 = arith.constant 1280 : i32
      %dma_wait3A_620 = arith.constant 0 : i32
      %dma_wait3A_621 = tpu.memref_slice %arg6[%dma_wait3A_619, %dma_wait3A_620] : memref<5120x16xf32, #tpu.memory_space<vmem>> -> memref<128x16xf32, #tpu.memory_space<vmem>>
      %dma_wait3A_622 = arith.constant 0 : i32
      %dma_wait3A_623 = tpu.memref_slice %arg5[%dma_wait3A_617, %dma_wait3A_622] : memref<20x256xi32, #tpu.memory_space<vmem>> -> memref<1x128xi32, #tpu.memory_space<vmem>>
      %dma_wait3A_624 = tpu.memref_squeeze %dma_wait3A_623 : memref<1x128xi32, #tpu.memory_space<vmem>> -> memref<128xi32, #tpu.memory_space<vmem>>
      %dma_wait3A_625 = arith.constant 0 : i32
      %dma_wait3A_626 = arith.constant 0 : i32
      %dma_wait3A_627 = tpu.memref_slice %arg2[%dma_wait3A_625, %dma_wait3A_626] : memref<2600000x16xf32, #tpu.memory_space<hbm>> -> memref<2600000x16xf32, #tpu.memory_space<hbm>>
      %dma_wait3A_628 = tpu.memref_slice %arg8[%dma_wait3A_618] : memref<2x!tpu.dma_semaphore, #tpu.memory_space<semaphore_mem>> -> memref<1x!tpu.dma_semaphore, #tpu.memory_space<semaphore_mem>>
      %dma_wait3A_629 = tpu.memref_squeeze %dma_wait3A_628 : memref<1x!tpu.dma_semaphore, #tpu.memory_space<semaphore_mem>> -> memref<!tpu.dma_semaphore, #tpu.memory_space<semaphore_mem>>
      tpu.wait_indirect_dma semaphore(%dma_wait3A_629 : memref<!tpu.dma_semaphore, #tpu.memory_space<semaphore_mem>>) src(%dma_wait3A_627 : memref<2600000x16xf32, #tpu.memory_space<hbm>>) dst(%dma_wait3A_621 : memref<128x16xf32, #tpu.memory_space<vmem>>)
      %dma_wait3A_630 = arith.constant 6 : i32
      %dma_wait3A_631 = arith.constant 0 : i32
      %dma_wait3A_632 = arith.constant 1536 : i32
      %dma_wait3A_633 = arith.constant 0 : i32
      %dma_wait3A_634 = tpu.memref_slice %arg6[%dma_wait3A_632, %dma_wait3A_633] : memref<5120x16xf32, #tpu.memory_space<vmem>> -> memref<128x16xf32, #tpu.memory_space<vmem>>
      %dma_wait3A_635 = arith.constant 0 : i32
      %dma_wait3A_636 = tpu.memref_slice %arg5[%dma_wait3A_630, %dma_wait3A_635] : memref<20x256xi32, #tpu.memory_space<vmem>> -> memref<1x128xi32, #tpu.memory_space<vmem>>
      %dma_wait3A_637 = tpu.memref_squeeze %dma_wait3A_636 : memref<1x128xi32, #tpu.memory_space<vmem>> -> memref<128xi32, #tpu.memory_space<vmem>>
      %dma_wait3A_638 = arith.constant 0 : i32
      %dma_wait3A_639 = arith.constant 0 : i32
      %dma_wait3A_640 = tpu.memref_slice %arg2[%dma_wait3A_638, %dma_wait3A_639] : memref<2600000x16xf32, #tpu.memory_space<hbm>> -> memref<2600000x16xf32, #tpu.memory_space<hbm>>
      %dma_wait3A_641 = tpu.memref_slice %arg8[%dma_wait3A_631] : memref<2x!tpu.dma_semaphore, #tpu.memory_space<semaphore_mem>> -> memref<1x!tpu.dma_semaphore, #tpu.memory_space<semaphore_mem>>
      %dma_wait3A_642 = tpu.memref_squeeze %dma_wait3A_641 : memref<1x!tpu.dma_semaphore, #tpu.memory_space<semaphore_mem>> -> memref<!tpu.dma_semaphore, #tpu.memory_space<semaphore_mem>>
      tpu.wait_indirect_dma semaphore(%dma_wait3A_642 : memref<!tpu.dma_semaphore, #tpu.memory_space<semaphore_mem>>) src(%dma_wait3A_640 : memref<2600000x16xf32, #tpu.memory_space<hbm>>) dst(%dma_wait3A_634 : memref<128x16xf32, #tpu.memory_space<vmem>>)
      %dma_wait3A_643 = arith.constant 7 : i32
      %dma_wait3A_644 = arith.constant 0 : i32
      %dma_wait3A_645 = arith.constant 1792 : i32
      %dma_wait3A_646 = arith.constant 0 : i32
      %dma_wait3A_647 = tpu.memref_slice %arg6[%dma_wait3A_645, %dma_wait3A_646] : memref<5120x16xf32, #tpu.memory_space<vmem>> -> memref<128x16xf32, #tpu.memory_space<vmem>>
      %dma_wait3A_648 = arith.constant 0 : i32
      %dma_wait3A_649 = tpu.memref_slice %arg5[%dma_wait3A_643, %dma_wait3A_648] : memref<20x256xi32, #tpu.memory_space<vmem>> -> memref<1x128xi32, #tpu.memory_space<vmem>>
      %dma_wait3A_650 = tpu.memref_squeeze %dma_wait3A_649 : memref<1x128xi32, #tpu.memory_space<vmem>> -> memref<128xi32, #tpu.memory_space<vmem>>
      %dma_wait3A_651 = arith.constant 0 : i32
      %dma_wait3A_652 = arith.constant 0 : i32
      %dma_wait3A_653 = tpu.memref_slice %arg2[%dma_wait3A_651, %dma_wait3A_652] : memref<2600000x16xf32, #tpu.memory_space<hbm>> -> memref<2600000x16xf32, #tpu.memory_space<hbm>>
      %dma_wait3A_654 = tpu.memref_slice %arg8[%dma_wait3A_644] : memref<2x!tpu.dma_semaphore, #tpu.memory_space<semaphore_mem>> -> memref<1x!tpu.dma_semaphore, #tpu.memory_space<semaphore_mem>>
      %dma_wait3A_655 = tpu.memref_squeeze %dma_wait3A_654 : memref<1x!tpu.dma_semaphore, #tpu.memory_space<semaphore_mem>> -> memref<!tpu.dma_semaphore, #tpu.memory_space<semaphore_mem>>
      tpu.wait_indirect_dma semaphore(%dma_wait3A_655 : memref<!tpu.dma_semaphore, #tpu.memory_space<semaphore_mem>>) src(%dma_wait3A_653 : memref<2600000x16xf32, #tpu.memory_space<hbm>>) dst(%dma_wait3A_647 : memref<128x16xf32, #tpu.memory_space<vmem>>)
      %dma_wait3A_656 = arith.constant 8 : i32
      %dma_wait3A_657 = arith.constant 0 : i32
      %dma_wait3A_658 = arith.constant 2048 : i32
      %dma_wait3A_659 = arith.constant 0 : i32
      %dma_wait3A_660 = tpu.memref_slice %arg6[%dma_wait3A_658, %dma_wait3A_659] : memref<5120x16xf32, #tpu.memory_space<vmem>> -> memref<128x16xf32, #tpu.memory_space<vmem>>
      %dma_wait3A_661 = arith.constant 0 : i32
      %dma_wait3A_662 = tpu.memref_slice %arg5[%dma_wait3A_656, %dma_wait3A_661] : memref<20x256xi32, #tpu.memory_space<vmem>> -> memref<1x128xi32, #tpu.memory_space<vmem>>
      %dma_wait3A_663 = tpu.memref_squeeze %dma_wait3A_662 : memref<1x128xi32, #tpu.memory_space<vmem>> -> memref<128xi32, #tpu.memory_space<vmem>>
      %dma_wait3A_664 = arith.constant 0 : i32
      %dma_wait3A_665 = arith.constant 0 : i32
      %dma_wait3A_666 = tpu.memref_slice %arg2[%dma_wait3A_664, %dma_wait3A_665] : memref<2600000x16xf32, #tpu.memory_space<hbm>> -> memref<2600000x16xf32, #tpu.memory_space<hbm>>
      %dma_wait3A_667 = tpu.memref_slice %arg8[%dma_wait3A_657] : memref<2x!tpu.dma_semaphore, #tpu.memory_space<semaphore_mem>> -> memref<1x!tpu.dma_semaphore, #tpu.memory_space<semaphore_mem>>
      %dma_wait3A_668 = tpu.memref_squeeze %dma_wait3A_667 : memref<1x!tpu.dma_semaphore, #tpu.memory_space<semaphore_mem>> -> memref<!tpu.dma_semaphore, #tpu.memory_space<semaphore_mem>>
      tpu.wait_indirect_dma semaphore(%dma_wait3A_668 : memref<!tpu.dma_semaphore, #tpu.memory_space<semaphore_mem>>) src(%dma_wait3A_666 : memref<2600000x16xf32, #tpu.memory_space<hbm>>) dst(%dma_wait3A_660 : memref<128x16xf32, #tpu.memory_space<vmem>>)
      %dma_wait3A_669 = arith.constant 9 : i32
      %dma_wait3A_670 = arith.constant 0 : i32
      %dma_wait3A_671 = arith.constant 2304 : i32
      %dma_wait3A_672 = arith.constant 0 : i32
      %dma_wait3A_673 = tpu.memref_slice %arg6[%dma_wait3A_671, %dma_wait3A_672] : memref<5120x16xf32, #tpu.memory_space<vmem>> -> memref<128x16xf32, #tpu.memory_space<vmem>>
      %dma_wait3A_674 = arith.constant 0 : i32
      %dma_wait3A_675 = tpu.memref_slice %arg5[%dma_wait3A_669, %dma_wait3A_674] : memref<20x256xi32, #tpu.memory_space<vmem>> -> memref<1x128xi32, #tpu.memory_space<vmem>>
      %dma_wait3A_676 = tpu.memref_squeeze %dma_wait3A_675 : memref<1x128xi32, #tpu.memory_space<vmem>> -> memref<128xi32, #tpu.memory_space<vmem>>
      %dma_wait3A_677 = arith.constant 0 : i32
      %dma_wait3A_678 = arith.constant 0 : i32
      %dma_wait3A_679 = tpu.memref_slice %arg2[%dma_wait3A_677, %dma_wait3A_678] : memref<2600000x16xf32, #tpu.memory_space<hbm>> -> memref<2600000x16xf32, #tpu.memory_space<hbm>>
      %dma_wait3A_680 = tpu.memref_slice %arg8[%dma_wait3A_670] : memref<2x!tpu.dma_semaphore, #tpu.memory_space<semaphore_mem>> -> memref<1x!tpu.dma_semaphore, #tpu.memory_space<semaphore_mem>>
      %dma_wait3A_681 = tpu.memref_squeeze %dma_wait3A_680 : memref<1x!tpu.dma_semaphore, #tpu.memory_space<semaphore_mem>> -> memref<!tpu.dma_semaphore, #tpu.memory_space<semaphore_mem>>
      tpu.wait_indirect_dma semaphore(%dma_wait3A_681 : memref<!tpu.dma_semaphore, #tpu.memory_space<semaphore_mem>>) src(%dma_wait3A_679 : memref<2600000x16xf32, #tpu.memory_space<hbm>>) dst(%dma_wait3A_673 : memref<128x16xf32, #tpu.memory_space<vmem>>)
      %dma_wait3A_682 = arith.constant 10 : i32
      %dma_wait3A_683 = arith.constant 0 : i32
      %dma_wait3A_684 = arith.constant 2560 : i32
      %dma_wait3A_685 = arith.constant 0 : i32
      %dma_wait3A_686 = tpu.memref_slice %arg6[%dma_wait3A_684, %dma_wait3A_685] : memref<5120x16xf32, #tpu.memory_space<vmem>> -> memref<128x16xf32, #tpu.memory_space<vmem>>
      %dma_wait3A_687 = arith.constant 0 : i32
      %dma_wait3A_688 = tpu.memref_slice %arg5[%dma_wait3A_682, %dma_wait3A_687] : memref<20x256xi32, #tpu.memory_space<vmem>> -> memref<1x128xi32, #tpu.memory_space<vmem>>
      %dma_wait3A_689 = tpu.memref_squeeze %dma_wait3A_688 : memref<1x128xi32, #tpu.memory_space<vmem>> -> memref<128xi32, #tpu.memory_space<vmem>>
      %dma_wait3A_690 = arith.constant 0 : i32
      %dma_wait3A_691 = arith.constant 0 : i32
      %dma_wait3A_692 = tpu.memref_slice %arg2[%dma_wait3A_690, %dma_wait3A_691] : memref<2600000x16xf32, #tpu.memory_space<hbm>> -> memref<2600000x16xf32, #tpu.memory_space<hbm>>
      %dma_wait3A_693 = tpu.memref_slice %arg8[%dma_wait3A_683] : memref<2x!tpu.dma_semaphore, #tpu.memory_space<semaphore_mem>> -> memref<1x!tpu.dma_semaphore, #tpu.memory_space<semaphore_mem>>
      %dma_wait3A_694 = tpu.memref_squeeze %dma_wait3A_693 : memref<1x!tpu.dma_semaphore, #tpu.memory_space<semaphore_mem>> -> memref<!tpu.dma_semaphore, #tpu.memory_space<semaphore_mem>>
      tpu.wait_indirect_dma semaphore(%dma_wait3A_694 : memref<!tpu.dma_semaphore, #tpu.memory_space<semaphore_mem>>) src(%dma_wait3A_692 : memref<2600000x16xf32, #tpu.memory_space<hbm>>) dst(%dma_wait3A_686 : memref<128x16xf32, #tpu.memory_space<vmem>>)
      %dma_wait3A_695 = arith.constant 11 : i32
      %dma_wait3A_696 = arith.constant 0 : i32
      %dma_wait3A_697 = arith.constant 2816 : i32
      %dma_wait3A_698 = arith.constant 0 : i32
      %dma_wait3A_699 = tpu.memref_slice %arg6[%dma_wait3A_697, %dma_wait3A_698] : memref<5120x16xf32, #tpu.memory_space<vmem>> -> memref<128x16xf32, #tpu.memory_space<vmem>>
      %dma_wait3A_700 = arith.constant 0 : i32
      %dma_wait3A_701 = tpu.memref_slice %arg5[%dma_wait3A_695, %dma_wait3A_700] : memref<20x256xi32, #tpu.memory_space<vmem>> -> memref<1x128xi32, #tpu.memory_space<vmem>>
      %dma_wait3A_702 = tpu.memref_squeeze %dma_wait3A_701 : memref<1x128xi32, #tpu.memory_space<vmem>> -> memref<128xi32, #tpu.memory_space<vmem>>
      %dma_wait3A_703 = arith.constant 0 : i32
      %dma_wait3A_704 = arith.constant 0 : i32
      %dma_wait3A_705 = tpu.memref_slice %arg2[%dma_wait3A_703, %dma_wait3A_704] : memref<2600000x16xf32, #tpu.memory_space<hbm>> -> memref<2600000x16xf32, #tpu.memory_space<hbm>>
      %dma_wait3A_706 = tpu.memref_slice %arg8[%dma_wait3A_696] : memref<2x!tpu.dma_semaphore, #tpu.memory_space<semaphore_mem>> -> memref<1x!tpu.dma_semaphore, #tpu.memory_space<semaphore_mem>>
      %dma_wait3A_707 = tpu.memref_squeeze %dma_wait3A_706 : memref<1x!tpu.dma_semaphore, #tpu.memory_space<semaphore_mem>> -> memref<!tpu.dma_semaphore, #tpu.memory_space<semaphore_mem>>
      tpu.wait_indirect_dma semaphore(%dma_wait3A_707 : memref<!tpu.dma_semaphore, #tpu.memory_space<semaphore_mem>>) src(%dma_wait3A_705 : memref<2600000x16xf32, #tpu.memory_space<hbm>>) dst(%dma_wait3A_699 : memref<128x16xf32, #tpu.memory_space<vmem>>)
      %dma_wait3A_708 = arith.constant 12 : i32
      %dma_wait3A_709 = arith.constant 0 : i32
      %dma_wait3A_710 = arith.constant 3072 : i32
      %dma_wait3A_711 = arith.constant 0 : i32
      %dma_wait3A_712 = tpu.memref_slice %arg6[%dma_wait3A_710, %dma_wait3A_711] : memref<5120x16xf32, #tpu.memory_space<vmem>> -> memref<128x16xf32, #tpu.memory_space<vmem>>
      %dma_wait3A_713 = arith.constant 0 : i32
      %dma_wait3A_714 = tpu.memref_slice %arg5[%dma_wait3A_708, %dma_wait3A_713] : memref<20x256xi32, #tpu.memory_space<vmem>> -> memref<1x128xi32, #tpu.memory_space<vmem>>
      %dma_wait3A_715 = tpu.memref_squeeze %dma_wait3A_714 : memref<1x128xi32, #tpu.memory_space<vmem>> -> memref<128xi32, #tpu.memory_space<vmem>>
      %dma_wait3A_716 = arith.constant 0 : i32
      %dma_wait3A_717 = arith.constant 0 : i32
      %dma_wait3A_718 = tpu.memref_slice %arg2[%dma_wait3A_716, %dma_wait3A_717] : memref<2600000x16xf32, #tpu.memory_space<hbm>> -> memref<2600000x16xf32, #tpu.memory_space<hbm>>
      %dma_wait3A_719 = tpu.memref_slice %arg8[%dma_wait3A_709] : memref<2x!tpu.dma_semaphore, #tpu.memory_space<semaphore_mem>> -> memref<1x!tpu.dma_semaphore, #tpu.memory_space<semaphore_mem>>
      %dma_wait3A_720 = tpu.memref_squeeze %dma_wait3A_719 : memref<1x!tpu.dma_semaphore, #tpu.memory_space<semaphore_mem>> -> memref<!tpu.dma_semaphore, #tpu.memory_space<semaphore_mem>>
      tpu.wait_indirect_dma semaphore(%dma_wait3A_720 : memref<!tpu.dma_semaphore, #tpu.memory_space<semaphore_mem>>) src(%dma_wait3A_718 : memref<2600000x16xf32, #tpu.memory_space<hbm>>) dst(%dma_wait3A_712 : memref<128x16xf32, #tpu.memory_space<vmem>>)
      %dma_wait3A_721 = arith.constant 13 : i32
      %dma_wait3A_722 = arith.constant 0 : i32
      %dma_wait3A_723 = arith.constant 3328 : i32
      %dma_wait3A_724 = arith.constant 0 : i32
      %dma_wait3A_725 = tpu.memref_slice %arg6[%dma_wait3A_723, %dma_wait3A_724] : memref<5120x16xf32, #tpu.memory_space<vmem>> -> memref<128x16xf32, #tpu.memory_space<vmem>>
      %dma_wait3A_726 = arith.constant 0 : i32
      %dma_wait3A_727 = tpu.memref_slice %arg5[%dma_wait3A_721, %dma_wait3A_726] : memref<20x256xi32, #tpu.memory_space<vmem>> -> memref<1x128xi32, #tpu.memory_space<vmem>>
      %dma_wait3A_728 = tpu.memref_squeeze %dma_wait3A_727 : memref<1x128xi32, #tpu.memory_space<vmem>> -> memref<128xi32, #tpu.memory_space<vmem>>
      %dma_wait3A_729 = arith.constant 0 : i32
      %dma_wait3A_730 = arith.constant 0 : i32
      %dma_wait3A_731 = tpu.memref_slice %arg2[%dma_wait3A_729, %dma_wait3A_730] : memref<2600000x16xf32, #tpu.memory_space<hbm>> -> memref<2600000x16xf32, #tpu.memory_space<hbm>>
      %dma_wait3A_732 = tpu.memref_slice %arg8[%dma_wait3A_722] : memref<2x!tpu.dma_semaphore, #tpu.memory_space<semaphore_mem>> -> memref<1x!tpu.dma_semaphore, #tpu.memory_space<semaphore_mem>>
      %dma_wait3A_733 = tpu.memref_squeeze %dma_wait3A_732 : memref<1x!tpu.dma_semaphore, #tpu.memory_space<semaphore_mem>> -> memref<!tpu.dma_semaphore, #tpu.memory_space<semaphore_mem>>
      tpu.wait_indirect_dma semaphore(%dma_wait3A_733 : memref<!tpu.dma_semaphore, #tpu.memory_space<semaphore_mem>>) src(%dma_wait3A_731 : memref<2600000x16xf32, #tpu.memory_space<hbm>>) dst(%dma_wait3A_725 : memref<128x16xf32, #tpu.memory_space<vmem>>)
      %dma_wait3A_734 = arith.constant 14 : i32
      %dma_wait3A_735 = arith.constant 0 : i32
      %dma_wait3A_736 = arith.constant 3584 : i32
      %dma_wait3A_737 = arith.constant 0 : i32
      %dma_wait3A_738 = tpu.memref_slice %arg6[%dma_wait3A_736, %dma_wait3A_737] : memref<5120x16xf32, #tpu.memory_space<vmem>> -> memref<128x16xf32, #tpu.memory_space<vmem>>
      %dma_wait3A_739 = arith.constant 0 : i32
      %dma_wait3A_740 = tpu.memref_slice %arg5[%dma_wait3A_734, %dma_wait3A_739] : memref<20x256xi32, #tpu.memory_space<vmem>> -> memref<1x128xi32, #tpu.memory_space<vmem>>
      %dma_wait3A_741 = tpu.memref_squeeze %dma_wait3A_740 : memref<1x128xi32, #tpu.memory_space<vmem>> -> memref<128xi32, #tpu.memory_space<vmem>>
      %dma_wait3A_742 = arith.constant 0 : i32
      %dma_wait3A_743 = arith.constant 0 : i32
      %dma_wait3A_744 = tpu.memref_slice %arg2[%dma_wait3A_742, %dma_wait3A_743] : memref<2600000x16xf32, #tpu.memory_space<hbm>> -> memref<2600000x16xf32, #tpu.memory_space<hbm>>
      %dma_wait3A_745 = tpu.memref_slice %arg8[%dma_wait3A_735] : memref<2x!tpu.dma_semaphore, #tpu.memory_space<semaphore_mem>> -> memref<1x!tpu.dma_semaphore, #tpu.memory_space<semaphore_mem>>
      %dma_wait3A_746 = tpu.memref_squeeze %dma_wait3A_745 : memref<1x!tpu.dma_semaphore, #tpu.memory_space<semaphore_mem>> -> memref<!tpu.dma_semaphore, #tpu.memory_space<semaphore_mem>>
      tpu.wait_indirect_dma semaphore(%dma_wait3A_746 : memref<!tpu.dma_semaphore, #tpu.memory_space<semaphore_mem>>) src(%dma_wait3A_744 : memref<2600000x16xf32, #tpu.memory_space<hbm>>) dst(%dma_wait3A_738 : memref<128x16xf32, #tpu.memory_space<vmem>>)
      %dma_wait3A_747 = arith.constant 15 : i32
      %dma_wait3A_748 = arith.constant 0 : i32
      %dma_wait3A_749 = arith.constant 3840 : i32
      %dma_wait3A_750 = arith.constant 0 : i32
      %dma_wait3A_751 = tpu.memref_slice %arg6[%dma_wait3A_749, %dma_wait3A_750] : memref<5120x16xf32, #tpu.memory_space<vmem>> -> memref<128x16xf32, #tpu.memory_space<vmem>>
      %dma_wait3A_752 = arith.constant 0 : i32
      %dma_wait3A_753 = tpu.memref_slice %arg5[%dma_wait3A_747, %dma_wait3A_752] : memref<20x256xi32, #tpu.memory_space<vmem>> -> memref<1x128xi32, #tpu.memory_space<vmem>>
      %dma_wait3A_754 = tpu.memref_squeeze %dma_wait3A_753 : memref<1x128xi32, #tpu.memory_space<vmem>> -> memref<128xi32, #tpu.memory_space<vmem>>
      %dma_wait3A_755 = arith.constant 0 : i32
      %dma_wait3A_756 = arith.constant 0 : i32
      %dma_wait3A_757 = tpu.memref_slice %arg2[%dma_wait3A_755, %dma_wait3A_756] : memref<2600000x16xf32, #tpu.memory_space<hbm>> -> memref<2600000x16xf32, #tpu.memory_space<hbm>>
      %dma_wait3A_758 = tpu.memref_slice %arg8[%dma_wait3A_748] : memref<2x!tpu.dma_semaphore, #tpu.memory_space<semaphore_mem>> -> memref<1x!tpu.dma_semaphore, #tpu.memory_space<semaphore_mem>>
      %dma_wait3A_759 = tpu.memref_squeeze %dma_wait3A_758 : memref<1x!tpu.dma_semaphore, #tpu.memory_space<semaphore_mem>> -> memref<!tpu.dma_semaphore, #tpu.memory_space<semaphore_mem>>
      tpu.wait_indirect_dma semaphore(%dma_wait3A_759 : memref<!tpu.dma_semaphore, #tpu.memory_space<semaphore_mem>>) src(%dma_wait3A_757 : memref<2600000x16xf32, #tpu.memory_space<hbm>>) dst(%dma_wait3A_751 : memref<128x16xf32, #tpu.memory_space<vmem>>)
      %dma_wait3A_760 = arith.constant 16 : i32
      %dma_wait3A_761 = arith.constant 0 : i32
      %dma_wait3A_762 = arith.constant 4096 : i32
      %dma_wait3A_763 = arith.constant 0 : i32
      %dma_wait3A_764 = tpu.memref_slice %arg6[%dma_wait3A_762, %dma_wait3A_763] : memref<5120x16xf32, #tpu.memory_space<vmem>> -> memref<128x16xf32, #tpu.memory_space<vmem>>
      %dma_wait3A_765 = arith.constant 0 : i32
      %dma_wait3A_766 = tpu.memref_slice %arg5[%dma_wait3A_760, %dma_wait3A_765] : memref<20x256xi32, #tpu.memory_space<vmem>> -> memref<1x128xi32, #tpu.memory_space<vmem>>
      %dma_wait3A_767 = tpu.memref_squeeze %dma_wait3A_766 : memref<1x128xi32, #tpu.memory_space<vmem>> -> memref<128xi32, #tpu.memory_space<vmem>>
      %dma_wait3A_768 = arith.constant 0 : i32
      %dma_wait3A_769 = arith.constant 0 : i32
      %dma_wait3A_770 = tpu.memref_slice %arg2[%dma_wait3A_768, %dma_wait3A_769] : memref<2600000x16xf32, #tpu.memory_space<hbm>> -> memref<2600000x16xf32, #tpu.memory_space<hbm>>
      %dma_wait3A_771 = tpu.memref_slice %arg8[%dma_wait3A_761] : memref<2x!tpu.dma_semaphore, #tpu.memory_space<semaphore_mem>> -> memref<1x!tpu.dma_semaphore, #tpu.memory_space<semaphore_mem>>
      %dma_wait3A_772 = tpu.memref_squeeze %dma_wait3A_771 : memref<1x!tpu.dma_semaphore, #tpu.memory_space<semaphore_mem>> -> memref<!tpu.dma_semaphore, #tpu.memory_space<semaphore_mem>>
      tpu.wait_indirect_dma semaphore(%dma_wait3A_772 : memref<!tpu.dma_semaphore, #tpu.memory_space<semaphore_mem>>) src(%dma_wait3A_770 : memref<2600000x16xf32, #tpu.memory_space<hbm>>) dst(%dma_wait3A_764 : memref<128x16xf32, #tpu.memory_space<vmem>>)
      %dma_wait3A_773 = arith.constant 17 : i32
      %dma_wait3A_774 = arith.constant 0 : i32
      %dma_wait3A_775 = arith.constant 4352 : i32
      %dma_wait3A_776 = arith.constant 0 : i32
      %dma_wait3A_777 = tpu.memref_slice %arg6[%dma_wait3A_775, %dma_wait3A_776] : memref<5120x16xf32, #tpu.memory_space<vmem>> -> memref<128x16xf32, #tpu.memory_space<vmem>>
      %dma_wait3A_778 = arith.constant 0 : i32
      %dma_wait3A_779 = tpu.memref_slice %arg5[%dma_wait3A_773, %dma_wait3A_778] : memref<20x256xi32, #tpu.memory_space<vmem>> -> memref<1x128xi32, #tpu.memory_space<vmem>>
      %dma_wait3A_780 = tpu.memref_squeeze %dma_wait3A_779 : memref<1x128xi32, #tpu.memory_space<vmem>> -> memref<128xi32, #tpu.memory_space<vmem>>
      %dma_wait3A_781 = arith.constant 0 : i32
      %dma_wait3A_782 = arith.constant 0 : i32
      %dma_wait3A_783 = tpu.memref_slice %arg2[%dma_wait3A_781, %dma_wait3A_782] : memref<2600000x16xf32, #tpu.memory_space<hbm>> -> memref<2600000x16xf32, #tpu.memory_space<hbm>>
      %dma_wait3A_784 = tpu.memref_slice %arg8[%dma_wait3A_774] : memref<2x!tpu.dma_semaphore, #tpu.memory_space<semaphore_mem>> -> memref<1x!tpu.dma_semaphore, #tpu.memory_space<semaphore_mem>>
      %dma_wait3A_785 = tpu.memref_squeeze %dma_wait3A_784 : memref<1x!tpu.dma_semaphore, #tpu.memory_space<semaphore_mem>> -> memref<!tpu.dma_semaphore, #tpu.memory_space<semaphore_mem>>
      tpu.wait_indirect_dma semaphore(%dma_wait3A_785 : memref<!tpu.dma_semaphore, #tpu.memory_space<semaphore_mem>>) src(%dma_wait3A_783 : memref<2600000x16xf32, #tpu.memory_space<hbm>>) dst(%dma_wait3A_777 : memref<128x16xf32, #tpu.memory_space<vmem>>)
      %dma_wait3A_786 = arith.constant 18 : i32
      %dma_wait3A_787 = arith.constant 0 : i32
      %dma_wait3A_788 = arith.constant 4608 : i32
      %dma_wait3A_789 = arith.constant 0 : i32
      %dma_wait3A_790 = tpu.memref_slice %arg6[%dma_wait3A_788, %dma_wait3A_789] : memref<5120x16xf32, #tpu.memory_space<vmem>> -> memref<128x16xf32, #tpu.memory_space<vmem>>
      %dma_wait3A_791 = arith.constant 0 : i32
      %dma_wait3A_792 = tpu.memref_slice %arg5[%dma_wait3A_786, %dma_wait3A_791] : memref<20x256xi32, #tpu.memory_space<vmem>> -> memref<1x128xi32, #tpu.memory_space<vmem>>
      %dma_wait3A_793 = tpu.memref_squeeze %dma_wait3A_792 : memref<1x128xi32, #tpu.memory_space<vmem>> -> memref<128xi32, #tpu.memory_space<vmem>>
      %dma_wait3A_794 = arith.constant 0 : i32
      %dma_wait3A_795 = arith.constant 0 : i32
      %dma_wait3A_796 = tpu.memref_slice %arg2[%dma_wait3A_794, %dma_wait3A_795] : memref<2600000x16xf32, #tpu.memory_space<hbm>> -> memref<2600000x16xf32, #tpu.memory_space<hbm>>
      %dma_wait3A_797 = tpu.memref_slice %arg8[%dma_wait3A_787] : memref<2x!tpu.dma_semaphore, #tpu.memory_space<semaphore_mem>> -> memref<1x!tpu.dma_semaphore, #tpu.memory_space<semaphore_mem>>
      %dma_wait3A_798 = tpu.memref_squeeze %dma_wait3A_797 : memref<1x!tpu.dma_semaphore, #tpu.memory_space<semaphore_mem>> -> memref<!tpu.dma_semaphore, #tpu.memory_space<semaphore_mem>>
      tpu.wait_indirect_dma semaphore(%dma_wait3A_798 : memref<!tpu.dma_semaphore, #tpu.memory_space<semaphore_mem>>) src(%dma_wait3A_796 : memref<2600000x16xf32, #tpu.memory_space<hbm>>) dst(%dma_wait3A_790 : memref<128x16xf32, #tpu.memory_space<vmem>>)
      %dma_wait3A_799 = arith.constant 19 : i32
      %dma_wait3A_800 = arith.constant 0 : i32
      %dma_wait3A_801 = arith.constant 4864 : i32
      %dma_wait3A_802 = arith.constant 0 : i32
      %dma_wait3A_803 = tpu.memref_slice %arg6[%dma_wait3A_801, %dma_wait3A_802] : memref<5120x16xf32, #tpu.memory_space<vmem>> -> memref<128x16xf32, #tpu.memory_space<vmem>>
      %dma_wait3A_804 = arith.constant 0 : i32
      %dma_wait3A_805 = tpu.memref_slice %arg5[%dma_wait3A_799, %dma_wait3A_804] : memref<20x256xi32, #tpu.memory_space<vmem>> -> memref<1x128xi32, #tpu.memory_space<vmem>>
      %dma_wait3A_806 = tpu.memref_squeeze %dma_wait3A_805 : memref<1x128xi32, #tpu.memory_space<vmem>> -> memref<128xi32, #tpu.memory_space<vmem>>
      %dma_wait3A_807 = arith.constant 0 : i32
      %dma_wait3A_808 = arith.constant 0 : i32
      %dma_wait3A_809 = tpu.memref_slice %arg2[%dma_wait3A_807, %dma_wait3A_808] : memref<2600000x16xf32, #tpu.memory_space<hbm>> -> memref<2600000x16xf32, #tpu.memory_space<hbm>>
      %dma_wait3A_810 = tpu.memref_slice %arg8[%dma_wait3A_800] : memref<2x!tpu.dma_semaphore, #tpu.memory_space<semaphore_mem>> -> memref<1x!tpu.dma_semaphore, #tpu.memory_space<semaphore_mem>>
      %dma_wait3A_811 = tpu.memref_squeeze %dma_wait3A_810 : memref<1x!tpu.dma_semaphore, #tpu.memory_space<semaphore_mem>> -> memref<!tpu.dma_semaphore, #tpu.memory_space<semaphore_mem>>
      tpu.wait_indirect_dma semaphore(%dma_wait3A_811 : memref<!tpu.dma_semaphore, #tpu.memory_space<semaphore_mem>>) src(%dma_wait3A_809 : memref<2600000x16xf32, #tpu.memory_space<hbm>>) dst(%dma_wait3A_803 : memref<128x16xf32, #tpu.memory_space<vmem>>)
      %scan3A_812 = arith.constant 0 : i32
      %scan3A_813 = arith.constant 128 : i32
      %scan3A_814 = arith.addi %scan3A_812, %scan3A_813 : i32
      %scan3A_815 = arith.constant 1 : i32
      scf.for %scan3A_1084 = %scan3A_812 to %scan3A_814 step %scan3A_815  : i32 {
        %mul3A_1085 = arith.constant 1 : i32
        %mul3A_1086 = arith.muli %scan3A_1084, %mul3A_1085 : i32
        %add3A_1087 = arith.constant 0 : i32
        %add3A_1088 = arith.addi %add3A_1087, %mul3A_1086 : i32
        %add3A_1089 = arith.constant 0 : i32
        %add3A_1090 = arith.addi %add3A_1089, %add3A_1088 : i32
        %get3A = arith.index_cast %add3A_1090 : i32 to index
        %get3A_1091 = arith.constant 0 : index
        %get3A_1092 = tpu.vector_load %arg6[%get3A, %get3A_1091] {strides = array<i32>} : memref<5120x16xf32, #tpu.memory_space<vmem>>, vector<1x16xf32>,
        %get3A_1093 = vector.shape_cast %get3A_1092 : vector<1x16xf32> to vector<16xf32>
        %add3A_1094 = arith.constant 256 : i32
        %add3A_1095 = arith.addi %add3A_1094, %add3A_1090 : i32
        %get3A_1096 = arith.index_cast %add3A_1095 : i32 to index
        %get3A_1097 = arith.constant 0 : index
        %get3A_1098 = tpu.vector_load %arg6[%get3A_1096, %get3A_1097] {strides = array<i32>} : memref<5120x16xf32, #tpu.memory_space<vmem>>, vector<1x16xf32>,
        %get3A_1099 = vector.shape_cast %get3A_1098 : vector<1x16xf32> to vector<16xf32>
        %add3A_1100 = arith.addf %get3A_1093, %get3A_1099 : vector<16xf32>
        %add3A_1101 = arith.constant 512 : i32
        %add3A_1102 = arith.addi %add3A_1101, %add3A_1090 : i32
        %get3A_1103 = arith.index_cast %add3A_1102 : i32 to index
        %get3A_1104 = arith.constant 0 : index
        %get3A_1105 = tpu.vector_load %arg6[%get3A_1103, %get3A_1104] {strides = array<i32>} : memref<5120x16xf32, #tpu.memory_space<vmem>>, vector<1x16xf32>,
        %get3A_1106 = vector.shape_cast %get3A_1105 : vector<1x16xf32> to vector<16xf32>
        %add3A_1107 = arith.addf %add3A_1100, %get3A_1106 : vector<16xf32>
        %add3A_1108 = arith.constant 768 : i32
        %add3A_1109 = arith.addi %add3A_1108, %add3A_1090 : i32
        %get3A_1110 = arith.index_cast %add3A_1109 : i32 to index
        %get3A_1111 = arith.constant 0 : index
        %get3A_1112 = tpu.vector_load %arg6[%get3A_1110, %get3A_1111] {strides = array<i32>} : memref<5120x16xf32, #tpu.memory_space<vmem>>, vector<1x16xf32>,
        %get3A_1113 = vector.shape_cast %get3A_1112 : vector<1x16xf32> to vector<16xf32>
        %add3A_1114 = arith.addf %add3A_1107, %get3A_1113 : vector<16xf32>
        %add3A_1115 = arith.constant 1024 : i32
        %add3A_1116 = arith.addi %add3A_1115, %add3A_1090 : i32
        %get3A_1117 = arith.index_cast %add3A_1116 : i32 to index
        %get3A_1118 = arith.constant 0 : index
        %get3A_1119 = tpu.vector_load %arg6[%get3A_1117, %get3A_1118] {strides = array<i32>} : memref<5120x16xf32, #tpu.memory_space<vmem>>, vector<1x16xf32>,
        %get3A_1120 = vector.shape_cast %get3A_1119 : vector<1x16xf32> to vector<16xf32>
        %add3A_1121 = arith.addf %add3A_1114, %get3A_1120 : vector<16xf32>
        %add3A_1122 = arith.constant 1280 : i32
        %add3A_1123 = arith.addi %add3A_1122, %add3A_1090 : i32
        %get3A_1124 = arith.index_cast %add3A_1123 : i32 to index
        %get3A_1125 = arith.constant 0 : index
        %get3A_1126 = tpu.vector_load %arg6[%get3A_1124, %get3A_1125] {strides = array<i32>} : memref<5120x16xf32, #tpu.memory_space<vmem>>, vector<1x16xf32>,
        %get3A_1127 = vector.shape_cast %get3A_1126 : vector<1x16xf32> to vector<16xf32>
        %add3A_1128 = arith.addf %add3A_1121, %get3A_1127 : vector<16xf32>
        %add3A_1129 = arith.constant 1536 : i32
        %add3A_1130 = arith.addi %add3A_1129, %add3A_1090 : i32
        %get3A_1131 = arith.index_cast %add3A_1130 : i32 to index
        %get3A_1132 = arith.constant 0 : index
        %get3A_1133 = tpu.vector_load %arg6[%get3A_1131, %get3A_1132] {strides = array<i32>} : memref<5120x16xf32, #tpu.memory_space<vmem>>, vector<1x16xf32>,
        %get3A_1134 = vector.shape_cast %get3A_1133 : vector<1x16xf32> to vector<16xf32>
        %add3A_1135 = arith.addf %add3A_1128, %get3A_1134 : vector<16xf32>
        %add3A_1136 = arith.constant 1792 : i32
        %add3A_1137 = arith.addi %add3A_1136, %add3A_1090 : i32
        %get3A_1138 = arith.index_cast %add3A_1137 : i32 to index
        %get3A_1139 = arith.constant 0 : index
        %get3A_1140 = tpu.vector_load %arg6[%get3A_1138, %get3A_1139] {strides = array<i32>} : memref<5120x16xf32, #tpu.memory_space<vmem>>, vector<1x16xf32>,
        %get3A_1141 = vector.shape_cast %get3A_1140 : vector<1x16xf32> to vector<16xf32>
        %add3A_1142 = arith.addf %add3A_1135, %get3A_1141 : vector<16xf32>
        %add3A_1143 = arith.constant 2048 : i32
        %add3A_1144 = arith.addi %add3A_1143, %add3A_1090 : i32
        %get3A_1145 = arith.index_cast %add3A_1144 : i32 to index
        %get3A_1146 = arith.constant 0 : index
        %get3A_1147 = tpu.vector_load %arg6[%get3A_1145, %get3A_1146] {strides = array<i32>} : memref<5120x16xf32, #tpu.memory_space<vmem>>, vector<1x16xf32>,
        %get3A_1148 = vector.shape_cast %get3A_1147 : vector<1x16xf32> to vector<16xf32>
        %add3A_1149 = arith.addf %add3A_1142, %get3A_1148 : vector<16xf32>
        %add3A_1150 = arith.constant 2304 : i32
        %add3A_1151 = arith.addi %add3A_1150, %add3A_1090 : i32
        %get3A_1152 = arith.index_cast %add3A_1151 : i32 to index
        %get3A_1153 = arith.constant 0 : index
        %get3A_1154 = tpu.vector_load %arg6[%get3A_1152, %get3A_1153] {strides = array<i32>} : memref<5120x16xf32, #tpu.memory_space<vmem>>, vector<1x16xf32>,
        %get3A_1155 = vector.shape_cast %get3A_1154 : vector<1x16xf32> to vector<16xf32>
        %add3A_1156 = arith.addf %add3A_1149, %get3A_1155 : vector<16xf32>
        %add3A_1157 = arith.constant 2560 : i32
        %add3A_1158 = arith.addi %add3A_1157, %add3A_1090 : i32
        %get3A_1159 = arith.index_cast %add3A_1158 : i32 to index
        %get3A_1160 = arith.constant 0 : index
        %get3A_1161 = tpu.vector_load %arg6[%get3A_1159, %get3A_1160] {strides = array<i32>} : memref<5120x16xf32, #tpu.memory_space<vmem>>, vector<1x16xf32>,
        %get3A_1162 = vector.shape_cast %get3A_1161 : vector<1x16xf32> to vector<16xf32>
        %add3A_1163 = arith.addf %add3A_1156, %get3A_1162 : vector<16xf32>
        %add3A_1164 = arith.constant 2816 : i32
        %add3A_1165 = arith.addi %add3A_1164, %add3A_1090 : i32
        %get3A_1166 = arith.index_cast %add3A_1165 : i32 to index
        %get3A_1167 = arith.constant 0 : index
        %get3A_1168 = tpu.vector_load %arg6[%get3A_1166, %get3A_1167] {strides = array<i32>} : memref<5120x16xf32, #tpu.memory_space<vmem>>, vector<1x16xf32>,
        %get3A_1169 = vector.shape_cast %get3A_1168 : vector<1x16xf32> to vector<16xf32>
        %add3A_1170 = arith.addf %add3A_1163, %get3A_1169 : vector<16xf32>
        %add3A_1171 = arith.constant 3072 : i32
        %add3A_1172 = arith.addi %add3A_1171, %add3A_1090 : i32
        %get3A_1173 = arith.index_cast %add3A_1172 : i32 to index
        %get3A_1174 = arith.constant 0 : index
        %get3A_1175 = tpu.vector_load %arg6[%get3A_1173, %get3A_1174] {strides = array<i32>} : memref<5120x16xf32, #tpu.memory_space<vmem>>, vector<1x16xf32>,
        %get3A_1176 = vector.shape_cast %get3A_1175 : vector<1x16xf32> to vector<16xf32>
        %add3A_1177 = arith.addf %add3A_1170, %get3A_1176 : vector<16xf32>
        %add3A_1178 = arith.constant 3328 : i32
        %add3A_1179 = arith.addi %add3A_1178, %add3A_1090 : i32
        %get3A_1180 = arith.index_cast %add3A_1179 : i32 to index
        %get3A_1181 = arith.constant 0 : index
        %get3A_1182 = tpu.vector_load %arg6[%get3A_1180, %get3A_1181] {strides = array<i32>} : memref<5120x16xf32, #tpu.memory_space<vmem>>, vector<1x16xf32>,
        %get3A_1183 = vector.shape_cast %get3A_1182 : vector<1x16xf32> to vector<16xf32>
        %add3A_1184 = arith.addf %add3A_1177, %get3A_1183 : vector<16xf32>
        %add3A_1185 = arith.constant 3584 : i32
        %add3A_1186 = arith.addi %add3A_1185, %add3A_1090 : i32
        %get3A_1187 = arith.index_cast %add3A_1186 : i32 to index
        %get3A_1188 = arith.constant 0 : index
        %get3A_1189 = tpu.vector_load %arg6[%get3A_1187, %get3A_1188] {strides = array<i32>} : memref<5120x16xf32, #tpu.memory_space<vmem>>, vector<1x16xf32>,
        %get3A_1190 = vector.shape_cast %get3A_1189 : vector<1x16xf32> to vector<16xf32>
        %add3A_1191 = arith.addf %add3A_1184, %get3A_1190 : vector<16xf32>
        %add3A_1192 = arith.constant 3840 : i32
        %add3A_1193 = arith.addi %add3A_1192, %add3A_1090 : i32
        %get3A_1194 = arith.index_cast %add3A_1193 : i32 to index
        %get3A_1195 = arith.constant 0 : index
        %get3A_1196 = tpu.vector_load %arg6[%get3A_1194, %get3A_1195] {strides = array<i32>} : memref<5120x16xf32, #tpu.memory_space<vmem>>, vector<1x16xf32>,
        %get3A_1197 = vector.shape_cast %get3A_1196 : vector<1x16xf32> to vector<16xf32>
        %add3A_1198 = arith.addf %add3A_1191, %get3A_1197 : vector<16xf32>
        %add3A_1199 = arith.constant 4096 : i32
        %add3A_1200 = arith.addi %add3A_1199, %add3A_1090 : i32
        %get3A_1201 = arith.index_cast %add3A_1200 : i32 to index
        %get3A_1202 = arith.constant 0 : index
        %get3A_1203 = tpu.vector_load %arg6[%get3A_1201, %get3A_1202] {strides = array<i32>} : memref<5120x16xf32, #tpu.memory_space<vmem>>, vector<1x16xf32>,
        %get3A_1204 = vector.shape_cast %get3A_1203 : vector<1x16xf32> to vector<16xf32>
        %add3A_1205 = arith.addf %add3A_1198, %get3A_1204 : vector<16xf32>
        %add3A_1206 = arith.constant 4352 : i32
        %add3A_1207 = arith.addi %add3A_1206, %add3A_1090 : i32
        %get3A_1208 = arith.index_cast %add3A_1207 : i32 to index
        %get3A_1209 = arith.constant 0 : index
        %get3A_1210 = tpu.vector_load %arg6[%get3A_1208, %get3A_1209] {strides = array<i32>} : memref<5120x16xf32, #tpu.memory_space<vmem>>, vector<1x16xf32>,
        %get3A_1211 = vector.shape_cast %get3A_1210 : vector<1x16xf32> to vector<16xf32>
        %add3A_1212 = arith.addf %add3A_1205, %get3A_1211 : vector<16xf32>
        %add3A_1213 = arith.constant 4608 : i32
        %add3A_1214 = arith.addi %add3A_1213, %add3A_1090 : i32
        %get3A_1215 = arith.index_cast %add3A_1214 : i32 to index
        %get3A_1216 = arith.constant 0 : index
        %get3A_1217 = tpu.vector_load %arg6[%get3A_1215, %get3A_1216] {strides = array<i32>} : memref<5120x16xf32, #tpu.memory_space<vmem>>, vector<1x16xf32>,
        %get3A_1218 = vector.shape_cast %get3A_1217 : vector<1x16xf32> to vector<16xf32>
        %add3A_1219 = arith.addf %add3A_1212, %get3A_1218 : vector<16xf32>
        %add3A_1220 = arith.constant 4864 : i32
        %add3A_1221 = arith.addi %add3A_1220, %add3A_1090 : i32
        %get3A_1222 = arith.index_cast %add3A_1221 : i32 to index
        %get3A_1223 = arith.constant 0 : index
        %get3A_1224 = tpu.vector_load %arg6[%get3A_1222, %get3A_1223] {strides = array<i32>} : memref<5120x16xf32, #tpu.memory_space<vmem>>, vector<1x16xf32>,
        %get3A_1225 = vector.shape_cast %get3A_1224 : vector<1x16xf32> to vector<16xf32>
        %add3A_1226 = arith.addf %add3A_1219, %get3A_1225 : vector<16xf32>
        %swap3A = arith.index_cast %add3A_1090 : i32 to index
        %swap3A_1227 = arith.constant 0 : index
        %swap3A_1228 = tpu.vector_load %arg7[%swap3A, %swap3A_1227] {strides = array<i32>} : memref<256x16xf32, #tpu.memory_space<vmem>>, vector<1x16xf32>,
        %swap3A_1229 = vector.shape_cast %swap3A_1228 : vector<1x16xf32> to vector<16xf32>
        %swap3A_1230 = vector.shape_cast %add3A_1226 : vector<16xf32> to vector<1x16xf32>
        tpu.vector_store %arg7[%swap3A, %swap3A_1227], %swap3A_1230 {strides = array<i32>} : memref<256x16xf32, #tpu.memory_space<vmem>>, vector<1x16xf32>,
      }
      %scan3A_816 = arith.constant 128 : i32
      %dma_wait3A_817 = arith.constant 0 : i32
      %dma_wait3A_818 = arith.constant 1 : i32
      %dma_wait3A_819 = arith.constant 128 : i32
      %dma_wait3A_820 = arith.constant 0 : i32
      %dma_wait3A_821 = tpu.memref_slice %arg6[%dma_wait3A_819, %dma_wait3A_820] : memref<5120x16xf32, #tpu.memory_space<vmem>> -> memref<128x16xf32, #tpu.memory_space<vmem>>
      %dma_wait3A_822 = arith.constant 128 : i32
      %dma_wait3A_823 = tpu.memref_slice %arg5[%dma_wait3A_817, %dma_wait3A_822] : memref<20x256xi32, #tpu.memory_space<vmem>> -> memref<1x128xi32, #tpu.memory_space<vmem>>
      %dma_wait3A_824 = tpu.memref_squeeze %dma_wait3A_823 : memref<1x128xi32, #tpu.memory_space<vmem>> -> memref<128xi32, #tpu.memory_space<vmem>>
      %dma_wait3A_825 = arith.constant 0 : i32
      %dma_wait3A_826 = arith.constant 0 : i32
      %dma_wait3A_827 = tpu.memref_slice %arg2[%dma_wait3A_825, %dma_wait3A_826] : memref<2600000x16xf32, #tpu.memory_space<hbm>> -> memref<2600000x16xf32, #tpu.memory_space<hbm>>
      %dma_wait3A_828 = tpu.memref_slice %arg8[%dma_wait3A_818] : memref<2x!tpu.dma_semaphore, #tpu.memory_space<semaphore_mem>> -> memref<1x!tpu.dma_semaphore, #tpu.memory_space<semaphore_mem>>
      %dma_wait3A_829 = tpu.memref_squeeze %dma_wait3A_828 : memref<1x!tpu.dma_semaphore, #tpu.memory_space<semaphore_mem>> -> memref<!tpu.dma_semaphore, #tpu.memory_space<semaphore_mem>>
      tpu.wait_indirect_dma semaphore(%dma_wait3A_829 : memref<!tpu.dma_semaphore, #tpu.memory_space<semaphore_mem>>) src(%dma_wait3A_827 : memref<2600000x16xf32, #tpu.memory_space<hbm>>) dst(%dma_wait3A_821 : memref<128x16xf32, #tpu.memory_space<vmem>>)
      %dma_wait3A_830 = arith.constant 1 : i32
      %dma_wait3A_831 = arith.constant 1 : i32
      %dma_wait3A_832 = arith.constant 384 : i32
      %dma_wait3A_833 = arith.constant 0 : i32
      %dma_wait3A_834 = tpu.memref_slice %arg6[%dma_wait3A_832, %dma_wait3A_833] : memref<5120x16xf32, #tpu.memory_space<vmem>> -> memref<128x16xf32, #tpu.memory_space<vmem>>
      %dma_wait3A_835 = arith.constant 128 : i32
      %dma_wait3A_836 = tpu.memref_slice %arg5[%dma_wait3A_830, %dma_wait3A_835] : memref<20x256xi32, #tpu.memory_space<vmem>> -> memref<1x128xi32, #tpu.memory_space<vmem>>
      %dma_wait3A_837 = tpu.memref_squeeze %dma_wait3A_836 : memref<1x128xi32, #tpu.memory_space<vmem>> -> memref<128xi32, #tpu.memory_space<vmem>>
      %dma_wait3A_838 = arith.constant 0 : i32
      %dma_wait3A_839 = arith.constant 0 : i32
      %dma_wait3A_840 = tpu.memref_slice %arg2[%dma_wait3A_838, %dma_wait3A_839] : memref<2600000x16xf32, #tpu.memory_space<hbm>> -> memref<2600000x16xf32, #tpu.memory_space<hbm>>
      %dma_wait3A_841 = tpu.memref_slice %arg8[%dma_wait3A_831] : memref<2x!tpu.dma_semaphore, #tpu.memory_space<semaphore_mem>> -> memref<1x!tpu.dma_semaphore, #tpu.memory_space<semaphore_mem>>
      %dma_wait3A_842 = tpu.memref_squeeze %dma_wait3A_841 : memref<1x!tpu.dma_semaphore, #tpu.memory_space<semaphore_mem>> -> memref<!tpu.dma_semaphore, #tpu.memory_space<semaphore_mem>>
      tpu.wait_indirect_dma semaphore(%dma_wait3A_842 : memref<!tpu.dma_semaphore, #tpu.memory_space<semaphore_mem>>) src(%dma_wait3A_840 : memref<2600000x16xf32, #tpu.memory_space<hbm>>) dst(%dma_wait3A_834 : memref<128x16xf32, #tpu.memory_space<vmem>>)
      %dma_wait3A_843 = arith.constant 2 : i32
      %dma_wait3A_844 = arith.constant 1 : i32
      %dma_wait3A_845 = arith.constant 640 : i32
      %dma_wait3A_846 = arith.constant 0 : i32
      %dma_wait3A_847 = tpu.memref_slice %arg6[%dma_wait3A_845, %dma_wait3A_846] : memref<5120x16xf32, #tpu.memory_space<vmem>> -> memref<128x16xf32, #tpu.memory_space<vmem>>
      %dma_wait3A_848 = arith.constant 128 : i32
      %dma_wait3A_849 = tpu.memref_slice %arg5[%dma_wait3A_843, %dma_wait3A_848] : memref<20x256xi32, #tpu.memory_space<vmem>> -> memref<1x128xi32, #tpu.memory_space<vmem>>
      %dma_wait3A_850 = tpu.memref_squeeze %dma_wait3A_849 : memref<1x128xi32, #tpu.memory_space<vmem>> -> memref<128xi32, #tpu.memory_space<vmem>>
      %dma_wait3A_851 = arith.constant 0 : i32
      %dma_wait3A_852 = arith.constant 0 : i32
      %dma_wait3A_853 = tpu.memref_slice %arg2[%dma_wait3A_851, %dma_wait3A_852] : memref<2600000x16xf32, #tpu.memory_space<hbm>> -> memref<2600000x16xf32, #tpu.memory_space<hbm>>
      %dma_wait3A_854 = tpu.memref_slice %arg8[%dma_wait3A_844] : memref<2x!tpu.dma_semaphore, #tpu.memory_space<semaphore_mem>> -> memref<1x!tpu.dma_semaphore, #tpu.memory_space<semaphore_mem>>
      %dma_wait3A_855 = tpu.memref_squeeze %dma_wait3A_854 : memref<1x!tpu.dma_semaphore, #tpu.memory_space<semaphore_mem>> -> memref<!tpu.dma_semaphore, #tpu.memory_space<semaphore_mem>>
      tpu.wait_indirect_dma semaphore(%dma_wait3A_855 : memref<!tpu.dma_semaphore, #tpu.memory_space<semaphore_mem>>) src(%dma_wait3A_853 : memref<2600000x16xf32, #tpu.memory_space<hbm>>) dst(%dma_wait3A_847 : memref<128x16xf32, #tpu.memory_space<vmem>>)
      %dma_wait3A_856 = arith.constant 3 : i32
      %dma_wait3A_857 = arith.constant 1 : i32
      %dma_wait3A_858 = arith.constant 896 : i32
      %dma_wait3A_859 = arith.constant 0 : i32
      %dma_wait3A_860 = tpu.memref_slice %arg6[%dma_wait3A_858, %dma_wait3A_859] : memref<5120x16xf32, #tpu.memory_space<vmem>> -> memref<128x16xf32, #tpu.memory_space<vmem>>
      %dma_wait3A_861 = arith.constant 128 : i32
      %dma_wait3A_862 = tpu.memref_slice %arg5[%dma_wait3A_856, %dma_wait3A_861] : memref<20x256xi32, #tpu.memory_space<vmem>> -> memref<1x128xi32, #tpu.memory_space<vmem>>
      %dma_wait3A_863 = tpu.memref_squeeze %dma_wait3A_862 : memref<1x128xi32, #tpu.memory_space<vmem>> -> memref<128xi32, #tpu.memory_space<vmem>>
      %dma_wait3A_864 = arith.constant 0 : i32
      %dma_wait3A_865 = arith.constant 0 : i32
      %dma_wait3A_866 = tpu.memref_slice %arg2[%dma_wait3A_864, %dma_wait3A_865] : memref<2600000x16xf32, #tpu.memory_space<hbm>> -> memref<2600000x16xf32, #tpu.memory_space<hbm>>
      %dma_wait3A_867 = tpu.memref_slice %arg8[%dma_wait3A_857] : memref<2x!tpu.dma_semaphore, #tpu.memory_space<semaphore_mem>> -> memref<1x!tpu.dma_semaphore, #tpu.memory_space<semaphore_mem>>
      %dma_wait3A_868 = tpu.memref_squeeze %dma_wait3A_867 : memref<1x!tpu.dma_semaphore, #tpu.memory_space<semaphore_mem>> -> memref<!tpu.dma_semaphore, #tpu.memory_space<semaphore_mem>>
      tpu.wait_indirect_dma semaphore(%dma_wait3A_868 : memref<!tpu.dma_semaphore, #tpu.memory_space<semaphore_mem>>) src(%dma_wait3A_866 : memref<2600000x16xf32, #tpu.memory_space<hbm>>) dst(%dma_wait3A_860 : memref<128x16xf32, #tpu.memory_space<vmem>>)
      %dma_wait3A_869 = arith.constant 4 : i32
      %dma_wait3A_870 = arith.constant 1 : i32
      %dma_wait3A_871 = arith.constant 1152 : i32
      %dma_wait3A_872 = arith.constant 0 : i32
      %dma_wait3A_873 = tpu.memref_slice %arg6[%dma_wait3A_871, %dma_wait3A_872] : memref<5120x16xf32, #tpu.memory_space<vmem>> -> memref<128x16xf32, #tpu.memory_space<vmem>>
      %dma_wait3A_874 = arith.constant 128 : i32
      %dma_wait3A_875 = tpu.memref_slice %arg5[%dma_wait3A_869, %dma_wait3A_874] : memref<20x256xi32, #tpu.memory_space<vmem>> -> memref<1x128xi32, #tpu.memory_space<vmem>>
      %dma_wait3A_876 = tpu.memref_squeeze %dma_wait3A_875 : memref<1x128xi32, #tpu.memory_space<vmem>> -> memref<128xi32, #tpu.memory_space<vmem>>
      %dma_wait3A_877 = arith.constant 0 : i32
      %dma_wait3A_878 = arith.constant 0 : i32
      %dma_wait3A_879 = tpu.memref_slice %arg2[%dma_wait3A_877, %dma_wait3A_878] : memref<2600000x16xf32, #tpu.memory_space<hbm>> -> memref<2600000x16xf32, #tpu.memory_space<hbm>>
      %dma_wait3A_880 = tpu.memref_slice %arg8[%dma_wait3A_870] : memref<2x!tpu.dma_semaphore, #tpu.memory_space<semaphore_mem>> -> memref<1x!tpu.dma_semaphore, #tpu.memory_space<semaphore_mem>>
      %dma_wait3A_881 = tpu.memref_squeeze %dma_wait3A_880 : memref<1x!tpu.dma_semaphore, #tpu.memory_space<semaphore_mem>> -> memref<!tpu.dma_semaphore, #tpu.memory_space<semaphore_mem>>
      tpu.wait_indirect_dma semaphore(%dma_wait3A_881 : memref<!tpu.dma_semaphore, #tpu.memory_space<semaphore_mem>>) src(%dma_wait3A_879 : memref<2600000x16xf32, #tpu.memory_space<hbm>>) dst(%dma_wait3A_873 : memref<128x16xf32, #tpu.memory_space<vmem>>)
      %dma_wait3A_882 = arith.constant 5 : i32
      %dma_wait3A_883 = arith.constant 1 : i32
      %dma_wait3A_884 = arith.constant 1408 : i32
      %dma_wait3A_885 = arith.constant 0 : i32
      %dma_wait3A_886 = tpu.memref_slice %arg6[%dma_wait3A_884, %dma_wait3A_885] : memref<5120x16xf32, #tpu.memory_space<vmem>> -> memref<128x16xf32, #tpu.memory_space<vmem>>
      %dma_wait3A_887 = arith.constant 128 : i32
      %dma_wait3A_888 = tpu.memref_slice %arg5[%dma_wait3A_882, %dma_wait3A_887] : memref<20x256xi32, #tpu.memory_space<vmem>> -> memref<1x128xi32, #tpu.memory_space<vmem>>
      %dma_wait3A_889 = tpu.memref_squeeze %dma_wait3A_888 : memref<1x128xi32, #tpu.memory_space<vmem>> -> memref<128xi32, #tpu.memory_space<vmem>>
      %dma_wait3A_890 = arith.constant 0 : i32
      %dma_wait3A_891 = arith.constant 0 : i32
      %dma_wait3A_892 = tpu.memref_slice %arg2[%dma_wait3A_890, %dma_wait3A_891] : memref<2600000x16xf32, #tpu.memory_space<hbm>> -> memref<2600000x16xf32, #tpu.memory_space<hbm>>
      %dma_wait3A_893 = tpu.memref_slice %arg8[%dma_wait3A_883] : memref<2x!tpu.dma_semaphore, #tpu.memory_space<semaphore_mem>> -> memref<1x!tpu.dma_semaphore, #tpu.memory_space<semaphore_mem>>
      %dma_wait3A_894 = tpu.memref_squeeze %dma_wait3A_893 : memref<1x!tpu.dma_semaphore, #tpu.memory_space<semaphore_mem>> -> memref<!tpu.dma_semaphore, #tpu.memory_space<semaphore_mem>>
      tpu.wait_indirect_dma semaphore(%dma_wait3A_894 : memref<!tpu.dma_semaphore, #tpu.memory_space<semaphore_mem>>) src(%dma_wait3A_892 : memref<2600000x16xf32, #tpu.memory_space<hbm>>) dst(%dma_wait3A_886 : memref<128x16xf32, #tpu.memory_space<vmem>>)
      %dma_wait3A_895 = arith.constant 6 : i32
      %dma_wait3A_896 = arith.constant 1 : i32
      %dma_wait3A_897 = arith.constant 1664 : i32
      %dma_wait3A_898 = arith.constant 0 : i32
      %dma_wait3A_899 = tpu.memref_slice %arg6[%dma_wait3A_897, %dma_wait3A_898] : memref<5120x16xf32, #tpu.memory_space<vmem>> -> memref<128x16xf32, #tpu.memory_space<vmem>>
      %dma_wait3A_900 = arith.constant 128 : i32
      %dma_wait3A_901 = tpu.memref_slice %arg5[%dma_wait3A_895, %dma_wait3A_900] : memref<20x256xi32, #tpu.memory_space<vmem>> -> memref<1x128xi32, #tpu.memory_space<vmem>>
      %dma_wait3A_902 = tpu.memref_squeeze %dma_wait3A_901 : memref<1x128xi32, #tpu.memory_space<vmem>> -> memref<128xi32, #tpu.memory_space<vmem>>
      %dma_wait3A_903 = arith.constant 0 : i32
      %dma_wait3A_904 = arith.constant 0 : i32
      %dma_wait3A_905 = tpu.memref_slice %arg2[%dma_wait3A_903, %dma_wait3A_904] : memref<2600000x16xf32, #tpu.memory_space<hbm>> -> memref<2600000x16xf32, #tpu.memory_space<hbm>>
      %dma_wait3A_906 = tpu.memref_slice %arg8[%dma_wait3A_896] : memref<2x!tpu.dma_semaphore, #tpu.memory_space<semaphore_mem>> -> memref<1x!tpu.dma_semaphore, #tpu.memory_space<semaphore_mem>>
      %dma_wait3A_907 = tpu.memref_squeeze %dma_wait3A_906 : memref<1x!tpu.dma_semaphore, #tpu.memory_space<semaphore_mem>> -> memref<!tpu.dma_semaphore, #tpu.memory_space<semaphore_mem>>
      tpu.wait_indirect_dma semaphore(%dma_wait3A_907 : memref<!tpu.dma_semaphore, #tpu.memory_space<semaphore_mem>>) src(%dma_wait3A_905 : memref<2600000x16xf32, #tpu.memory_space<hbm>>) dst(%dma_wait3A_899 : memref<128x16xf32, #tpu.memory_space<vmem>>)
      %dma_wait3A_908 = arith.constant 7 : i32
      %dma_wait3A_909 = arith.constant 1 : i32
      %dma_wait3A_910 = arith.constant 1920 : i32
      %dma_wait3A_911 = arith.constant 0 : i32
      %dma_wait3A_912 = tpu.memref_slice %arg6[%dma_wait3A_910, %dma_wait3A_911] : memref<5120x16xf32, #tpu.memory_space<vmem>> -> memref<128x16xf32, #tpu.memory_space<vmem>>
      %dma_wait3A_913 = arith.constant 128 : i32
      %dma_wait3A_914 = tpu.memref_slice %arg5[%dma_wait3A_908, %dma_wait3A_913] : memref<20x256xi32, #tpu.memory_space<vmem>> -> memref<1x128xi32, #tpu.memory_space<vmem>>
      %dma_wait3A_915 = tpu.memref_squeeze %dma_wait3A_914 : memref<1x128xi32, #tpu.memory_space<vmem>> -> memref<128xi32, #tpu.memory_space<vmem>>
      %dma_wait3A_916 = arith.constant 0 : i32
      %dma_wait3A_917 = arith.constant 0 : i32
      %dma_wait3A_918 = tpu.memref_slice %arg2[%dma_wait3A_916, %dma_wait3A_917] : memref<2600000x16xf32, #tpu.memory_space<hbm>> -> memref<2600000x16xf32, #tpu.memory_space<hbm>>
      %dma_wait3A_919 = tpu.memref_slice %arg8[%dma_wait3A_909] : memref<2x!tpu.dma_semaphore, #tpu.memory_space<semaphore_mem>> -> memref<1x!tpu.dma_semaphore, #tpu.memory_space<semaphore_mem>>
      %dma_wait3A_920 = tpu.memref_squeeze %dma_wait3A_919 : memref<1x!tpu.dma_semaphore, #tpu.memory_space<semaphore_mem>> -> memref<!tpu.dma_semaphore, #tpu.memory_space<semaphore_mem>>
      tpu.wait_indirect_dma semaphore(%dma_wait3A_920 : memref<!tpu.dma_semaphore, #tpu.memory_space<semaphore_mem>>) src(%dma_wait3A_918 : memref<2600000x16xf32, #tpu.memory_space<hbm>>) dst(%dma_wait3A_912 : memref<128x16xf32, #tpu.memory_space<vmem>>)
      %dma_wait3A_921 = arith.constant 8 : i32
      %dma_wait3A_922 = arith.constant 1 : i32
      %dma_wait3A_923 = arith.constant 2176 : i32
      %dma_wait3A_924 = arith.constant 0 : i32
      %dma_wait3A_925 = tpu.memref_slice %arg6[%dma_wait3A_923, %dma_wait3A_924] : memref<5120x16xf32, #tpu.memory_space<vmem>> -> memref<128x16xf32, #tpu.memory_space<vmem>>
      %dma_wait3A_926 = arith.constant 128 : i32
      %dma_wait3A_927 = tpu.memref_slice %arg5[%dma_wait3A_921, %dma_wait3A_926] : memref<20x256xi32, #tpu.memory_space<vmem>> -> memref<1x128xi32, #tpu.memory_space<vmem>>
      %dma_wait3A_928 = tpu.memref_squeeze %dma_wait3A_927 : memref<1x128xi32, #tpu.memory_space<vmem>> -> memref<128xi32, #tpu.memory_space<vmem>>
      %dma_wait3A_929 = arith.constant 0 : i32
      %dma_wait3A_930 = arith.constant 0 : i32
      %dma_wait3A_931 = tpu.memref_slice %arg2[%dma_wait3A_929, %dma_wait3A_930] : memref<2600000x16xf32, #tpu.memory_space<hbm>> -> memref<2600000x16xf32, #tpu.memory_space<hbm>>
      %dma_wait3A_932 = tpu.memref_slice %arg8[%dma_wait3A_922] : memref<2x!tpu.dma_semaphore, #tpu.memory_space<semaphore_mem>> -> memref<1x!tpu.dma_semaphore, #tpu.memory_space<semaphore_mem>>
      %dma_wait3A_933 = tpu.memref_squeeze %dma_wait3A_932 : memref<1x!tpu.dma_semaphore, #tpu.memory_space<semaphore_mem>> -> memref<!tpu.dma_semaphore, #tpu.memory_space<semaphore_mem>>
      tpu.wait_indirect_dma semaphore(%dma_wait3A_933 : memref<!tpu.dma_semaphore, #tpu.memory_space<semaphore_mem>>) src(%dma_wait3A_931 : memref<2600000x16xf32, #tpu.memory_space<hbm>>) dst(%dma_wait3A_925 : memref<128x16xf32, #tpu.memory_space<vmem>>)
      %dma_wait3A_934 = arith.constant 9 : i32
      %dma_wait3A_935 = arith.constant 1 : i32
      %dma_wait3A_936 = arith.constant 2432 : i32
      %dma_wait3A_937 = arith.constant 0 : i32
      %dma_wait3A_938 = tpu.memref_slice %arg6[%dma_wait3A_936, %dma_wait3A_937] : memref<5120x16xf32, #tpu.memory_space<vmem>> -> memref<128x16xf32, #tpu.memory_space<vmem>>
      %dma_wait3A_939 = arith.constant 128 : i32
      %dma_wait3A_940 = tpu.memref_slice %arg5[%dma_wait3A_934, %dma_wait3A_939] : memref<20x256xi32, #tpu.memory_space<vmem>> -> memref<1x128xi32, #tpu.memory_space<vmem>>
      %dma_wait3A_941 = tpu.memref_squeeze %dma_wait3A_940 : memref<1x128xi32, #tpu.memory_space<vmem>> -> memref<128xi32, #tpu.memory_space<vmem>>
      %dma_wait3A_942 = arith.constant 0 : i32
      %dma_wait3A_943 = arith.constant 0 : i32
      %dma_wait3A_944 = tpu.memref_slice %arg2[%dma_wait3A_942, %dma_wait3A_943] : memref<2600000x16xf32, #tpu.memory_space<hbm>> -> memref<2600000x16xf32, #tpu.memory_space<hbm>>
      %dma_wait3A_945 = tpu.memref_slice %arg8[%dma_wait3A_935] : memref<2x!tpu.dma_semaphore, #tpu.memory_space<semaphore_mem>> -> memref<1x!tpu.dma_semaphore, #tpu.memory_space<semaphore_mem>>
      %dma_wait3A_946 = tpu.memref_squeeze %dma_wait3A_945 : memref<1x!tpu.dma_semaphore, #tpu.memory_space<semaphore_mem>> -> memref<!tpu.dma_semaphore, #tpu.memory_space<semaphore_mem>>
      tpu.wait_indirect_dma semaphore(%dma_wait3A_946 : memref<!tpu.dma_semaphore, #tpu.memory_space<semaphore_mem>>) src(%dma_wait3A_944 : memref<2600000x16xf32, #tpu.memory_space<hbm>>) dst(%dma_wait3A_938 : memref<128x16xf32, #tpu.memory_space<vmem>>)
      %dma_wait3A_947 = arith.constant 10 : i32
      %dma_wait3A_948 = arith.constant 1 : i32
      %dma_wait3A_949 = arith.constant 2688 : i32
      %dma_wait3A_950 = arith.constant 0 : i32
      %dma_wait3A_951 = tpu.memref_slice %arg6[%dma_wait3A_949, %dma_wait3A_950] : memref<5120x16xf32, #tpu.memory_space<vmem>> -> memref<128x16xf32, #tpu.memory_space<vmem>>
      %dma_wait3A_952 = arith.constant 128 : i32
      %dma_wait3A_953 = tpu.memref_slice %arg5[%dma_wait3A_947, %dma_wait3A_952] : memref<20x256xi32, #tpu.memory_space<vmem>> -> memref<1x128xi32, #tpu.memory_space<vmem>>
      %dma_wait3A_954 = tpu.memref_squeeze %dma_wait3A_953 : memref<1x128xi32, #tpu.memory_space<vmem>> -> memref<128xi32, #tpu.memory_space<vmem>>
      %dma_wait3A_955 = arith.constant 0 : i32
      %dma_wait3A_956 = arith.constant 0 : i32
      %dma_wait3A_957 = tpu.memref_slice %arg2[%dma_wait3A_955, %dma_wait3A_956] : memref<2600000x16xf32, #tpu.memory_space<hbm>> -> memref<2600000x16xf32, #tpu.memory_space<hbm>>
      %dma_wait3A_958 = tpu.memref_slice %arg8[%dma_wait3A_948] : memref<2x!tpu.dma_semaphore, #tpu.memory_space<semaphore_mem>> -> memref<1x!tpu.dma_semaphore, #tpu.memory_space<semaphore_mem>>
      %dma_wait3A_959 = tpu.memref_squeeze %dma_wait3A_958 : memref<1x!tpu.dma_semaphore, #tpu.memory_space<semaphore_mem>> -> memref<!tpu.dma_semaphore, #tpu.memory_space<semaphore_mem>>
      tpu.wait_indirect_dma semaphore(%dma_wait3A_959 : memref<!tpu.dma_semaphore, #tpu.memory_space<semaphore_mem>>) src(%dma_wait3A_957 : memref<2600000x16xf32, #tpu.memory_space<hbm>>) dst(%dma_wait3A_951 : memref<128x16xf32, #tpu.memory_space<vmem>>)
      %dma_wait3A_960 = arith.constant 11 : i32
      %dma_wait3A_961 = arith.constant 1 : i32
      %dma_wait3A_962 = arith.constant 2944 : i32
      %dma_wait3A_963 = arith.constant 0 : i32
      %dma_wait3A_964 = tpu.memref_slice %arg6[%dma_wait3A_962, %dma_wait3A_963] : memref<5120x16xf32, #tpu.memory_space<vmem>> -> memref<128x16xf32, #tpu.memory_space<vmem>>
      %dma_wait3A_965 = arith.constant 128 : i32
      %dma_wait3A_966 = tpu.memref_slice %arg5[%dma_wait3A_960, %dma_wait3A_965] : memref<20x256xi32, #tpu.memory_space<vmem>> -> memref<1x128xi32, #tpu.memory_space<vmem>>
      %dma_wait3A_967 = tpu.memref_squeeze %dma_wait3A_966 : memref<1x128xi32, #tpu.memory_space<vmem>> -> memref<128xi32, #tpu.memory_space<vmem>>
      %dma_wait3A_968 = arith.constant 0 : i32
      %dma_wait3A_969 = arith.constant 0 : i32
      %dma_wait3A_970 = tpu.memref_slice %arg2[%dma_wait3A_968, %dma_wait3A_969] : memref<2600000x16xf32, #tpu.memory_space<hbm>> -> memref<2600000x16xf32, #tpu.memory_space<hbm>>
      %dma_wait3A_971 = tpu.memref_slice %arg8[%dma_wait3A_961] : memref<2x!tpu.dma_semaphore, #tpu.memory_space<semaphore_mem>> -> memref<1x!tpu.dma_semaphore, #tpu.memory_space<semaphore_mem>>
      %dma_wait3A_972 = tpu.memref_squeeze %dma_wait3A_971 : memref<1x!tpu.dma_semaphore, #tpu.memory_space<semaphore_mem>> -> memref<!tpu.dma_semaphore, #tpu.memory_space<semaphore_mem>>
      tpu.wait_indirect_dma semaphore(%dma_wait3A_972 : memref<!tpu.dma_semaphore, #tpu.memory_space<semaphore_mem>>) src(%dma_wait3A_970 : memref<2600000x16xf32, #tpu.memory_space<hbm>>) dst(%dma_wait3A_964 : memref<128x16xf32, #tpu.memory_space<vmem>>)
      %dma_wait3A_973 = arith.constant 12 : i32
      %dma_wait3A_974 = arith.constant 1 : i32
      %dma_wait3A_975 = arith.constant 3200 : i32
      %dma_wait3A_976 = arith.constant 0 : i32
      %dma_wait3A_977 = tpu.memref_slice %arg6[%dma_wait3A_975, %dma_wait3A_976] : memref<5120x16xf32, #tpu.memory_space<vmem>> -> memref<128x16xf32, #tpu.memory_space<vmem>>
      %dma_wait3A_978 = arith.constant 128 : i32
      %dma_wait3A_979 = tpu.memref_slice %arg5[%dma_wait3A_973, %dma_wait3A_978] : memref<20x256xi32, #tpu.memory_space<vmem>> -> memref<1x128xi32, #tpu.memory_space<vmem>>
      %dma_wait3A_980 = tpu.memref_squeeze %dma_wait3A_979 : memref<1x128xi32, #tpu.memory_space<vmem>> -> memref<128xi32, #tpu.memory_space<vmem>>
      %dma_wait3A_981 = arith.constant 0 : i32
      %dma_wait3A_982 = arith.constant 0 : i32
      %dma_wait3A_983 = tpu.memref_slice %arg2[%dma_wait3A_981, %dma_wait3A_982] : memref<2600000x16xf32, #tpu.memory_space<hbm>> -> memref<2600000x16xf32, #tpu.memory_space<hbm>>
      %dma_wait3A_984 = tpu.memref_slice %arg8[%dma_wait3A_974] : memref<2x!tpu.dma_semaphore, #tpu.memory_space<semaphore_mem>> -> memref<1x!tpu.dma_semaphore, #tpu.memory_space<semaphore_mem>>
      %dma_wait3A_985 = tpu.memref_squeeze %dma_wait3A_984 : memref<1x!tpu.dma_semaphore, #tpu.memory_space<semaphore_mem>> -> memref<!tpu.dma_semaphore, #tpu.memory_space<semaphore_mem>>
      tpu.wait_indirect_dma semaphore(%dma_wait3A_985 : memref<!tpu.dma_semaphore, #tpu.memory_space<semaphore_mem>>) src(%dma_wait3A_983 : memref<2600000x16xf32, #tpu.memory_space<hbm>>) dst(%dma_wait3A_977 : memref<128x16xf32, #tpu.memory_space<vmem>>)
      %dma_wait3A_986 = arith.constant 13 : i32
      %dma_wait3A_987 = arith.constant 1 : i32
      %dma_wait3A_988 = arith.constant 3456 : i32
      %dma_wait3A_989 = arith.constant 0 : i32
      %dma_wait3A_990 = tpu.memref_slice %arg6[%dma_wait3A_988, %dma_wait3A_989] : memref<5120x16xf32, #tpu.memory_space<vmem>> -> memref<128x16xf32, #tpu.memory_space<vmem>>
      %dma_wait3A_991 = arith.constant 128 : i32
      %dma_wait3A_992 = tpu.memref_slice %arg5[%dma_wait3A_986, %dma_wait3A_991] : memref<20x256xi32, #tpu.memory_space<vmem>> -> memref<1x128xi32, #tpu.memory_space<vmem>>
      %dma_wait3A_993 = tpu.memref_squeeze %dma_wait3A_992 : memref<1x128xi32, #tpu.memory_space<vmem>> -> memref<128xi32, #tpu.memory_space<vmem>>
      %dma_wait3A_994 = arith.constant 0 : i32
      %dma_wait3A_995 = arith.constant 0 : i32
      %dma_wait3A_996 = tpu.memref_slice %arg2[%dma_wait3A_994, %dma_wait3A_995] : memref<2600000x16xf32, #tpu.memory_space<hbm>> -> memref<2600000x16xf32, #tpu.memory_space<hbm>>
      %dma_wait3A_997 = tpu.memref_slice %arg8[%dma_wait3A_987] : memref<2x!tpu.dma_semaphore, #tpu.memory_space<semaphore_mem>> -> memref<1x!tpu.dma_semaphore, #tpu.memory_space<semaphore_mem>>
      %dma_wait3A_998 = tpu.memref_squeeze %dma_wait3A_997 : memref<1x!tpu.dma_semaphore, #tpu.memory_space<semaphore_mem>> -> memref<!tpu.dma_semaphore, #tpu.memory_space<semaphore_mem>>
      tpu.wait_indirect_dma semaphore(%dma_wait3A_998 : memref<!tpu.dma_semaphore, #tpu.memory_space<semaphore_mem>>) src(%dma_wait3A_996 : memref<2600000x16xf32, #tpu.memory_space<hbm>>) dst(%dma_wait3A_990 : memref<128x16xf32, #tpu.memory_space<vmem>>)
      %dma_wait3A_999 = arith.constant 14 : i32
      %dma_wait3A_1000 = arith.constant 1 : i32
      %dma_wait3A_1001 = arith.constant 3712 : i32
      %dma_wait3A_1002 = arith.constant 0 : i32
      %dma_wait3A_1003 = tpu.memref_slice %arg6[%dma_wait3A_1001, %dma_wait3A_1002] : memref<5120x16xf32, #tpu.memory_space<vmem>> -> memref<128x16xf32, #tpu.memory_space<vmem>>
      %dma_wait3A_1004 = arith.constant 128 : i32
      %dma_wait3A_1005 = tpu.memref_slice %arg5[%dma_wait3A_999, %dma_wait3A_1004] : memref<20x256xi32, #tpu.memory_space<vmem>> -> memref<1x128xi32, #tpu.memory_space<vmem>>
      %dma_wait3A_1006 = tpu.memref_squeeze %dma_wait3A_1005 : memref<1x128xi32, #tpu.memory_space<vmem>> -> memref<128xi32, #tpu.memory_space<vmem>>
      %dma_wait3A_1007 = arith.constant 0 : i32
      %dma_wait3A_1008 = arith.constant 0 : i32
      %dma_wait3A_1009 = tpu.memref_slice %arg2[%dma_wait3A_1007, %dma_wait3A_1008] : memref<2600000x16xf32, #tpu.memory_space<hbm>> -> memref<2600000x16xf32, #tpu.memory_space<hbm>>
      %dma_wait3A_1010 = tpu.memref_slice %arg8[%dma_wait3A_1000] : memref<2x!tpu.dma_semaphore, #tpu.memory_space<semaphore_mem>> -> memref<1x!tpu.dma_semaphore, #tpu.memory_space<semaphore_mem>>
      %dma_wait3A_1011 = tpu.memref_squeeze %dma_wait3A_1010 : memref<1x!tpu.dma_semaphore, #tpu.memory_space<semaphore_mem>> -> memref<!tpu.dma_semaphore, #tpu.memory_space<semaphore_mem>>
      tpu.wait_indirect_dma semaphore(%dma_wait3A_1011 : memref<!tpu.dma_semaphore, #tpu.memory_space<semaphore_mem>>) src(%dma_wait3A_1009 : memref<2600000x16xf32, #tpu.memory_space<hbm>>) dst(%dma_wait3A_1003 : memref<128x16xf32, #tpu.memory_space<vmem>>)
      %dma_wait3A_1012 = arith.constant 15 : i32
      %dma_wait3A_1013 = arith.constant 1 : i32
      %dma_wait3A_1014 = arith.constant 3968 : i32
      %dma_wait3A_1015 = arith.constant 0 : i32
      %dma_wait3A_1016 = tpu.memref_slice %arg6[%dma_wait3A_1014, %dma_wait3A_1015] : memref<5120x16xf32, #tpu.memory_space<vmem>> -> memref<128x16xf32, #tpu.memory_space<vmem>>
      %dma_wait3A_1017 = arith.constant 128 : i32
      %dma_wait3A_1018 = tpu.memref_slice %arg5[%dma_wait3A_1012, %dma_wait3A_1017] : memref<20x256xi32, #tpu.memory_space<vmem>> -> memref<1x128xi32, #tpu.memory_space<vmem>>
      %dma_wait3A_1019 = tpu.memref_squeeze %dma_wait3A_1018 : memref<1x128xi32, #tpu.memory_space<vmem>> -> memref<128xi32, #tpu.memory_space<vmem>>
      %dma_wait3A_1020 = arith.constant 0 : i32
      %dma_wait3A_1021 = arith.constant 0 : i32
      %dma_wait3A_1022 = tpu.memref_slice %arg2[%dma_wait3A_1020, %dma_wait3A_1021] : memref<2600000x16xf32, #tpu.memory_space<hbm>> -> memref<2600000x16xf32, #tpu.memory_space<hbm>>
      %dma_wait3A_1023 = tpu.memref_slice %arg8[%dma_wait3A_1013] : memref<2x!tpu.dma_semaphore, #tpu.memory_space<semaphore_mem>> -> memref<1x!tpu.dma_semaphore, #tpu.memory_space<semaphore_mem>>
      %dma_wait3A_1024 = tpu.memref_squeeze %dma_wait3A_1023 : memref<1x!tpu.dma_semaphore, #tpu.memory_space<semaphore_mem>> -> memref<!tpu.dma_semaphore, #tpu.memory_space<semaphore_mem>>
      tpu.wait_indirect_dma semaphore(%dma_wait3A_1024 : memref<!tpu.dma_semaphore, #tpu.memory_space<semaphore_mem>>) src(%dma_wait3A_1022 : memref<2600000x16xf32, #tpu.memory_space<hbm>>) dst(%dma_wait3A_1016 : memref<128x16xf32, #tpu.memory_space<vmem>>)
      %dma_wait3A_1025 = arith.constant 16 : i32
      %dma_wait3A_1026 = arith.constant 1 : i32
      %dma_wait3A_1027 = arith.constant 4224 : i32
      %dma_wait3A_1028 = arith.constant 0 : i32
      %dma_wait3A_1029 = tpu.memref_slice %arg6[%dma_wait3A_1027, %dma_wait3A_1028] : memref<5120x16xf32, #tpu.memory_space<vmem>> -> memref<128x16xf32, #tpu.memory_space<vmem>>
      %dma_wait3A_1030 = arith.constant 128 : i32
      %dma_wait3A_1031 = tpu.memref_slice %arg5[%dma_wait3A_1025, %dma_wait3A_1030] : memref<20x256xi32, #tpu.memory_space<vmem>> -> memref<1x128xi32, #tpu.memory_space<vmem>>
      %dma_wait3A_1032 = tpu.memref_squeeze %dma_wait3A_1031 : memref<1x128xi32, #tpu.memory_space<vmem>> -> memref<128xi32, #tpu.memory_space<vmem>>
      %dma_wait3A_1033 = arith.constant 0 : i32
      %dma_wait3A_1034 = arith.constant 0 : i32
      %dma_wait3A_1035 = tpu.memref_slice %arg2[%dma_wait3A_1033, %dma_wait3A_1034] : memref<2600000x16xf32, #tpu.memory_space<hbm>> -> memref<2600000x16xf32, #tpu.memory_space<hbm>>
      %dma_wait3A_1036 = tpu.memref_slice %arg8[%dma_wait3A_1026] : memref<2x!tpu.dma_semaphore, #tpu.memory_space<semaphore_mem>> -> memref<1x!tpu.dma_semaphore, #tpu.memory_space<semaphore_mem>>
      %dma_wait3A_1037 = tpu.memref_squeeze %dma_wait3A_1036 : memref<1x!tpu.dma_semaphore, #tpu.memory_space<semaphore_mem>> -> memref<!tpu.dma_semaphore, #tpu.memory_space<semaphore_mem>>
      tpu.wait_indirect_dma semaphore(%dma_wait3A_1037 : memref<!tpu.dma_semaphore, #tpu.memory_space<semaphore_mem>>) src(%dma_wait3A_1035 : memref<2600000x16xf32, #tpu.memory_space<hbm>>) dst(%dma_wait3A_1029 : memref<128x16xf32, #tpu.memory_space<vmem>>)
      %dma_wait3A_1038 = arith.constant 17 : i32
      %dma_wait3A_1039 = arith.constant 1 : i32
      %dma_wait3A_1040 = arith.constant 4480 : i32
      %dma_wait3A_1041 = arith.constant 0 : i32
      %dma_wait3A_1042 = tpu.memref_slice %arg6[%dma_wait3A_1040, %dma_wait3A_1041] : memref<5120x16xf32, #tpu.memory_space<vmem>> -> memref<128x16xf32, #tpu.memory_space<vmem>>
      %dma_wait3A_1043 = arith.constant 128 : i32
      %dma_wait3A_1044 = tpu.memref_slice %arg5[%dma_wait3A_1038, %dma_wait3A_1043] : memref<20x256xi32, #tpu.memory_space<vmem>> -> memref<1x128xi32, #tpu.memory_space<vmem>>
      %dma_wait3A_1045 = tpu.memref_squeeze %dma_wait3A_1044 : memref<1x128xi32, #tpu.memory_space<vmem>> -> memref<128xi32, #tpu.memory_space<vmem>>
      %dma_wait3A_1046 = arith.constant 0 : i32
      %dma_wait3A_1047 = arith.constant 0 : i32
      %dma_wait3A_1048 = tpu.memref_slice %arg2[%dma_wait3A_1046, %dma_wait3A_1047] : memref<2600000x16xf32, #tpu.memory_space<hbm>> -> memref<2600000x16xf32, #tpu.memory_space<hbm>>
      %dma_wait3A_1049 = tpu.memref_slice %arg8[%dma_wait3A_1039] : memref<2x!tpu.dma_semaphore, #tpu.memory_space<semaphore_mem>> -> memref<1x!tpu.dma_semaphore, #tpu.memory_space<semaphore_mem>>
      %dma_wait3A_1050 = tpu.memref_squeeze %dma_wait3A_1049 : memref<1x!tpu.dma_semaphore, #tpu.memory_space<semaphore_mem>> -> memref<!tpu.dma_semaphore, #tpu.memory_space<semaphore_mem>>
      tpu.wait_indirect_dma semaphore(%dma_wait3A_1050 : memref<!tpu.dma_semaphore, #tpu.memory_space<semaphore_mem>>) src(%dma_wait3A_1048 : memref<2600000x16xf32, #tpu.memory_space<hbm>>) dst(%dma_wait3A_1042 : memref<128x16xf32, #tpu.memory_space<vmem>>)
      %dma_wait3A_1051 = arith.constant 18 : i32
      %dma_wait3A_1052 = arith.constant 1 : i32
      %dma_wait3A_1053 = arith.constant 4736 : i32
      %dma_wait3A_1054 = arith.constant 0 : i32
      %dma_wait3A_1055 = tpu.memref_slice %arg6[%dma_wait3A_1053, %dma_wait3A_1054] : memref<5120x16xf32, #tpu.memory_space<vmem>> -> memref<128x16xf32, #tpu.memory_space<vmem>>
      %dma_wait3A_1056 = arith.constant 128 : i32
      %dma_wait3A_1057 = tpu.memref_slice %arg5[%dma_wait3A_1051, %dma_wait3A_1056] : memref<20x256xi32, #tpu.memory_space<vmem>> -> memref<1x128xi32, #tpu.memory_space<vmem>>
      %dma_wait3A_1058 = tpu.memref_squeeze %dma_wait3A_1057 : memref<1x128xi32, #tpu.memory_space<vmem>> -> memref<128xi32, #tpu.memory_space<vmem>>
      %dma_wait3A_1059 = arith.constant 0 : i32
      %dma_wait3A_1060 = arith.constant 0 : i32
      %dma_wait3A_1061 = tpu.memref_slice %arg2[%dma_wait3A_1059, %dma_wait3A_1060] : memref<2600000x16xf32, #tpu.memory_space<hbm>> -> memref<2600000x16xf32, #tpu.memory_space<hbm>>
      %dma_wait3A_1062 = tpu.memref_slice %arg8[%dma_wait3A_1052] : memref<2x!tpu.dma_semaphore, #tpu.memory_space<semaphore_mem>> -> memref<1x!tpu.dma_semaphore, #tpu.memory_space<semaphore_mem>>
      %dma_wait3A_1063 = tpu.memref_squeeze %dma_wait3A_1062 : memref<1x!tpu.dma_semaphore, #tpu.memory_space<semaphore_mem>> -> memref<!tpu.dma_semaphore, #tpu.memory_space<semaphore_mem>>
      tpu.wait_indirect_dma semaphore(%dma_wait3A_1063 : memref<!tpu.dma_semaphore, #tpu.memory_space<semaphore_mem>>) src(%dma_wait3A_1061 : memref<2600000x16xf32, #tpu.memory_space<hbm>>) dst(%dma_wait3A_1055 : memref<128x16xf32, #tpu.memory_space<vmem>>)
      %dma_wait3A_1064 = arith.constant 19 : i32
      %dma_wait3A_1065 = arith.constant 1 : i32
      %dma_wait3A_1066 = arith.constant 4992 : i32
      %dma_wait3A_1067 = arith.constant 0 : i32
      %dma_wait3A_1068 = tpu.memref_slice %arg6[%dma_wait3A_1066, %dma_wait3A_1067] : memref<5120x16xf32, #tpu.memory_space<vmem>> -> memref<128x16xf32, #tpu.memory_space<vmem>>
      %dma_wait3A_1069 = arith.constant 128 : i32
      %dma_wait3A_1070 = tpu.memref_slice %arg5[%dma_wait3A_1064, %dma_wait3A_1069] : memref<20x256xi32, #tpu.memory_space<vmem>> -> memref<1x128xi32, #tpu.memory_space<vmem>>
      %dma_wait3A_1071 = tpu.memref_squeeze %dma_wait3A_1070 : memref<1x128xi32, #tpu.memory_space<vmem>> -> memref<128xi32, #tpu.memory_space<vmem>>
      %dma_wait3A_1072 = arith.constant 0 : i32
      %dma_wait3A_1073 = arith.constant 0 : i32
      %dma_wait3A_1074 = tpu.memref_slice %arg2[%dma_wait3A_1072, %dma_wait3A_1073] : memref<2600000x16xf32, #tpu.memory_space<hbm>> -> memref<2600000x16xf32, #tpu.memory_space<hbm>>
      %dma_wait3A_1075 = tpu.memref_slice %arg8[%dma_wait3A_1065] : memref<2x!tpu.dma_semaphore, #tpu.memory_space<semaphore_mem>> -> memref<1x!tpu.dma_semaphore, #tpu.memory_space<semaphore_mem>>
      %dma_wait3A_1076 = tpu.memref_squeeze %dma_wait3A_1075 : memref<1x!tpu.dma_semaphore, #tpu.memory_space<semaphore_mem>> -> memref<!tpu.dma_semaphore, #tpu.memory_space<semaphore_mem>>
      tpu.wait_indirect_dma semaphore(%dma_wait3A_1076 : memref<!tpu.dma_semaphore, #tpu.memory_space<semaphore_mem>>) src(%dma_wait3A_1074 : memref<2600000x16xf32, #tpu.memory_space<hbm>>) dst(%dma_wait3A_1068 : memref<128x16xf32, #tpu.memory_space<vmem>>)
      %scan3A_1077 = arith.constant 0 : i32
      %scan3A_1078 = arith.constant 128 : i32
      %scan3A_1079 = arith.addi %scan3A_1077, %scan3A_1078 : i32
      %scan3A_1080 = arith.constant 1 : i32
      scf.for %scan3A_1084 = %scan3A_1077 to %scan3A_1079 step %scan3A_1080  : i32 {
        %mul3A_1085 = arith.constant 1 : i32
        %mul3A_1086 = arith.muli %scan3A_1084, %mul3A_1085 : i32
        %add3A_1087 = arith.constant 0 : i32
        %add3A_1088 = arith.addi %add3A_1087, %mul3A_1086 : i32
        %add3A_1089 = arith.constant 128 : i32
        %add3A_1090 = arith.addi %add3A_1089, %add3A_1088 : i32
        %get3A = arith.index_cast %add3A_1090 : i32 to index
        %get3A_1091 = arith.constant 0 : index
        %get3A_1092 = tpu.vector_load %arg6[%get3A, %get3A_1091] {strides = array<i32>} : memref<5120x16xf32, #tpu.memory_space<vmem>>, vector<1x16xf32>,
        %get3A_1093 = vector.shape_cast %get3A_1092 : vector<1x16xf32> to vector<16xf32>
        %add3A_1094 = arith.constant 256 : i32
        %add3A_1095 = arith.addi %add3A_1094, %add3A_1090 : i32
        %get3A_1096 = arith.index_cast %add3A_1095 : i32 to index
        %get3A_1097 = arith.constant 0 : index
        %get3A_1098 = tpu.vector_load %arg6[%get3A_1096, %get3A_1097] {strides = array<i32>} : memref<5120x16xf32, #tpu.memory_space<vmem>>, vector<1x16xf32>,
        %get3A_1099 = vector.shape_cast %get3A_1098 : vector<1x16xf32> to vector<16xf32>
        %add3A_1100 = arith.addf %get3A_1093, %get3A_1099 : vector<16xf32>
        %add3A_1101 = arith.constant 512 : i32
        %add3A_1102 = arith.addi %add3A_1101, %add3A_1090 : i32
        %get3A_1103 = arith.index_cast %add3A_1102 : i32 to index
        %get3A_1104 = arith.constant 0 : index
        %get3A_1105 = tpu.vector_load %arg6[%get3A_1103, %get3A_1104] {strides = array<i32>} : memref<5120x16xf32, #tpu.memory_space<vmem>>, vector<1x16xf32>,
        %get3A_1106 = vector.shape_cast %get3A_1105 : vector<1x16xf32> to vector<16xf32>
        %add3A_1107 = arith.addf %add3A_1100, %get3A_1106 : vector<16xf32>
        %add3A_1108 = arith.constant 768 : i32
        %add3A_1109 = arith.addi %add3A_1108, %add3A_1090 : i32
        %get3A_1110 = arith.index_cast %add3A_1109 : i32 to index
        %get3A_1111 = arith.constant 0 : index
        %get3A_1112 = tpu.vector_load %arg6[%get3A_1110, %get3A_1111] {strides = array<i32>} : memref<5120x16xf32, #tpu.memory_space<vmem>>, vector<1x16xf32>,
        %get3A_1113 = vector.shape_cast %get3A_1112 : vector<1x16xf32> to vector<16xf32>
        %add3A_1114 = arith.addf %add3A_1107, %get3A_1113 : vector<16xf32>
        %add3A_1115 = arith.constant 1024 : i32
        %add3A_1116 = arith.addi %add3A_1115, %add3A_1090 : i32
        %get3A_1117 = arith.index_cast %add3A_1116 : i32 to index
        %get3A_1118 = arith.constant 0 : index
        %get3A_1119 = tpu.vector_load %arg6[%get3A_1117, %get3A_1118] {strides = array<i32>} : memref<5120x16xf32, #tpu.memory_space<vmem>>, vector<1x16xf32>,
        %get3A_1120 = vector.shape_cast %get3A_1119 : vector<1x16xf32> to vector<16xf32>
        %add3A_1121 = arith.addf %add3A_1114, %get3A_1120 : vector<16xf32>
        %add3A_1122 = arith.constant 1280 : i32
        %add3A_1123 = arith.addi %add3A_1122, %add3A_1090 : i32
        %get3A_1124 = arith.index_cast %add3A_1123 : i32 to index
        %get3A_1125 = arith.constant 0 : index
        %get3A_1126 = tpu.vector_load %arg6[%get3A_1124, %get3A_1125] {strides = array<i32>} : memref<5120x16xf32, #tpu.memory_space<vmem>>, vector<1x16xf32>,
        %get3A_1127 = vector.shape_cast %get3A_1126 : vector<1x16xf32> to vector<16xf32>
        %add3A_1128 = arith.addf %add3A_1121, %get3A_1127 : vector<16xf32>
        %add3A_1129 = arith.constant 1536 : i32
        %add3A_1130 = arith.addi %add3A_1129, %add3A_1090 : i32
        %get3A_1131 = arith.index_cast %add3A_1130 : i32 to index
        %get3A_1132 = arith.constant 0 : index
        %get3A_1133 = tpu.vector_load %arg6[%get3A_1131, %get3A_1132] {strides = array<i32>} : memref<5120x16xf32, #tpu.memory_space<vmem>>, vector<1x16xf32>,
        %get3A_1134 = vector.shape_cast %get3A_1133 : vector<1x16xf32> to vector<16xf32>
        %add3A_1135 = arith.addf %add3A_1128, %get3A_1134 : vector<16xf32>
        %add3A_1136 = arith.constant 1792 : i32
        %add3A_1137 = arith.addi %add3A_1136, %add3A_1090 : i32
        %get3A_1138 = arith.index_cast %add3A_1137 : i32 to index
        %get3A_1139 = arith.constant 0 : index
        %get3A_1140 = tpu.vector_load %arg6[%get3A_1138, %get3A_1139] {strides = array<i32>} : memref<5120x16xf32, #tpu.memory_space<vmem>>, vector<1x16xf32>,
        %get3A_1141 = vector.shape_cast %get3A_1140 : vector<1x16xf32> to vector<16xf32>
        %add3A_1142 = arith.addf %add3A_1135, %get3A_1141 : vector<16xf32>
        %add3A_1143 = arith.constant 2048 : i32
        %add3A_1144 = arith.addi %add3A_1143, %add3A_1090 : i32
        %get3A_1145 = arith.index_cast %add3A_1144 : i32 to index
        %get3A_1146 = arith.constant 0 : index
        %get3A_1147 = tpu.vector_load %arg6[%get3A_1145, %get3A_1146] {strides = array<i32>} : memref<5120x16xf32, #tpu.memory_space<vmem>>, vector<1x16xf32>,
        %get3A_1148 = vector.shape_cast %get3A_1147 : vector<1x16xf32> to vector<16xf32>
        %add3A_1149 = arith.addf %add3A_1142, %get3A_1148 : vector<16xf32>
        %add3A_1150 = arith.constant 2304 : i32
        %add3A_1151 = arith.addi %add3A_1150, %add3A_1090 : i32
        %get3A_1152 = arith.index_cast %add3A_1151 : i32 to index
        %get3A_1153 = arith.constant 0 : index
        %get3A_1154 = tpu.vector_load %arg6[%get3A_1152, %get3A_1153] {strides = array<i32>} : memref<5120x16xf32, #tpu.memory_space<vmem>>, vector<1x16xf32>,
        %get3A_1155 = vector.shape_cast %get3A_1154 : vector<1x16xf32> to vector<16xf32>
        %add3A_1156 = arith.addf %add3A_1149, %get3A_1155 : vector<16xf32>
        %add3A_1157 = arith.constant 2560 : i32
        %add3A_1158 = arith.addi %add3A_1157, %add3A_1090 : i32
        %get3A_1159 = arith.index_cast %add3A_1158 : i32 to index
        %get3A_1160 = arith.constant 0 : index
        %get3A_1161 = tpu.vector_load %arg6[%get3A_1159, %get3A_1160] {strides = array<i32>} : memref<5120x16xf32, #tpu.memory_space<vmem>>, vector<1x16xf32>,
        %get3A_1162 = vector.shape_cast %get3A_1161 : vector<1x16xf32> to vector<16xf32>
        %add3A_1163 = arith.addf %add3A_1156, %get3A_1162 : vector<16xf32>
        %add3A_1164 = arith.constant 2816 : i32
        %add3A_1165 = arith.addi %add3A_1164, %add3A_1090 : i32
        %get3A_1166 = arith.index_cast %add3A_1165 : i32 to index
        %get3A_1167 = arith.constant 0 : index
        %get3A_1168 = tpu.vector_load %arg6[%get3A_1166, %get3A_1167] {strides = array<i32>} : memref<5120x16xf32, #tpu.memory_space<vmem>>, vector<1x16xf32>,
        %get3A_1169 = vector.shape_cast %get3A_1168 : vector<1x16xf32> to vector<16xf32>
        %add3A_1170 = arith.addf %add3A_1163, %get3A_1169 : vector<16xf32>
        %add3A_1171 = arith.constant 3072 : i32
        %add3A_1172 = arith.addi %add3A_1171, %add3A_1090 : i32
        %get3A_1173 = arith.index_cast %add3A_1172 : i32 to index
        %get3A_1174 = arith.constant 0 : index
        %get3A_1175 = tpu.vector_load %arg6[%get3A_1173, %get3A_1174] {strides = array<i32>} : memref<5120x16xf32, #tpu.memory_space<vmem>>, vector<1x16xf32>,
        %get3A_1176 = vector.shape_cast %get3A_1175 : vector<1x16xf32> to vector<16xf32>
        %add3A_1177 = arith.addf %add3A_1170, %get3A_1176 : vector<16xf32>
        %add3A_1178 = arith.constant 3328 : i32
        %add3A_1179 = arith.addi %add3A_1178, %add3A_1090 : i32
        %get3A_1180 = arith.index_cast %add3A_1179 : i32 to index
        %get3A_1181 = arith.constant 0 : index
        %get3A_1182 = tpu.vector_load %arg6[%get3A_1180, %get3A_1181] {strides = array<i32>} : memref<5120x16xf32, #tpu.memory_space<vmem>>, vector<1x16xf32>,
        %get3A_1183 = vector.shape_cast %get3A_1182 : vector<1x16xf32> to vector<16xf32>
        %add3A_1184 = arith.addf %add3A_1177, %get3A_1183 : vector<16xf32>
        %add3A_1185 = arith.constant 3584 : i32
        %add3A_1186 = arith.addi %add3A_1185, %add3A_1090 : i32
        %get3A_1187 = arith.index_cast %add3A_1186 : i32 to index
        %get3A_1188 = arith.constant 0 : index
        %get3A_1189 = tpu.vector_load %arg6[%get3A_1187, %get3A_1188] {strides = array<i32>} : memref<5120x16xf32, #tpu.memory_space<vmem>>, vector<1x16xf32>,
        %get3A_1190 = vector.shape_cast %get3A_1189 : vector<1x16xf32> to vector<16xf32>
        %add3A_1191 = arith.addf %add3A_1184, %get3A_1190 : vector<16xf32>
        %add3A_1192 = arith.constant 3840 : i32
        %add3A_1193 = arith.addi %add3A_1192, %add3A_1090 : i32
        %get3A_1194 = arith.index_cast %add3A_1193 : i32 to index
        %get3A_1195 = arith.constant 0 : index
        %get3A_1196 = tpu.vector_load %arg6[%get3A_1194, %get3A_1195] {strides = array<i32>} : memref<5120x16xf32, #tpu.memory_space<vmem>>, vector<1x16xf32>,
        %get3A_1197 = vector.shape_cast %get3A_1196 : vector<1x16xf32> to vector<16xf32>
        %add3A_1198 = arith.addf %add3A_1191, %get3A_1197 : vector<16xf32>
        %add3A_1199 = arith.constant 4096 : i32
        %add3A_1200 = arith.addi %add3A_1199, %add3A_1090 : i32
        %get3A_1201 = arith.index_cast %add3A_1200 : i32 to index
        %get3A_1202 = arith.constant 0 : index
        %get3A_1203 = tpu.vector_load %arg6[%get3A_1201, %get3A_1202] {strides = array<i32>} : memref<5120x16xf32, #tpu.memory_space<vmem>>, vector<1x16xf32>,
        %get3A_1204 = vector.shape_cast %get3A_1203 : vector<1x16xf32> to vector<16xf32>
        %add3A_1205 = arith.addf %add3A_1198, %get3A_1204 : vector<16xf32>
        %add3A_1206 = arith.constant 4352 : i32
        %add3A_1207 = arith.addi %add3A_1206, %add3A_1090 : i32
        %get3A_1208 = arith.index_cast %add3A_1207 : i32 to index
        %get3A_1209 = arith.constant 0 : index
        %get3A_1210 = tpu.vector_load %arg6[%get3A_1208, %get3A_1209] {strides = array<i32>} : memref<5120x16xf32, #tpu.memory_space<vmem>>, vector<1x16xf32>,
        %get3A_1211 = vector.shape_cast %get3A_1210 : vector<1x16xf32> to vector<16xf32>
        %add3A_1212 = arith.addf %add3A_1205, %get3A_1211 : vector<16xf32>
        %add3A_1213 = arith.constant 4608 : i32
        %add3A_1214 = arith.addi %add3A_1213, %add3A_1090 : i32
        %get3A_1215 = arith.index_cast %add3A_1214 : i32 to index
        %get3A_1216 = arith.constant 0 : index
        %get3A_1217 = tpu.vector_load %arg6[%get3A_1215, %get3A_1216] {strides = array<i32>} : memref<5120x16xf32, #tpu.memory_space<vmem>>, vector<1x16xf32>,
        %get3A_1218 = vector.shape_cast %get3A_1217 : vector<1x16xf32> to vector<16xf32>
        %add3A_1219 = arith.addf %add3A_1212, %get3A_1218 : vector<16xf32>
        %add3A_1220 = arith.constant 4864 : i32
        %add3A_1221 = arith.addi %add3A_1220, %add3A_1090 : i32
        %get3A_1222 = arith.index_cast %add3A_1221 : i32 to index
        %get3A_1223 = arith.constant 0 : index
        %get3A_1224 = tpu.vector_load %arg6[%get3A_1222, %get3A_1223] {strides = array<i32>} : memref<5120x16xf32, #tpu.memory_space<vmem>>, vector<1x16xf32>,
        %get3A_1225 = vector.shape_cast %get3A_1224 : vector<1x16xf32> to vector<16xf32>
        %add3A_1226 = arith.addf %add3A_1219, %get3A_1225 : vector<16xf32>
        %swap3A = arith.index_cast %add3A_1090 : i32 to index
        %swap3A_1227 = arith.constant 0 : index
        %swap3A_1228 = tpu.vector_load %arg7[%swap3A, %swap3A_1227] {strides = array<i32>} : memref<256x16xf32, #tpu.memory_space<vmem>>, vector<1x16xf32>,
        %swap3A_1229 = vector.shape_cast %swap3A_1228 : vector<1x16xf32> to vector<16xf32>
        %swap3A_1230 = vector.shape_cast %add3A_1226 : vector<16xf32> to vector<1x16xf32>
        tpu.vector_store %arg7[%swap3A, %swap3A_1227], %swap3A_1230 {strides = array<i32>} : memref<256x16xf32, #tpu.memory_space<vmem>>, vector<1x16xf32>,
      }
      %scan3A_1081 = arith.constant 128 : i32
      %mul3A_1082 = arith.constant 16 : i32
      %mul3A_1083 = arith.muli %add3A_33, %mul3A_1082 : i32
      "tpu.region"() ({
        %run_scoped3A = tpu.sem_alloc : memref<!tpu.dma_semaphore, #tpu.memory_space<semaphore_mem>>
        %dma_start3A_1084 = tpu.memref_slice %arg4[%multiple_of3A, %mul3A_1083] : memref<4096x416xf32, #tpu.memory_space<hbm>> -> memref<256x16xf32, #tpu.memory_space<hbm>>
        %dma_start3A_1085 = tpu.memref_slice %arg4[%multiple_of3A, %mul3A_1083] : memref<4096x416xf32, #tpu.memory_space<hbm>> -> memref<256x16xf32, #tpu.memory_space<hbm>>
        tpu.enqueue_dma source(%arg7 : memref<256x16xf32, #tpu.memory_space<vmem>>) target(%dma_start3A_1085 : memref<256x16xf32, #tpu.memory_space<hbm>>) target_semaphore(%run_scoped3A : memref<!tpu.dma_semaphore, #tpu.memory_space<semaphore_mem>>)
        %dma_wait3A_1086 = tpu.memref_slice %arg4[%multiple_of3A, %mul3A_1083] : memref<4096x416xf32, #tpu.memory_space<hbm>> -> memref<256x16xf32, #tpu.memory_space<hbm>>
        %dma_wait3A_1087 = tpu.memref_slice %arg4[%multiple_of3A, %mul3A_1083] : memref<4096x416xf32, #tpu.memory_space<hbm>> -> memref<256x16xf32, #tpu.memory_space<hbm>>
        tpu.wait_dma2 semaphore(%run_scoped3A : memref<!tpu.dma_semaphore, #tpu.memory_space<semaphore_mem>>) src(%arg7 : memref<256x16xf32, #tpu.memory_space<vmem>>) dst(%dma_wait3A_1087 : memref<256x16xf32, #tpu.memory_space<hbm>>)
        tpu.yield
      }) : () -> ()
    }
    %scan3A_25 = arith.constant 13 : i32
    return
  }
}

module attributes {stable_mosaic.version = 14 : i64} {
  func.func @_tc_prep_body(%arg0: i32, %arg1: memref<1x16x100000xf32, #tpu.memory_space<vmem>>, %arg2: memref<1x20x4096xi32, #tpu.memory_space<vmem>>, %arg3: memref<1x12500x128xf32, #tpu.memory_space<vmem>>, %arg4: memref<1x20x4096xi32, #tpu.memory_space<vmem>>) attributes {dimension_semantics = [#tpu.dimension_semantics<arbitrary>], iteration_bounds = array<i64: 26>, scalar_prefetch = 0 : i64, scratch_operands = 0 : i64, tpu.core_type = #tpu.core_type<tc>, window_params = [{transform_indices = @transform_0, window_bounds = array<i64: 1, 16, 100000>}, {transform_indices = @transform_1, window_bounds = array<i64: 1, 20, 4096>}, {transform_indices = @transform_2, window_bounds = array<i64: 1, 12500, 128>}, {transform_indices = @transform_3, window_bounds = array<i64: 1, 20, 4096>}]} {
    %get3A = arith.constant 0 : index
    %get3A_0 = arith.constant 0 : index
    %get3A_1 = arith.constant 0 : index
    %get3A_2 = vector.load %arg1[%get3A, %get3A_0, %get3A_1] : memref<1x16x100000xf32, #tpu.memory_space<vmem>>, vector<1x16x12500xf32>
    %get3A_3 = vector.shape_cast %get3A_2 : vector<1x16x12500xf32> to vector<16x12500xf32>
    %transpose3A = tpu.transpose %get3A_3, [1, 0] : vector<16x12500xf32> -> vector<12500x16xf32>
    %swap3A = arith.constant 0 : index
    %swap3A_4 = arith.constant 0 : index
    %swap3A_5 = arith.constant 0 : index
    %swap3A_6 = vector.load %arg3[%swap3A, %swap3A_4, %swap3A_5] : memref<1x12500x128xf32, #tpu.memory_space<vmem>>, vector<1x12500x16xf32>
    %swap3A_7 = vector.shape_cast %swap3A_6 : vector<1x12500x16xf32> to vector<12500x16xf32>
    %swap3A_8 = vector.shape_cast %transpose3A : vector<12500x16xf32> to vector<1x12500x16xf32>
    tpu.vector_store %arg3[%swap3A, %swap3A_4, %swap3A_5], %swap3A_8 {strides = array<i32>} : memref<1x12500x128xf32, #tpu.memory_space<vmem>>, vector<1x12500x16xf32>,
    %get3A_9 = arith.constant 0 : index
    %get3A_10 = arith.constant 0 : index
    %get3A_11 = arith.constant 12500 : index
    %get3A_12 = vector.load %arg1[%get3A_9, %get3A_10, %get3A_11] : memref<1x16x100000xf32, #tpu.memory_space<vmem>>, vector<1x16x12500xf32>
    %get3A_13 = vector.shape_cast %get3A_12 : vector<1x16x12500xf32> to vector<16x12500xf32>
    %transpose3A_14 = tpu.transpose %get3A_13, [1, 0] : vector<16x12500xf32> -> vector<12500x16xf32>
    %swap3A_15 = arith.constant 0 : index
    %swap3A_16 = arith.constant 0 : index
    %swap3A_17 = arith.constant 16 : index
    %swap3A_18 = vector.load %arg3[%swap3A_15, %swap3A_16, %swap3A_17] : memref<1x12500x128xf32, #tpu.memory_space<vmem>>, vector<1x12500x16xf32>
    %swap3A_19 = vector.shape_cast %swap3A_18 : vector<1x12500x16xf32> to vector<12500x16xf32>
    %swap3A_20 = vector.shape_cast %transpose3A_14 : vector<12500x16xf32> to vector<1x12500x16xf32>
    tpu.vector_store %arg3[%swap3A_15, %swap3A_16, %swap3A_17], %swap3A_20 {strides = array<i32>} : memref<1x12500x128xf32, #tpu.memory_space<vmem>>, vector<1x12500x16xf32>,
    %get3A_21 = arith.constant 0 : index
    %get3A_22 = arith.constant 0 : index
    %get3A_23 = arith.constant 25000 : index
    %get3A_24 = vector.load %arg1[%get3A_21, %get3A_22, %get3A_23] : memref<1x16x100000xf32, #tpu.memory_space<vmem>>, vector<1x16x12500xf32>
    %get3A_25 = vector.shape_cast %get3A_24 : vector<1x16x12500xf32> to vector<16x12500xf32>
    %transpose3A_26 = tpu.transpose %get3A_25, [1, 0] : vector<16x12500xf32> -> vector<12500x16xf32>
    %swap3A_27 = arith.constant 0 : index
    %swap3A_28 = arith.constant 0 : index
    %swap3A_29 = arith.constant 32 : index
    %swap3A_30 = vector.load %arg3[%swap3A_27, %swap3A_28, %swap3A_29] : memref<1x12500x128xf32, #tpu.memory_space<vmem>>, vector<1x12500x16xf32>
    %swap3A_31 = vector.shape_cast %swap3A_30 : vector<1x12500x16xf32> to vector<12500x16xf32>
    %swap3A_32 = vector.shape_cast %transpose3A_26 : vector<12500x16xf32> to vector<1x12500x16xf32>
    tpu.vector_store %arg3[%swap3A_27, %swap3A_28, %swap3A_29], %swap3A_32 {strides = array<i32>} : memref<1x12500x128xf32, #tpu.memory_space<vmem>>, vector<1x12500x16xf32>,
    %get3A_33 = arith.constant 0 : index
    %get3A_34 = arith.constant 0 : index
    %get3A_35 = arith.constant 37500 : index
    %get3A_36 = vector.load %arg1[%get3A_33, %get3A_34, %get3A_35] : memref<1x16x100000xf32, #tpu.memory_space<vmem>>, vector<1x16x12500xf32>
    %get3A_37 = vector.shape_cast %get3A_36 : vector<1x16x12500xf32> to vector<16x12500xf32>
    %transpose3A_38 = tpu.transpose %get3A_37, [1, 0] : vector<16x12500xf32> -> vector<12500x16xf32>
    %swap3A_39 = arith.constant 0 : index
    %swap3A_40 = arith.constant 0 : index
    %swap3A_41 = arith.constant 48 : index
    %swap3A_42 = vector.load %arg3[%swap3A_39, %swap3A_40, %swap3A_41] : memref<1x12500x128xf32, #tpu.memory_space<vmem>>, vector<1x12500x16xf32>
    %swap3A_43 = vector.shape_cast %swap3A_42 : vector<1x12500x16xf32> to vector<12500x16xf32>
    %swap3A_44 = vector.shape_cast %transpose3A_38 : vector<12500x16xf32> to vector<1x12500x16xf32>
    tpu.vector_store %arg3[%swap3A_39, %swap3A_40, %swap3A_41], %swap3A_44 {strides = array<i32>} : memref<1x12500x128xf32, #tpu.memory_space<vmem>>, vector<1x12500x16xf32>,
    %get3A_45 = arith.constant 0 : index
    %get3A_46 = arith.constant 0 : index
    %get3A_47 = arith.constant 50000 : index
    %get3A_48 = vector.load %arg1[%get3A_45, %get3A_46, %get3A_47] : memref<1x16x100000xf32, #tpu.memory_space<vmem>>, vector<1x16x12500xf32>
    %get3A_49 = vector.shape_cast %get3A_48 : vector<1x16x12500xf32> to vector<16x12500xf32>
    %transpose3A_50 = tpu.transpose %get3A_49, [1, 0] : vector<16x12500xf32> -> vector<12500x16xf32>
    %swap3A_51 = arith.constant 0 : index
    %swap3A_52 = arith.constant 0 : index
    %swap3A_53 = arith.constant 64 : index
    %swap3A_54 = vector.load %arg3[%swap3A_51, %swap3A_52, %swap3A_53] : memref<1x12500x128xf32, #tpu.memory_space<vmem>>, vector<1x12500x16xf32>
    %swap3A_55 = vector.shape_cast %swap3A_54 : vector<1x12500x16xf32> to vector<12500x16xf32>
    %swap3A_56 = vector.shape_cast %transpose3A_50 : vector<12500x16xf32> to vector<1x12500x16xf32>
    tpu.vector_store %arg3[%swap3A_51, %swap3A_52, %swap3A_53], %swap3A_56 {strides = array<i32>} : memref<1x12500x128xf32, #tpu.memory_space<vmem>>, vector<1x12500x16xf32>,
    %get3A_57 = arith.constant 0 : index
    %get3A_58 = arith.constant 0 : index
    %get3A_59 = arith.constant 62500 : index
    %get3A_60 = vector.load %arg1[%get3A_57, %get3A_58, %get3A_59] : memref<1x16x100000xf32, #tpu.memory_space<vmem>>, vector<1x16x12500xf32>
    %get3A_61 = vector.shape_cast %get3A_60 : vector<1x16x12500xf32> to vector<16x12500xf32>
    %transpose3A_62 = tpu.transpose %get3A_61, [1, 0] : vector<16x12500xf32> -> vector<12500x16xf32>
    %swap3A_63 = arith.constant 0 : index
    %swap3A_64 = arith.constant 0 : index
    %swap3A_65 = arith.constant 80 : index
    %swap3A_66 = vector.load %arg3[%swap3A_63, %swap3A_64, %swap3A_65] : memref<1x12500x128xf32, #tpu.memory_space<vmem>>, vector<1x12500x16xf32>
    %swap3A_67 = vector.shape_cast %swap3A_66 : vector<1x12500x16xf32> to vector<12500x16xf32>
    %swap3A_68 = vector.shape_cast %transpose3A_62 : vector<12500x16xf32> to vector<1x12500x16xf32>
    tpu.vector_store %arg3[%swap3A_63, %swap3A_64, %swap3A_65], %swap3A_68 {strides = array<i32>} : memref<1x12500x128xf32, #tpu.memory_space<vmem>>, vector<1x12500x16xf32>,
    %get3A_69 = arith.constant 0 : index
    %get3A_70 = arith.constant 0 : index
    %get3A_71 = arith.constant 75000 : index
    %get3A_72 = vector.load %arg1[%get3A_69, %get3A_70, %get3A_71] : memref<1x16x100000xf32, #tpu.memory_space<vmem>>, vector<1x16x12500xf32>
    %get3A_73 = vector.shape_cast %get3A_72 : vector<1x16x12500xf32> to vector<16x12500xf32>
    %transpose3A_74 = tpu.transpose %get3A_73, [1, 0] : vector<16x12500xf32> -> vector<12500x16xf32>
    %swap3A_75 = arith.constant 0 : index
    %swap3A_76 = arith.constant 0 : index
    %swap3A_77 = arith.constant 96 : index
    %swap3A_78 = vector.load %arg3[%swap3A_75, %swap3A_76, %swap3A_77] : memref<1x12500x128xf32, #tpu.memory_space<vmem>>, vector<1x12500x16xf32>
    %swap3A_79 = vector.shape_cast %swap3A_78 : vector<1x12500x16xf32> to vector<12500x16xf32>
    %swap3A_80 = vector.shape_cast %transpose3A_74 : vector<12500x16xf32> to vector<1x12500x16xf32>
    tpu.vector_store %arg3[%swap3A_75, %swap3A_76, %swap3A_77], %swap3A_80 {strides = array<i32>} : memref<1x12500x128xf32, #tpu.memory_space<vmem>>, vector<1x12500x16xf32>,
    %get3A_81 = arith.constant 0 : index
    %get3A_82 = arith.constant 0 : index
    %get3A_83 = arith.constant 87500 : index
    %get3A_84 = vector.load %arg1[%get3A_81, %get3A_82, %get3A_83] : memref<1x16x100000xf32, #tpu.memory_space<vmem>>, vector<1x16x12500xf32>
    %get3A_85 = vector.shape_cast %get3A_84 : vector<1x16x12500xf32> to vector<16x12500xf32>
    %transpose3A_86 = tpu.transpose %get3A_85, [1, 0] : vector<16x12500xf32> -> vector<12500x16xf32>
    %swap3A_87 = arith.constant 0 : index
    %swap3A_88 = arith.constant 0 : index
    %swap3A_89 = arith.constant 112 : index
    %swap3A_90 = vector.load %arg3[%swap3A_87, %swap3A_88, %swap3A_89] : memref<1x12500x128xf32, #tpu.memory_space<vmem>>, vector<1x12500x16xf32>
    %swap3A_91 = vector.shape_cast %swap3A_90 : vector<1x12500x16xf32> to vector<12500x16xf32>
    %swap3A_92 = vector.shape_cast %transpose3A_86 : vector<12500x16xf32> to vector<1x12500x16xf32>
    tpu.vector_store %arg3[%swap3A_87, %swap3A_88, %swap3A_89], %swap3A_92 {strides = array<i32>} : memref<1x12500x128xf32, #tpu.memory_space<vmem>>, vector<1x12500x16xf32>,
    %get3A_93 = arith.constant 0 : index
    %get3A_94 = arith.constant 0 : index
    %get3A_95 = arith.constant 0 : index
    %get3A_96 = vector.load %arg2[%get3A_93, %get3A_94, %get3A_95] : memref<1x20x4096xi32, #tpu.memory_space<vmem>>, vector<1x20x4096xi32>
    %get3A_97 = vector.shape_cast %get3A_96 : vector<1x20x4096xi32> to vector<20x4096xi32>
    %ge3A = arith.constant 12500 : i32
    %ge3A_98 = vector.broadcast %ge3A : i32 to vector<20x4096xi32>
    %ge3A_99 = arith.cmpi sge, %get3A_97, %ge3A_98 : vector<20x4096xi32>
    %convert_element_type3A = arith.extui %ge3A_99 : vector<20x4096xi1> to vector<20x4096xi32>
    %ge3A_100 = arith.constant 25000 : i32
    %ge3A_101 = vector.broadcast %ge3A_100 : i32 to vector<20x4096xi32>
    %ge3A_102 = arith.cmpi sge, %get3A_97, %ge3A_101 : vector<20x4096xi32>
    %convert_element_type3A_103 = arith.extui %ge3A_102 : vector<20x4096xi1> to vector<20x4096xi32>
    %add3A = arith.addi %convert_element_type3A, %convert_element_type3A_103 : vector<20x4096xi32>
    %ge3A_104 = arith.constant 37500 : i32
    %ge3A_105 = vector.broadcast %ge3A_104 : i32 to vector<20x4096xi32>
    %ge3A_106 = arith.cmpi sge, %get3A_97, %ge3A_105 : vector<20x4096xi32>
    %convert_element_type3A_107 = arith.extui %ge3A_106 : vector<20x4096xi1> to vector<20x4096xi32>
    %add3A_108 = arith.addi %add3A, %convert_element_type3A_107 : vector<20x4096xi32>
    %ge3A_109 = arith.constant 50000 : i32
    %ge3A_110 = vector.broadcast %ge3A_109 : i32 to vector<20x4096xi32>
    %ge3A_111 = arith.cmpi sge, %get3A_97, %ge3A_110 : vector<20x4096xi32>
    %convert_element_type3A_112 = arith.extui %ge3A_111 : vector<20x4096xi1> to vector<20x4096xi32>
    %add3A_113 = arith.addi %add3A_108, %convert_element_type3A_112 : vector<20x4096xi32>
    %ge3A_114 = arith.constant 62500 : i32
    %ge3A_115 = vector.broadcast %ge3A_114 : i32 to vector<20x4096xi32>
    %ge3A_116 = arith.cmpi sge, %get3A_97, %ge3A_115 : vector<20x4096xi32>
    %convert_element_type3A_117 = arith.extui %ge3A_116 : vector<20x4096xi1> to vector<20x4096xi32>
    %add3A_118 = arith.addi %add3A_113, %convert_element_type3A_117 : vector<20x4096xi32>
    %ge3A_119 = arith.constant 75000 : i32
    %ge3A_120 = vector.broadcast %ge3A_119 : i32 to vector<20x4096xi32>
    %ge3A_121 = arith.cmpi sge, %get3A_97, %ge3A_120 : vector<20x4096xi32>
    %convert_element_type3A_122 = arith.extui %ge3A_121 : vector<20x4096xi1> to vector<20x4096xi32>
    %add3A_123 = arith.addi %add3A_118, %convert_element_type3A_122 : vector<20x4096xi32>
    %ge3A_124 = arith.constant 87500 : i32
    %ge3A_125 = vector.broadcast %ge3A_124 : i32 to vector<20x4096xi32>
    %ge3A_126 = arith.cmpi sge, %get3A_97, %ge3A_125 : vector<20x4096xi32>
    %convert_element_type3A_127 = arith.extui %ge3A_126 : vector<20x4096xi1> to vector<20x4096xi32>
    %add3A_128 = arith.addi %add3A_123, %convert_element_type3A_127 : vector<20x4096xi32>
    %mul3A = arith.constant 8 : i32
    %mul3A_129 = vector.broadcast %mul3A : i32 to vector<20x4096xi32>
    %mul3A_130 = arith.muli %get3A_97, %mul3A_129 : vector<20x4096xi32>
    %mul3A_131 = arith.constant 99999 : i32
    %mul3A_132 = vector.broadcast %mul3A_131 : i32 to vector<20x4096xi32>
    %mul3A_133 = arith.muli %add3A_128, %mul3A_132 : vector<20x4096xi32>
    %sub3A = arith.subi %mul3A_130, %mul3A_133 : vector<20x4096xi32>
    %mul3A_134 = arith.constant 100000 : i32
    %mul3A_135 = arith.muli %arg0, %mul3A_134 : i32
    %add3A_136 = vector.broadcast %mul3A_135 : i32 to vector<20x4096xi32>
    %add3A_137 = arith.addi %sub3A, %add3A_136 : vector<20x4096xi32>
    %swap3A_138 = arith.constant 0 : index
    %swap3A_139 = arith.constant 0 : index
    %swap3A_140 = arith.constant 0 : index
    %swap3A_141 = vector.load %arg4[%swap3A_138, %swap3A_139, %swap3A_140] : memref<1x20x4096xi32, #tpu.memory_space<vmem>>, vector<1x20x4096xi32>
    %swap3A_142 = vector.shape_cast %swap3A_141 : vector<1x20x4096xi32> to vector<20x4096xi32>
    %swap3A_143 = vector.shape_cast %add3A_137 : vector<20x4096xi32> to vector<1x20x4096xi32>
    tpu.vector_store %arg4[%swap3A_138, %swap3A_139, %swap3A_140], %swap3A_143 {strides = array<i32>} : memref<1x20x4096xi32, #tpu.memory_space<vmem>>, vector<1x20x4096xi32>,
    return
  }
  func.func @transform_0(%arg0: i32) -> (i32, i32, i32) {
    %c0_i32 = arith.constant 0 : i32
    %c0_i32_0 = arith.constant 0 : i32
    %c0_i32_1 = arith.constant 0 : i32
    return %arg0, %c0_i32, %c0_i32_0 : i32, i32, i32
  }
  func.func @transform_1(%arg0: i32) -> (i32, i32, i32) {
    %c0_i32 = arith.constant 0 : i32
    %c0_i32_0 = arith.constant 0 : i32
    %c0_i32_1 = arith.constant 0 : i32
    return %arg0, %c0_i32, %c0_i32_0 : i32, i32, i32
  }
  func.func @transform_2(%arg0: i32) -> (i32, i32, i32) {
    %c0_i32 = arith.constant 0 : i32
    %c0_i32_0 = arith.constant 0 : i32
    %c0_i32_1 = arith.constant 0 : i32
    return %arg0, %c0_i32, %c0_i32_0 : i32, i32, i32
  }
  func.func @transform_3(%arg0: i32) -> (i32, i32, i32) {
    %c0_i32 = arith.constant 0 : i32
    %c0_i32_0 = arith.constant 0 : i32
    %c0_i32_1 = arith.constant 0 : i32
    return %arg0, %c0_i32, %c0_i32_0 : i32, i32, i32
  }
}

</mosaic_0001>

<sc_bundles>
// kernel: kernel.4.cloned.1.call-start
scs
__scs_entry_jumppad:
0x0: {  	(pc) =	sbr.rel $0x88, $3  }
0x1: {  	(tag) =	ssettag $0x0;
	lr =	simm.s32 $0x1  }
0x2: {  	[smem:$0x3F9F] =	sst lr;
	_ =	strace $0xD0000000  }
0x3: {  	_ = 	snop  }
0x4: {  	_ = 	snop  }
0x5: {  	_ = 	snop  }
0x6: {  	_ = 	snop  }
0x7: {  	_ = 	snop  }
__scs_overlays_trampoline_lowered:
0x8: {  	[smem:$0x3FAE] =	sst s0  }
0x9: {  	[smem:$0x3FAF] =	sst s1  }
0xa: {  	[smem:$0x3FB0] =	sst s2  }
0xb: {  	[smem:$0x3FB1] =	sst s3  }
0xc: {  	[smem:$0x3FB2] =	sst s4  }
0xd: {  	[smem:$0x3FB3] =	sst s5  }
0xe: {  	[smem:$0x3FB4] =	sst s6  }
0xf: {  	[smem:$0x3FB5] =	sst s7  }
0x10: {  	[smem:$0x3FB6] =	sst s8  }
0x11: {  	[smem:$0x3FB7] =	sst s9;
	s0 =	simm.s32 @!p0 $0x0  }
0x12: {  	s1 =	sld [smem:$0x3F9D];
	s0 =	simm.s32 @p0 $0x1  }
0x13: {  	[smem:$0x3FB8] =	sst s0;
	s0 =	simm.s32 @!p1 $0x0  }
0x14: {  	s2 =	sld [smem:$0x3F9C];
	s0 =	simm.s32 @p1 $0x1  }
0x15: {  	[smem:$0x3FB9] =	sst s0;
	s0 =	simm.s32 @!p2 $0x0  }
0x16: {  	s3 =	sld [smem:$0x3FDB];
	s0 =	simm.s32 @p2 $0x1  }
0x17: {  	s4 =	simm.s32 $0x1BF5;
	[smem:$0x3FBB] =	sst s0  }
0x18: {  	s0 =	sld [smem:$0x3F9E];
	_ =	swait.ge [sflag:s4], $0x0  }
0x19: {  	s7 =	sld [smem:$0x3F9F]  }
0x1a: {  	s8 =	sadd.s32 $0xFFFFE003, lr  }
0x1b: {  	s9 =	sadd.s32 $0xFFFFFEF7, lr;
	s5 =	simm.s32 $0xFFFFFFFF;
	p2 =	slt.u32 s8, $0xFFFFF086  }
0x1c: {  	p1 =	slt.u32 s9, $0xF7A;
	s5 =	simm.s32 @!p2 $0x0  }
0x1d: {  	s5 =	simm.s32 @p1 $0x1;
	p0 =	seq.s32 s7, s2  }
0x1e: {  	s7 =	smul.u32 @!p0 $0xF7A, s2;
	p2 =	seq.s32 @!p0 s5, $0x0  }
0x1f: {  	s9 =	smul.u32 $0xF7A, s1;
	s8 =	simm.s32 @!p0 $0x1BF5;
	p2 =	por !p2, p0  }
0x20: {  	[sflag:s8] =	ssyncset.s32 @!p0 $0xFFFFF086;
	s6 =	sadd.s32 @!p0 s3, s7;
	s7 =	simm.s32 @!p0 $0x108  }
0x21: {  	s3 =	sadd.s32 s3, s9;
	s6 =	sadd.s32 @!p0 $0x88, s6;
	s7 =	simm.s32 @p2 $0x1082  }
0x22: {  	[simem:s7], [sflag:s8] =	dma.local @!p0 [hbm:s6], $0xF7A  }
0x23: {  	s9 =	sor.u32 $0xD0000000, s2;
	s6 =	simm.s32 $0x108;
	_ =	swait.ge @!p0 [sflag:s8], $0x0  }
0x24: {  	s3 =	sadd.s32 $0x88, s3;
	s6 =	simm.s32 @!p1 $0x1082;
	[sflag:s4] =	ssyncset.s32 $0xFFFFF086  }
0x25: {  	[simem:s6], [sflag:s4] =	dma.local [hbm:s3], $0xF7A  }
0x26: {  	[smem:$0x3F9F] =	sst s1;
	(tag) =	ssettag s2;
	_ =	strace s9  }
0x27: {  	s1 =	sld [smem:$0x3FAF]  }
0x28: {  	s2 =	sld [smem:$0x3FB0]  }
0x29: {  	s4 =	sld [smem:$0x3FB2]  }
0x2a: {  	p0 =	seq.s32 s5, $0x0;
	s5 =	sld [smem:$0x3FB3]  }
0x2b: {  	s6 =	sld [smem:$0x3FB4]  }
0x2c: {  	s7 =	sld [smem:$0x3FB5]  }
0x2d: {  	s3 =	simm.s32 $0x108;
	s8 =	sld [smem:$0x3FB6]  }
0x2e: {  	s3 =	simm.s32 @!p0 $0x1082;
	s9 =	sld [smem:$0x3FB7]  }
0x2f: {  	lr =	sadd.s32 s0, s3;
	s0 =	sld [smem:$0x3FAE]  }
0x30: {  	s3 =	sld [smem:$0x3FB1]  }
0x31: {  	[smem:$0x3FBA] =	sst s10  }
0x32: {  	s10 =	sld [smem:$0x3FB8];
	_ =	sdelay $0x3  }
0x33: {  	p0 =	seq.s32 s10, $0x1;
	s10 =	sld [smem:$0x3FBA];
	_ =	sdelay $0x3  }
0x34: {  	[smem:$0x3FBA] =	sst s10  }
0x35: {  	s10 =	sld [smem:$0x3FB9];
	_ =	sdelay $0x3  }
0x36: {  	p1 =	seq.s32 s10, $0x1;
	s10 =	sld [smem:$0x3FBA];
	_ =	sdelay $0x3  }
0x37: {  	[smem:$0x3FBA] =	sst s10  }
0x38: {  	s10 =	sld [smem:$0x3FBB]  }
0x39: {  	_ = 	snop;
	(pc) =	sbr.ind lr, $3  }
0x3a: {  	_ = 	snop  }
0x3b: {  	_ = 	snop  }
0x3c: {  	p2 =	seq.s32 s10, $0x1;
	s10 =	sld [smem:$0x3FBA]  }
0x3d: {  	_ =	shalt  }
0x3e: {  	_ =	shalt  }
0x3f: {  	_ =	shalt  }
0x40: {  	_ =	shalt  }
0x41: {  	_ =	shalt  }
0x42: {  	_ =	shalt  }
0x43: {  	_ =	shalt  }
0x44: {  	_ =	shalt  }
0x45: {  	_ =	shalt  }
0x46: {  	_ =	shalt  }
0x47: {  	_ =	shalt  }
0x48: {  	_ =	shalt  }
0x49: {  	_ =	shalt  }
0x4a: {  	_ =	shalt  }
0x4b: {  	_ =	shalt  }
0x4c: {  	_ =	shalt  }
0x4d: {  	_ =	shalt  }
0x4e: {  	_ =	shalt  }
0x4f: {  	_ =	shalt  }
0x50: {  	_ =	shalt  }
0x51: {  	_ =	shalt  }
0x52: {  	_ =	shalt  }
0x53: {  	_ =	shalt  }
0x54: {  	_ =	shalt  }
0x55: {  	_ =	shalt  }
0x56: {  	_ =	shalt  }
0x57: {  	_ =	shalt  }
0x58: {  	_ =	shalt  }
0x59: {  	_ =	shalt  }
0x5a: {  	_ =	shalt  }
0x5b: {  	_ =	shalt  }
0x5c: {  	_ =	shalt  }
0x5d: {  	_ =	shalt  }
0x5e: {  	_ =	shalt  }
0x5f: {  	_ =	shalt  }
0x60: {  	_ =	shalt  }
0x61: {  	_ =	shalt  }
0x62: {  	_ =	shalt  }
0x63: {  	_ =	shalt  }
0x64: {  	_ =	shalt  }
0x65: {  	_ =	shalt  }
0x66: {  	_ =	shalt  }
0x67: {  	_ =	shalt  }
0x68: {  	_ =	shalt  }
0x69: {  	_ =	shalt  }
0x6a: {  	_ =	shalt  }
0x6b: {  	_ =	shalt  }
0x6c: {  	_ =	shalt  }
0x6d: {  	_ =	shalt  }
0x6e: {  	_ =	shalt  }
0x6f: {  	_ =	shalt  }
0x70: {  	_ =	shalt  }
0x71: {  	_ =	shalt  }
0x72: {  	_ =	shalt  }
0x73: {  	_ =	shalt  }
0x74: {  	_ =	shalt  }
0x75: {  	_ =	shalt  }
0x76: {  	_ =	shalt  }
0x77: {  	_ =	shalt  }
0x78: {  	_ =	shalt  }
0x79: {  	_ =	shalt  }
0x7a: {  	_ =	shalt  }
0x7b: {  	_ =	shalt  }
0x7c: {  	_ =	shalt  }
0x7d: {  	_ =	shalt  }
0x7e: {  	_ =	shalt  }
0x7f: {  	_ =	shalt  }
0x80: {  	_ =	shalt  }
0x81: {  	_ =	shalt  }
0x82: {  	_ =	shalt  }
0x83: {  	_ =	shalt  }
0x84: {  	_ =	shalt  }
0x85: {  	_ =	shalt  }
0x86: {  	_ =	shalt  }
0x87: {  	_ =	shalt  }
.Lfunc_end0:
.L_simem_size_0:
called_computation_lowered:
.L_overlay_start_0:
0x88: {  	s2 =	sld [smem:$0x3FD9]  }
0x89: {  	s3 =	sld [smem:$0x3FFE];
	_ =	sdelay $0x1  }
0x8a: {  	s1 =	srdreg.scid  }
0x8b: {  	s0 =	sand.u32 $0x1, s1  }
0x8c: {  	s17 =	sshll.u32 s0, $0xA;
	s2 =	sadd.s32 s3, s2  }
0x8d: {  	s2 =	sadd.s32 s2, s17  }
0x8e: {  	[smem:$0x3FC6] =	sst s2  }
0x8f: {  	_ = 	snop  }
0x90: {  	s2 =	sld [smem:$0x3FD0];
	(tm) =	ssettm $0x1  }
0x91: {  	s18 =	sld [smem:$0x3FFB];
	_ =	sdelay $0x3  }
0x92: {  	_ =	strace s18  }
0x93: {  	s3 =	sld [smem:$0x3FFC];
	_ =	sdelay $0x3  }
0x94: {  	_ =	strace s3  }
0x95: {  	s3 =	sld [smem:$0x3FFD];
	_ =	sdelay $0x3  }
0x96: {  	_ =	strace s3  }
0x97: {  	_ =	strace $0x8FFFFFFF  }
0x98: {  	s19 =	sld [smem:$0x3FDB];
	_ =	sdelay $0x1  }
0x99: {  	s4 =	simm.s32 $_scs_section_size  }
0x9a: {  	s5 =	simm.s32 $_size__tile_overlayer_lowered;
	s6 =	simm.s32 $_tile_overlayer_lowered  }
0x9b: {  	s22 =	simm.s32 $0x1BFF;
	s21 =	sshll.u32 s6, $0x1;
	s3 =	sadd.s32 s4, s19  }
0x9c: {  	s7 =	simm.s32 $0x0;
	s20 =	sshll.u32 s5, $0x1;
	s5 =	sadd.s32 s21, s3  }
0x9d: {  	[timem:s7], [sflag:s22] =	dma.local [hbm:s5], s20  }
0x9e: {  	_ =	swait.ge [sflag:s22], s20  }
0x9f: {  	s4 =	ssub.s32 $0x0, s20;
	[sflag:s22] =	ssyncset.done $0x0  }
0xa0: {  	[sflag:s22] =	ssyncadd.s32 s4;
	_ =	sdelay $0x1  }
0xa1: {  	s23 =	simm.s32 $0x1B8B  }
0xa2: {  	_ =	swait.ge [sflag:s23], $0x1  }
0xa3: {  	[sflag:s23] =	ssyncset.done $0x0  }
0xa4: {  	s25 =	simm.s32 $0x1B8E;
	s24 =	sld [smem:$0x3FFE];
	[sflag:s23] =	ssyncadd.s32 $0xFFFFFFFF  }
0xa5: {  	s26 =	simm.s32 $execute0_lowered;
	[smem:$0x3FD2] =	sst s25  }
0xa6: {  	s5 =	sshll.u32 s26, $0x1;
	_ =	strace $0x80000046;
	[dreg:$0x1] =	wrdreg $0xFFFFFFFF  }
0xa7: {  	s28 =	simm.s32 $_size_execute0_lowered;
	s3 =	sadd.s32 s3, s5;
	[dreg:$0x0] =	wrdreg $0x0  }
0xa8: {  	s5 =	sshll.u32 s28, $0x1;
	[dreg:$0x2] =	wrdreg s3  }
0xa9: {  	[dreg:$0x3] =	wrdreg s5  }
0xaa: {  	[dreg:$0x4] =	wrdreg $0xC0  }
0xab: {  	_ =	task [dreg:s7], $0x5FFFF  }
0xac: {  	[dreg:$0x1] =	wrdreg $0xFFFFFFFF  }
0xad: {  	[dreg:$0x0] =	wrdreg $0x60  }
0xae: {  	[dreg:$0x2] =	wrdreg s24  }
0xaf: {  	[dreg:$0x3] =	wrdreg s2  }
0xb0: {  	[dreg:$0x4] =	wrdreg $0x9  }
0xb1: {  	_ =	task.clear_ibuf [dreg:s7], $0x5FFFF;
	_ =	strace $0x90000046  }
0xb2: {  	s29 =	simm.s32 $0x9;
	_ =	strace $0x80000048  }
0xb3: {  	_ =	swait.ge [sflag:s29], $0x1  }
0xb4: {  	[sflag:s29] =	ssyncadd.s32 $0xFFFFFFFF  }
0xb5: {  	_ =	strace $0x90000048  }
0xb6: {  	_ =	sfence  }
0xb7: {  	s30 =	sld [smem:$0x0];
	_ =	sdelay $0x2  }
0xb8: {  	s31 =	sshll.u32 s1, $0xD;
	s1 =	sshrl.u32 s1, $0x2  }
0xb9: {  	s3 =	sand.u32 $0x4000, s31;
	s1 =	sadd.s32 s1, s30  }
0xba: {  	s0 =	sor.u32 s3, s0;
	s1 =	sshll.u32 s1, $0x11  }
0xbb: {  	s0 =	sor.u32 s1, s0  }
0xbc: {  	s0 =	sadd.s32 $0x8F2B, s0  }
0xbd: {  	[sflag:s0] =	ssyncadd.remote.s32 $0x1  }
0xbe: {  	_ =	sfence.sel $0xFFFF  }
0xbf: {  	[dreg:$0x0] =	wrdreg $0xFFFFFFFF;
	(pc) =	sbr.abs _section_cstart, $3  }
0xc0: {  	[dreg:$0x1] =	wrdreg $0xFFFFFFFF  }
0xc1: {  	_ =	task.clear_ibuf [dreg:s7], $0x2FFFF;
	_ =	strace $0x9FFFFFFF  }
0xc2: {  	(tm) =	ssettm $0x7FFFFFFF  }
0xc3: {  	_ =	shalt  }
tec
execute0_lowered:
.L_overlay_start_1:
0x0: {  	(tag) =	ssettag $0x1  }
0x1: {  	s0 =	rddreg [dreg:$0x0];
	s9 =	simm.s32 $0x0;
	s1 =	srdreg.scid  }
0x2: {  	s3 =	stileid.u32;
	s10 =	simm.s32 $0x100;
	s11 =	simm.s32 $0x1000  }
0x3: {  	s12 =	simm.s32 $0x3;
	s13 =	simm.s32 $0x80;
	s14 =	simm.s32 $0xF80  }
0x4: {  	s15 =	simm.s32 $0x10C00;
	s16 =	simm.s32 $0x1080;
	s17 =	simm.s32 $0x11C00  }
0x5: {  	s18 =	simm.s32 $0x1180;
	s19 =	simm.s32 $0x12C00;
	s20 =	simm.s32 $0x1280  }
0x6: {  	s21 =	simm.s32 $0x13C00;
	s22 =	simm.s32 $0x1380;
	s23 =	simm.s32 $0x14C00  }
0x7: {  	s24 =	simm.s32 $0x1;
	s25 =	simm.s32 $0x2;
	s26 =	simm.s32 $0x10  }
0x8: {  	s28 =	simm.s32 $0x1A0;
	s29 =	simm.s32 $0x15400;
	[smem:$0x7FF] =	sst s9  }
0x9: {  	s4 =	sadd.s32 $0x4F6800, s0;
	s1 =	sand.u32 $0x1, s1;
	s5 =	sadd.s32 $0x800, s0  }
0xa: {  	s2 =	sshrl.u32 s3, $0x3;
	s3 =	sshll.u32 s3, $0x9;
	s30 =	ssub.s32 $0x2, s1  }
0xb: {  	_ =	strace $0x80000047;
	s1 =	sshll.u32 s1, $0x8;
	s6 =	sshrl.u32 s30, $0x1  }
0xc: {  	s31 =	sshll.u32 s2, $0xC;
	s1 =	sor.u32 s1, s3;
	s0 =	ssub.s32 s30, s6  }
0xd: {  	s7 =	smul.u32 $0xD, s2;
	s6 =	ssub.s32 s1, s31;
	s0 =	smax.u32 s0, $0x1  }
0xe: {  	s1 =	simm.s32 $0xFC00;
	s8 =	smul.u32 $0x1A0, s6;
	[dreg:$0x4] =	wrdreg s0  }
.LBB2_1:
0xf: {  	[dreg:$0x3] =	wrdreg s9;
	s30 =	simm.s32 $0x0  }
.LBB2_2:
0x10: {  	s31 =	sadd.s32 s7, s30  }
0x11: {  	s0 =	smul.u32 $0x14000, s31;
	_ =	sdelay $0x1  }
0x12: {  	s0 =	sadd.s32 s6, s0  }
0x13: {  	s0 =	sshrl.u32 s0, $0x3  }
0x14: {  	s2 =	simm.s32 $0x0;
	s0 =	sadd.s32 s5, s0  }
0x15: {  	[tilespmem:s2], [sflag:$0x3] =	stream.strided.gather [hbm4b:s0+s10], $0x1400, s11, s10, $0x38;
	[tilespmem:$0x16400] =	vst v63  }
0x16: {  	_ =	swait.ge [sflag:s12], $0x1400  }
0x17: {  	[sflag:s12] =	ssyncset.done $0x0  }
0x18: {  	s9 =	simm.s32 $0x1400;
	[sflag:s12] =	ssyncadd.s32 $0xFFFFEC00  }
0x19: {  	[tilespmem:s9], [sflag:$0x1] =	stream.indirect.gather [hbm4b:s4+s13], $0x10, s2, s13, $0xb8;
	[tilespmem:$0x16400] =	vst v63  }
0x1a: {  	s2 =	simm.s32 $0x2400  }
0x1b: {  	[tilespmem:s2], [sflag:$0x1] =	stream.indirect.gather [hbm4b:s4+s13], $0x10, s10, s13, $0xb8;
	[tilespmem:$0x16400] =	vst v63  }
0x1c: {  	s3 =	simm.s32 $0x200;
	s9 =	simm.s32 $0x3400  }
0x1d: {  	[tilespmem:s9], [sflag:$0x1] =	stream.indirect.gather [hbm4b:s4+s13], $0x10, s3, s13, $0xb8;
	[tilespmem:$0x16400] =	vst v63  }
0x1e: {  	s3 =	simm.s32 $0x300;
	s9 =	simm.s32 $0x4400  }
0x1f: {  	[tilespmem:s9], [sflag:$0x1] =	stream.indirect.gather [hbm4b:s4+s13], $0x10, s3, s13, $0xb8;
	[tilespmem:$0x16400] =	vst v63  }
0x20: {  	s3 =	simm.s32 $0x400;
	s9 =	simm.s32 $0x5400  }
0x21: {  	[tilespmem:s9], [sflag:$0x1] =	stream.indirect.gather [hbm4b:s4+s13], $0x10, s3, s13, $0xb8;
	[tilespmem:$0x16400] =	vst v63  }
0x22: {  	s3 =	simm.s32 $0x500;
	s9 =	simm.s32 $0x6400  }
0x23: {  	[tilespmem:s9], [sflag:$0x1] =	stream.indirect.gather [hbm4b:s4+s13], $0x10, s3, s13, $0xb8;
	[tilespmem:$0x16400] =	vst v63  }
0x24: {  	s3 =	simm.s32 $0x600;
	s9 =	simm.s32 $0x7400  }
0x25: {  	[tilespmem:s9], [sflag:$0x1] =	stream.indirect.gather [hbm4b:s4+s13], $0x10, s3, s13, $0xb8;
	[tilespmem:$0x16400] =	vst v63  }
0x26: {  	s3 =	simm.s32 $0x700;
	s9 =	simm.s32 $0x8400  }
0x27: {  	[tilespmem:s9], [sflag:$0x1] =	stream.indirect.gather [hbm4b:s4+s13], $0x10, s3, s13, $0xb8;
	[tilespmem:$0x16400] =	vst v63  }
0x28: {  	s3 =	simm.s32 $0x800;
	s9 =	simm.s32 $0x9400  }
0x29: {  	[tilespmem:s9], [sflag:$0x1] =	stream.indirect.gather [hbm4b:s4+s13], $0x10, s3, s13, $0xb8;
	[tilespmem:$0x16400] =	vst v63  }
0x2a: {  	s3 =	simm.s32 $0x900;
	s9 =	simm.s32 $0xA400  }
0x2b: {  	[tilespmem:s9], [sflag:$0x1] =	stream.indirect.gather [hbm4b:s4+s13], $0x10, s3, s13, $0xb8;
	[tilespmem:$0x16400] =	vst v63  }
0x2c: {  	s3 =	simm.s32 $0xA00;
	s9 =	simm.s32 $0xB400  }
0x2d: {  	[tilespmem:s9], [sflag:$0x1] =	stream.indirect.gather [hbm4b:s4+s13], $0x10, s3, s13, $0xb8;
	[tilespmem:$0x16400] =	vst v63  }
0x2e: {  	s3 =	simm.s32 $0xB00;
	s9 =	simm.s32 $0xC400  }
0x2f: {  	[tilespmem:s9], [sflag:$0x1] =	stream.indirect.gather [hbm4b:s4+s13], $0x10, s3, s13, $0xb8;
	[tilespmem:$0x16400] =	vst v63  }
0x30: {  	s3 =	simm.s32 $0xC00;
	s9 =	simm.s32 $0xD400  }
0x31: {  	[tilespmem:s9], [sflag:$0x1] =	stream.indirect.gather [hbm4b:s4+s13], $0x10, s3, s13, $0xb8;
	[tilespmem:$0x16400] =	vst v63  }
0x32: {  	s3 =	simm.s32 $0xD00;
	s9 =	simm.s32 $0xE400  }
0x33: {  	[tilespmem:s9], [sflag:$0x1] =	stream.indirect.gather [hbm4b:s4+s13], $0x10, s3, s13, $0xb8;
	[tilespmem:$0x16400] =	vst v63  }
0x34: {  	s3 =	simm.s32 $0xE00;
	s9 =	simm.s32 $0xF400  }
0x35: {  	[tilespmem:s9], [sflag:$0x1] =	stream.indirect.gather [hbm4b:s4+s13], $0x10, s3, s13, $0xb8;
	[tilespmem:$0x16400] =	vst v63  }
0x36: {  	s3 =	simm.s32 $0xF00;
	s9 =	simm.s32 $0x10400  }
0x37: {  	[tilespmem:s9], [sflag:$0x1] =	stream.indirect.gather [hbm4b:s4+s13], $0x10, s3, s13, $0xb8;
	[tilespmem:$0x16400] =	vst v63  }
0x38: {  	s2 =	simm.s32 $0x11400  }
0x39: {  	[tilespmem:s2], [sflag:$0x1] =	stream.indirect.gather [hbm4b:s4+s13], $0x10, s11, s13, $0xb8;
	[tilespmem:$0x16400] =	vst v63  }
0x3a: {  	s3 =	simm.s32 $0x1100;
	s9 =	simm.s32 $0x12400  }
0x3b: {  	[tilespmem:s9], [sflag:$0x1] =	stream.indirect.gather [hbm4b:s4+s13], $0x10, s3, s13, $0xb8;
	[tilespmem:$0x16400] =	vst v63  }
0x3c: {  	s3 =	simm.s32 $0x1200;
	s9 =	simm.s32 $0x13400  }
0x3d: {  	[tilespmem:s9], [sflag:$0x1] =	stream.indirect.gather [hbm4b:s4+s13], $0x10, s3, s13, $0xb8;
	[tilespmem:$0x16400] =	vst v63  }
0x3e: {  	s3 =	simm.s32 $0x1300;
	s9 =	simm.s32 $0x14400  }
0x3f: {  	[tilespmem:s9], [sflag:$0x1] =	stream.indirect.gather [hbm4b:s4+s13], $0x10, s3, s13, $0xb8;
	[tilespmem:$0x16400] =	vst v63  }
0x40: {  	s2 =	simm.s32 $0x1C00  }
0x41: {  	[tilespmem:s2], [sflag:$0x2] =	stream.indirect.gather [hbm4b:s4+s13], $0x10, s13, s13, $0xb8;
	[tilespmem:$0x16400] =	vst v63  }
0x42: {  	s3 =	simm.s32 $0x180;
	s9 =	simm.s32 $0x2C00  }
0x43: {  	[tilespmem:s9], [sflag:$0x2] =	stream.indirect.gather [hbm4b:s4+s13], $0x10, s3, s13, $0xb8;
	[tilespmem:$0x16400] =	vst v63  }
0x44: {  	s3 =	simm.s32 $0x280;
	s9 =	simm.s32 $0x3C00  }
0x45: {  	[tilespmem:s9], [sflag:$0x2] =	stream.indirect.gather [hbm4b:s4+s13], $0x10, s3, s13, $0xb8;
	[tilespmem:$0x16400] =	vst v63  }
0x46: {  	s3 =	simm.s32 $0x380;
	s9 =	simm.s32 $0x4C00  }
0x47: {  	[tilespmem:s9], [sflag:$0x2] =	stream.indirect.gather [hbm4b:s4+s13], $0x10, s3, s13, $0xb8;
	[tilespmem:$0x16400] =	vst v63  }
0x48: {  	s3 =	simm.s32 $0x480;
	s9 =	simm.s32 $0x5C00  }
0x49: {  	[tilespmem:s9], [sflag:$0x2] =	stream.indirect.gather [hbm4b:s4+s13], $0x10, s3, s13, $0xb8;
	[tilespmem:$0x16400] =	vst v63  }
0x4a: {  	s3 =	simm.s32 $0x580;
	s9 =	simm.s32 $0x6C00  }
0x4b: {  	[tilespmem:s9], [sflag:$0x2] =	stream.indirect.gather [hbm4b:s4+s13], $0x10, s3, s13, $0xb8;
	[tilespmem:$0x16400] =	vst v63  }
0x4c: {  	s3 =	simm.s32 $0x680;
	s9 =	simm.s32 $0x7C00  }
0x4d: {  	[tilespmem:s9], [sflag:$0x2] =	stream.indirect.gather [hbm4b:s4+s13], $0x10, s3, s13, $0xb8;
	[tilespmem:$0x16400] =	vst v63  }
0x4e: {  	s3 =	simm.s32 $0x780;
	s9 =	simm.s32 $0x8C00  }
0x4f: {  	[tilespmem:s9], [sflag:$0x2] =	stream.indirect.gather [hbm4b:s4+s13], $0x10, s3, s13, $0xb8;
	[tilespmem:$0x16400] =	vst v63  }
0x50: {  	s3 =	simm.s32 $0x880;
	s9 =	simm.s32 $0x9C00  }
0x51: {  	[tilespmem:s9], [sflag:$0x2] =	stream.indirect.gather [hbm4b:s4+s13], $0x10, s3, s13, $0xb8;
	[tilespmem:$0x16400] =	vst v63  }
0x52: {  	s3 =	simm.s32 $0x980;
	s9 =	simm.s32 $0xAC00  }
0x53: {  	[tilespmem:s9], [sflag:$0x2] =	stream.indirect.gather [hbm4b:s4+s13], $0x10, s3, s13, $0xb8;
	[tilespmem:$0x16400] =	vst v63  }
0x54: {  	s3 =	simm.s32 $0xA80;
	s9 =	simm.s32 $0xBC00  }
0x55: {  	[tilespmem:s9], [sflag:$0x2] =	stream.indirect.gather [hbm4b:s4+s13], $0x10, s3, s13, $0xb8;
	[tilespmem:$0x16400] =	vst v63  }
0x56: {  	s3 =	simm.s32 $0xB80;
	s9 =	simm.s32 $0xCC00  }
0x57: {  	[tilespmem:s9], [sflag:$0x2] =	stream.indirect.gather [hbm4b:s4+s13], $0x10, s3, s13, $0xb8;
	[tilespmem:$0x16400] =	vst v63  }
0x58: {  	s3 =	simm.s32 $0xC80;
	s9 =	simm.s32 $0xDC00  }
0x59: {  	[tilespmem:s9], [sflag:$0x2] =	stream.indirect.gather [hbm4b:s4+s13], $0x10, s3, s13, $0xb8;
	[tilespmem:$0x16400] =	vst v63  }
0x5a: {  	s2 =	simm.s32 $0xD80;
	s3 =	simm.s32 $0xEC00  }
0x5b: {  	[tilespmem:s3], [sflag:$0x2] =	stream.indirect.gather [hbm4b:s4+s13], $0x10, s2, s13, $0xb8;
	[tilespmem:$0x16400] =	vst v63  }
0x5c: {  	s9 =	simm.s32 $0xE80  }
0x5d: {  	[tilespmem:s1], [sflag:$0x2] =	stream.indirect.gather [hbm4b:s4+s13], $0x10, s9, s13, $0xb8;
	[tilespmem:$0x16400] =	vst v63  }
0x5e: {  	_ = 	snop  }
0x5f: {  	[tilespmem:s15], [sflag:$0x2] =	stream.indirect.gather [hbm4b:s4+s13], $0x10, s14, s13, $0xb8;
	[tilespmem:$0x16400] =	vst v63  }
0x60: {  	_ = 	snop  }
0x61: {  	[tilespmem:s17], [sflag:$0x2] =	stream.indirect.gather [hbm4b:s4+s13], $0x10, s16, s13, $0xb8;
	[tilespmem:$0x16400] =	vst v63  }
0x62: {  	_ = 	snop  }
0x63: {  	[tilespmem:s19], [sflag:$0x2] =	stream.indirect.gather [hbm4b:s4+s13], $0x10, s18, s13, $0xb8;
	[tilespmem:$0x16400] =	vst v63  }
0x64: {  	_ = 	snop  }
0x65: {  	[tilespmem:s21], [sflag:$0x2] =	stream.indirect.gather [hbm4b:s4+s13], $0x10, s20, s13, $0xb8;
	[tilespmem:$0x16400] =	vst v63  }
0x66: {  	_ = 	snop  }
0x67: {  	[tilespmem:s23], [sflag:$0x2] =	stream.indirect.gather [hbm4b:s4+s13], $0x10, s22, s13, $0xb8;
	[tilespmem:$0x16400] =	vst v63  }
0x68: {  	_ =	swait.ge [sflag:s24], $0x800  }
0x69: {  	[sflag:s24] =	ssyncset.done $0x0  }
0x6a: {  	[sflag:s24] =	ssyncadd.s32 $0xFFFFF800  }
0x6b: {  	_ =	swait.ge [sflag:s24], $0x800  }
0x6c: {  	[sflag:s24] =	ssyncset.done $0x0  }
0x6d: {  	[sflag:s24] =	ssyncadd.s32 $0xFFFFF800  }
0x6e: {  	_ =	swait.ge [sflag:s24], $0x800  }
0x6f: {  	[sflag:s24] =	ssyncset.done $0x0  }
0x70: {  	[sflag:s24] =	ssyncadd.s32 $0xFFFFF800  }
0x71: {  	_ =	swait.ge [sflag:s24], $0x800  }
0x72: {  	[sflag:s24] =	ssyncset.done $0x0  }
0x73: {  	[sflag:s24] =	ssyncadd.s32 $0xFFFFF800  }
0x74: {  	_ =	swait.ge [sflag:s24], $0x800  }
0x75: {  	[sflag:s24] =	ssyncset.done $0x0  }
0x76: {  	[sflag:s24] =	ssyncadd.s32 $0xFFFFF800  }
0x77: {  	_ =	swait.ge [sflag:s24], $0x800  }
0x78: {  	[sflag:s24] =	ssyncset.done $0x0  }
0x79: {  	[sflag:s24] =	ssyncadd.s32 $0xFFFFF800  }
0x7a: {  	_ =	swait.ge [sflag:s24], $0x800  }
0x7b: {  	[sflag:s24] =	ssyncset.done $0x0  }
0x7c: {  	[sflag:s24] =	ssyncadd.s32 $0xFFFFF800  }
0x7d: {  	_ =	swait.ge [sflag:s24], $0x800  }
0x7e: {  	[sflag:s24] =	ssyncset.done $0x0  }
0x7f: {  	[sflag:s24] =	ssyncadd.s32 $0xFFFFF800  }
0x80: {  	_ =	swait.ge [sflag:s24], $0x800  }
0x81: {  	[sflag:s24] =	ssyncset.done $0x0  }
0x82: {  	[sflag:s24] =	ssyncadd.s32 $0xFFFFF800  }
0x83: {  	_ =	swait.ge [sflag:s24], $0x800  }
0x84: {  	[sflag:s24] =	ssyncset.done $0x0  }
0x85: {  	[sflag:s24] =	ssyncadd.s32 $0xFFFFF800  }
0x86: {  	_ =	swait.ge [sflag:s24], $0x800  }
0x87: {  	[sflag:s24] =	ssyncset.done $0x0  }
0x88: {  	[sflag:s24] =	ssyncadd.s32 $0xFFFFF800  }
0x89: {  	_ =	swait.ge [sflag:s24], $0x800  }
0x8a: {  	[sflag:s24] =	ssyncset.done $0x0  }
0x8b: {  	[sflag:s24] =	ssyncadd.s32 $0xFFFFF800  }
0x8c: {  	_ =	swait.ge [sflag:s24], $0x800  }
0x8d: {  	[sflag:s24] =	ssyncset.done $0x0  }
0x8e: {  	[sflag:s24] =	ssyncadd.s32 $0xFFFFF800  }
0x8f: {  	_ =	swait.ge [sflag:s24], $0x800  }
0x90: {  	[sflag:s24] =	ssyncset.done $0x0  }
0x91: {  	[sflag:s24] =	ssyncadd.s32 $0xFFFFF800  }
0x92: {  	_ =	swait.ge [sflag:s24], $0x800  }
0x93: {  	[sflag:s24] =	ssyncset.done $0x0  }
0x94: {  	[sflag:s24] =	ssyncadd.s32 $0xFFFFF800  }
0x95: {  	_ =	swait.ge [sflag:s24], $0x800  }
0x96: {  	[sflag:s24] =	ssyncset.done $0x0  }
0x97: {  	[sflag:s24] =	ssyncadd.s32 $0xFFFFF800  }
0x98: {  	_ =	swait.ge [sflag:s24], $0x800  }
0x99: {  	[sflag:s24] =	ssyncset.done $0x0  }
0x9a: {  	[sflag:s24] =	ssyncadd.s32 $0xFFFFF800  }
0x9b: {  	_ =	swait.ge [sflag:s24], $0x800  }
0x9c: {  	[sflag:s24] =	ssyncset.done $0x0  }
0x9d: {  	[sflag:s24] =	ssyncadd.s32 $0xFFFFF800  }
0x9e: {  	_ =	swait.ge [sflag:s24], $0x800  }
0x9f: {  	[sflag:s24] =	ssyncset.done $0x0  }
0xa0: {  	[sflag:s24] =	ssyncadd.s32 $0xFFFFF800  }
0xa1: {  	_ =	swait.ge [sflag:s24], $0x800  }
0xa2: {  	[sflag:s24] =	ssyncset.done $0x0  }
0xa3: {  	s3 =	simm.s32 $0x0;
	[sflag:s24] =	ssyncadd.s32 $0xFFFFF800  }
0xa4: {  	v0 =	vld [tilespmem:s3+$0x1400]  }
0xa5: {  	v1 =	vld [tilespmem:s3+$0x2400];
	_ =	sdelay $0x1  }
0xa6: {  	v2 =	vld [tilespmem:s3+$0x3400];
	_ =	sdelay $0x1  }
0xa7: {  	v3 =	vld [tilespmem:s3+$0x4400]  }
0xa8: {  	v0 =	vadd.f32 v1, v0  }
0xa9: {  	v1 =	vld [tilespmem:s3+$0x5400]  }
0xaa: {  	v0 =	vadd.f32 v2, v0  }
0xab: {  	v2 =	vld [tilespmem:s3+$0x6400]  }
0xac: {  	v0 =	vadd.f32 v3, v0  }
0xad: {  	v3 =	vld [tilespmem:s3+$0x7400]  }
0xae: {  	v0 =	vadd.f32 v1, v0  }
0xaf: {  	v1 =	vld [tilespmem:s3+$0x8400]  }
0xb0: {  	v0 =	vadd.f32 v2, v0  }
0xb1: {  	v2 =	vld [tilespmem:s3+$0x9400]  }
0xb2: {  	v0 =	vadd.f32 v3, v0  }
0xb3: {  	v3 =	vld [tilespmem:s3+$0xA400]  }
0xb4: {  	s0 =	simm.s32 $0x10;
	v4 =	vld [tilespmem:s3+$0xB400];
	v0 =	vadd.f32 v1, v0  }
0xb5: {  	v5 =	vld [tilespmem:s0+$0x1400]  }
0xb6: {  	v1 =	vld [tilespmem:s3+$0xC400];
	v0 =	vadd.f32 v2, v0  }
0xb7: {  	v2 =	vld [tilespmem:s0+$0x2400]  }
0xb8: {  	v6 =	vld [tilespmem:s0+$0x3400];
	v0 =	vadd.f32 v3, v0  }
0xb9: {  	v3 =	vld [tilespmem:s3+$0xD400]  }
0xba: {  	v7 =	vld [tilespmem:s0+$0x4400];
	v0 =	vadd.f32 v4, v0  }
0xbb: {  	v4 =	vld [tilespmem:s3+$0xE400]  }
0xbc: {  	v2 =	vadd.f32 v2, v5;
	v5 =	vld [tilespmem:s0+$0x5400];
	v0 =	vadd.f32 v1, v0  }
0xbd: {  	v1 =	vld [tilespmem:s3+$0xF400]  }
0xbe: {  	v2 =	vadd.f32 v6, v2;
	v6 =	vld [tilespmem:s0+$0x6400];
	v0 =	vadd.f32 v3, v0  }
0xbf: {  	v3 =	vld [tilespmem:s3+$0x10400]  }
0xc0: {  	v2 =	vadd.f32 v7, v2;
	v7 =	vld [tilespmem:s0+$0x7400];
	v0 =	vadd.f32 v4, v0  }
0xc1: {  	v4 =	vld [tilespmem:s3+$0x11400]  }
0xc2: {  	v2 =	vadd.f32 v5, v2;
	v5 =	vld [tilespmem:s0+$0x8400];
	v0 =	vadd.f32 v1, v0  }
0xc3: {  	v1 =	vld [tilespmem:s3+$0x12400]  }
0xc4: {  	v8 =	vld [tilespmem:s0+$0x9400];
	v2 =	vadd.f32 v6, v2;
	v0 =	vadd.f32 v3, v0  }
0xc5: {  	v6 =	vld [tilespmem:s3+$0x13400]  }
0xc6: {  	v3 =	vld [tilespmem:s0+$0xA400];
	v7 =	vadd.f32 v7, v2;
	v4 =	vadd.f32 v4, v0  }
0xc7: {  	v2 =	vld [tilespmem:s3+$0x14400]  }
0xc8: {  	v0 =	vld [tilespmem:s0+$0xC400];
	v5 =	vadd.f32 v5, v7;
	v7 =	vadd.f32 v1, v4  }
0xc9: {  	s9 =	simm.s32 $0x20;
	v4 =	vld [tilespmem:s0+$0xB400]  }
0xca: {  	s2 =	simm.s32 $0xC0;
	v1 =	vld [tilespmem:s9+$0x1400];
	v5 =	vadd.f32 v8, v5;
	v6 =	vadd.f32 v6, v7  }
.LBB2_3:
0xcb: {  	p0 =	sne.s32 s2, $0x1FC0;
	v7 =	vld [tilespmem:s9+$0x2400]  }
0xcc: {  	v3 =	vadd.f32 v3, v5;
	v5 =	vld [tilespmem:s0+$0xD400];
	v2 =	vadd.f32 v2, v6  }
0xcd: {  	v6 =	vld [tilespmem:s9+$0x3400]  }
0xce: {  	v3 =	vadd.f32 v4, v3;
	v4 =	vld [tilespmem:s0+$0xE400];
	[tilespmem:s3+$0x15400] =	vst v2;
	s3 =	smov.u32 s0;
	s0 =	smov.u32 s9  }
0xcf: {  	v2 =	vld [tilespmem:s0+$0x4400]  }
0xd0: {  	v1 =	vadd.f32 v7, v1;
	v0 =	vadd.f32 v0, v3;
	v3 =	vld [tilespmem:s3+$0xF400]  }
0xd1: {  	v7 =	vld [tilespmem:s0+$0x5400]  }
0xd2: {  	v1 =	vadd.f32 v6, v1;
	v0 =	vadd.f32 v5, v0;
	v5 =	vld [tilespmem:s3+$0x10400]  }
0xd3: {  	v6 =	vld [tilespmem:s0+$0x6400]  }
0xd4: {  	v1 =	vadd.f32 v2, v1;
	v0 =	vadd.f32 v4, v0;
	v2 =	vld [tilespmem:s3+$0x11400]  }
0xd5: {  	v4 =	vld [tilespmem:s0+$0x7400]  }
0xd6: {  	v1 =	vadd.f32 v7, v1;
	v0 =	vadd.f32 v3, v0;
	v7 =	vld [tilespmem:s3+$0x12400]  }
0xd7: {  	v8 =	vld [tilespmem:s0+$0x8400]  }
0xd8: {  	v1 =	vadd.f32 v6, v1;
	v0 =	vadd.f32 v5, v0;
	v6 =	vld [tilespmem:s3+$0x13400]  }
0xd9: {  	v5 =	vld [tilespmem:s0+$0x9400]  }
.Ltmp0:
0xda: {  	v1 =	vadd.f32 v4, v1;
	v4 =	vadd.f32 v2, v0;
	v2 =	vld [tilespmem:s3+$0x14400];
	(pc) =	sbr.rel @p0 .LBB2_3-.Ltmp0, $4  }
0xdb: {  	v3 =	vld [tilespmem:s0+$0xA400]  }
0xdc: {  	v8 =	vadd.f32 v8, v1;
	v0 =	vld [tilespmem:s0+$0xC400];
	v7 =	vadd.f32 v7, v4  }
0xdd: {  	s9 =	sshra.s32 s2, $0x2;
	v4 =	vld [tilespmem:s0+$0xB400]  }
0xde: {  	s2 =	sadd.s32 $0x40, s2;
	v1 =	vld [tilespmem:s9+$0x1400];
	v5 =	vadd.f32 v5, v8;
	v6 =	vadd.f32 v6, v7  }
0xdf: {  	v7 =	vld [tilespmem:s9+$0x2400]  }
0xe0: {  	v8 =	vld [tilespmem:s0+$0xD400];
	v2 =	vadd.f32 v2, v6  }
0xe1: {  	v6 =	vld [tilespmem:s9+$0x3400]  }
0xe2: {  	v9 =	vld [tilespmem:s0+$0xE400];
	v3 =	vadd.f32 v3, v5;
	[tilespmem:s3+$0x15400] =	vst v2  }
0xe3: {  	v2 =	vld [tilespmem:s9+$0x4400]  }
0xe4: {  	v3 =	vadd.f32 v4, v3;
	v1 =	vadd.f32 v7, v1  }
0xe5: {  	v4 =	vld [tilespmem:s9+$0x5400]  }
0xe6: {  	v5 =	vld [tilespmem:s9+$0x6400];
	v0 =	vadd.f32 v0, v3;
	v1 =	vadd.f32 v6, v1  }
0xe7: {  	v3 =	vld [tilespmem:s0+$0xF400]  }
0xe8: {  	v0 =	vadd.f32 v8, v0;
	v6 =	vld [tilespmem:s0+$0x10400];
	v1 =	vadd.f32 v2, v1  }
0xe9: {  	v2 =	vld [tilespmem:s9+$0x7400]  }
0xea: {  	v7 =	vld [tilespmem:s0+$0x11400];
	v0 =	vadd.f32 v9, v0;
	v1 =	vadd.f32 v4, v1  }
0xeb: {  	v4 =	vld [tilespmem:s9+$0x8400]  }
0xec: {  	v0 =	vadd.f32 v3, v0;
	v3 =	vld [tilespmem:s0+$0x12400];
	v1 =	vadd.f32 v5, v1  }
0xed: {  	v5 =	vld [tilespmem:s9+$0x9400]  }
0xee: {  	v0 =	vadd.f32 v6, v0;
	v6 =	vld [tilespmem:s0+$0x13400];
	v1 =	vadd.f32 v2, v1  }
0xef: {  	v2 =	vld [tilespmem:s9+$0xA400]  }
0xf0: {  	v0 =	vadd.f32 v7, v0;
	v7 =	vld [tilespmem:s0+$0x14400];
	v1 =	vadd.f32 v4, v1  }
0xf1: {  	v4 =	vld [tilespmem:s9+$0xB400]  }
0xf2: {  	v0 =	vadd.f32 v3, v0;
	v1 =	vadd.f32 v5, v1  }
0xf3: {  	v3 =	vld [tilespmem:s9+$0xC400]  }
0xf4: {  	v0 =	vadd.f32 v6, v0;
	v1 =	vadd.f32 v2, v1  }
0xf5: {  	v2 =	vld [tilespmem:s9+$0xD400]  }
0xf6: {  	v0 =	vadd.f32 v7, v0;
	v1 =	vadd.f32 v4, v1  }
0xf7: {  	v4 =	vld [tilespmem:s9+$0xE400]  }
0xf8: {  	[tilespmem:s0+$0x15400] =	vst v0;
	v0 =	vadd.f32 v3, v1  }
0xf9: {  	v1 =	vld [tilespmem:s9+$0xF400]  }
0xfa: {  	v0 =	vadd.f32 v2, v0  }
0xfb: {  	v2 =	vld [tilespmem:s9+$0x10400]  }
0xfc: {  	v0 =	vadd.f32 v4, v0  }
0xfd: {  	v3 =	vld [tilespmem:s9+$0x11400]  }
0xfe: {  	v0 =	vadd.f32 v1, v0  }
0xff: {  	v1 =	vld [tilespmem:s9+$0x12400]  }
0x100: {  	v0 =	vadd.f32 v2, v0  }
0x101: {  	v2 =	vld [tilespmem:s9+$0x13400]  }
0x102: {  	v0 =	vadd.f32 v3, v0  }
0x103: {  	v3 =	vld [tilespmem:s9+$0x14400]  }
0x104: {  	v0 =	vadd.f32 v1, v0;
	_ =	sdelay $0x1  }
0x105: {  	v0 =	vadd.f32 v2, v0;
	_ =	sdelay $0x1  }
0x106: {  	v0 =	vadd.f32 v3, v0;
	_ =	sdelay $0x1  }
0x107: {  	[tilespmem:s9+$0x15400] =	vst v0  }
0x108: {  	_ =	swait.ge [sflag:s25], $0x800  }
0x109: {  	[sflag:s25] =	ssyncset.done $0x0  }
0x10a: {  	[sflag:s25] =	ssyncadd.s32 $0xFFFFF800  }
0x10b: {  	_ =	swait.ge [sflag:s25], $0x800  }
0x10c: {  	[sflag:s25] =	ssyncset.done $0x0  }
0x10d: {  	[sflag:s25] =	ssyncadd.s32 $0xFFFFF800  }
0x10e: {  	_ =	swait.ge [sflag:s25], $0x800  }
0x10f: {  	[sflag:s25] =	ssyncset.done $0x0  }
0x110: {  	[sflag:s25] =	ssyncadd.s32 $0xFFFFF800  }
0x111: {  	_ =	swait.ge [sflag:s25], $0x800  }
0x112: {  	[sflag:s25] =	ssyncset.done $0x0  }
0x113: {  	[sflag:s25] =	ssyncadd.s32 $0xFFFFF800  }
0x114: {  	_ =	swait.ge [sflag:s25], $0x800  }
0x115: {  	[sflag:s25] =	ssyncset.done $0x0  }
0x116: {  	[sflag:s25] =	ssyncadd.s32 $0xFFFFF800  }
0x117: {  	_ =	swait.ge [sflag:s25], $0x800  }
0x118: {  	[sflag:s25] =	ssyncset.done $0x0  }
0x119: {  	[sflag:s25] =	ssyncadd.s32 $0xFFFFF800  }
0x11a: {  	_ =	swait.ge [sflag:s25], $0x800  }
0x11b: {  	[sflag:s25] =	ssyncset.done $0x0  }
0x11c: {  	[sflag:s25] =	ssyncadd.s32 $0xFFFFF800  }
0x11d: {  	_ =	swait.ge [sflag:s25], $0x800  }
0x11e: {  	[sflag:s25] =	ssyncset.done $0x0  }
0x11f: {  	[sflag:s25] =	ssyncadd.s32 $0xFFFFF800  }
0x120: {  	_ =	swait.ge [sflag:s25], $0x800  }
0x121: {  	[sflag:s25] =	ssyncset.done $0x0  }
0x122: {  	[sflag:s25] =	ssyncadd.s32 $0xFFFFF800  }
0x123: {  	_ =	swait.ge [sflag:s25], $0x800  }
0x124: {  	[sflag:s25] =	ssyncset.done $0x0  }
0x125: {  	[sflag:s25] =	ssyncadd.s32 $0xFFFFF800  }
0x126: {  	_ =	swait.ge [sflag:s25], $0x800  }
0x127: {  	[sflag:s25] =	ssyncset.done $0x0  }
0x128: {  	[sflag:s25] =	ssyncadd.s32 $0xFFFFF800  }
0x129: {  	_ =	swait.ge [sflag:s25], $0x800  }
0x12a: {  	[sflag:s25] =	ssyncset.done $0x0  }
0x12b: {  	[sflag:s25] =	ssyncadd.s32 $0xFFFFF800  }
0x12c: {  	_ =	swait.ge [sflag:s25], $0x800  }
0x12d: {  	[sflag:s25] =	ssyncset.done $0x0  }
0x12e: {  	[sflag:s25] =	ssyncadd.s32 $0xFFFFF800  }
0x12f: {  	_ =	swait.ge [sflag:s25], $0x800  }
0x130: {  	[sflag:s25] =	ssyncset.done $0x0  }
0x131: {  	[sflag:s25] =	ssyncadd.s32 $0xFFFFF800  }
0x132: {  	_ =	swait.ge [sflag:s25], $0x800  }
0x133: {  	[sflag:s25] =	ssyncset.done $0x0  }
0x134: {  	[sflag:s25] =	ssyncadd.s32 $0xFFFFF800  }
0x135: {  	_ =	swait.ge [sflag:s25], $0x800  }
0x136: {  	[sflag:s25] =	ssyncset.done $0x0  }
0x137: {  	[sflag:s25] =	ssyncadd.s32 $0xFFFFF800  }
0x138: {  	_ =	swait.ge [sflag:s25], $0x800  }
0x139: {  	[sflag:s25] =	ssyncset.done $0x0  }
0x13a: {  	[sflag:s25] =	ssyncadd.s32 $0xFFFFF800  }
0x13b: {  	_ =	swait.ge [sflag:s25], $0x800  }
0x13c: {  	[sflag:s25] =	ssyncset.done $0x0  }
0x13d: {  	[sflag:s25] =	ssyncadd.s32 $0xFFFFF800  }
0x13e: {  	_ =	swait.ge [sflag:s25], $0x800  }
0x13f: {  	[sflag:s25] =	ssyncset.done $0x0  }
0x140: {  	[sflag:s25] =	ssyncadd.s32 $0xFFFFF800  }
0x141: {  	_ =	swait.ge [sflag:s25], $0x800  }
0x142: {  	[sflag:s25] =	ssyncset.done $0x0  }
0x143: {  	s3 =	simm.s32 $0x0;
	[sflag:s25] =	ssyncadd.s32 $0xFFFFF800  }
0x144: {  	v0 =	vld [tilespmem:s3+$0x1C00]  }
0x145: {  	v1 =	vld [tilespmem:s3+$0x2C00];
	_ =	sdelay $0x1  }
0x146: {  	v2 =	vld [tilespmem:s3+$0x3C00];
	_ =	sdelay $0x1  }
0x147: {  	v3 =	vld [tilespmem:s3+$0x4C00]  }
0x148: {  	v0 =	vadd.f32 v1, v0  }
0x149: {  	v1 =	vld [tilespmem:s3+$0x5C00]  }
0x14a: {  	v0 =	vadd.f32 v2, v0  }
0x14b: {  	v2 =	vld [tilespmem:s3+$0x6C00]  }
0x14c: {  	v0 =	vadd.f32 v3, v0  }
0x14d: {  	v3 =	vld [tilespmem:s3+$0x7C00]  }
0x14e: {  	v0 =	vadd.f32 v1, v0  }
0x14f: {  	v1 =	vld [tilespmem:s3+$0x8C00]  }
0x150: {  	v0 =	vadd.f32 v2, v0  }
0x151: {  	v2 =	vld [tilespmem:s3+$0x9C00]  }
0x152: {  	v0 =	vadd.f32 v3, v0  }
0x153: {  	v3 =	vld [tilespmem:s3+$0xAC00]  }
0x154: {  	s0 =	simm.s32 $0x10;
	v4 =	vld [tilespmem:s3+$0xBC00];
	v0 =	vadd.f32 v1, v0  }
0x155: {  	v5 =	vld [tilespmem:s0+$0x1C00]  }
0x156: {  	v1 =	vld [tilespmem:s3+$0xCC00];
	v0 =	vadd.f32 v2, v0  }
0x157: {  	v2 =	vld [tilespmem:s0+$0x2C00]  }
0x158: {  	v6 =	vld [tilespmem:s0+$0x3C00];
	v0 =	vadd.f32 v3, v0  }
0x159: {  	v3 =	vld [tilespmem:s3+$0xDC00]  }
0x15a: {  	v7 =	vld [tilespmem:s0+$0x4C00];
	v0 =	vadd.f32 v4, v0  }
0x15b: {  	v4 =	vld [tilespmem:s3+$0xEC00]  }
0x15c: {  	v2 =	vadd.f32 v2, v5;
	v5 =	vld [tilespmem:s0+$0x5C00];
	v0 =	vadd.f32 v1, v0  }
0x15d: {  	v1 =	vld [tilespmem:s3+$0xFC00]  }
0x15e: {  	v2 =	vadd.f32 v6, v2;
	v6 =	vld [tilespmem:s0+$0x6C00];
	v0 =	vadd.f32 v3, v0  }
0x15f: {  	v3 =	vld [tilespmem:s3+$0x10C00]  }
0x160: {  	v2 =	vadd.f32 v7, v2;
	v7 =	vld [tilespmem:s0+$0x7C00];
	v0 =	vadd.f32 v4, v0  }
0x161: {  	v4 =	vld [tilespmem:s3+$0x11C00]  }
0x162: {  	v2 =	vadd.f32 v5, v2;
	v5 =	vld [tilespmem:s0+$0x8C00];
	v0 =	vadd.f32 v1, v0  }
0x163: {  	v1 =	vld [tilespmem:s3+$0x12C00]  }
0x164: {  	v8 =	vld [tilespmem:s0+$0x9C00];
	v2 =	vadd.f32 v6, v2;
	v0 =	vadd.f32 v3, v0  }
0x165: {  	v6 =	vld [tilespmem:s3+$0x13C00]  }
0x166: {  	v3 =	vld [tilespmem:s0+$0xAC00];
	v7 =	vadd.f32 v7, v2;
	v4 =	vadd.f32 v4, v0  }
0x167: {  	v2 =	vld [tilespmem:s3+$0x14C00]  }
0x168: {  	v0 =	vld [tilespmem:s0+$0xCC00];
	v5 =	vadd.f32 v5, v7;
	v7 =	vadd.f32 v1, v4  }
0x169: {  	s9 =	simm.s32 $0x20;
	v4 =	vld [tilespmem:s0+$0xBC00]  }
0x16a: {  	s2 =	simm.s32 $0xC0;
	v1 =	vld [tilespmem:s9+$0x1C00];
	v5 =	vadd.f32 v8, v5;
	v6 =	vadd.f32 v6, v7  }
.LBB2_5:
0x16b: {  	p0 =	sne.s32 s2, $0x1FC0;
	v7 =	vld [tilespmem:s9+$0x2C00]  }
0x16c: {  	v3 =	vadd.f32 v3, v5;
	v5 =	vld [tilespmem:s0+$0xDC00];
	v2 =	vadd.f32 v2, v6  }
0x16d: {  	v6 =	vld [tilespmem:s9+$0x3C00]  }
0x16e: {  	v3 =	vadd.f32 v4, v3;
	v4 =	vld [tilespmem:s0+$0xEC00];
	[tilespmem:s3+$0x15C00] =	vst v2;
	s3 =	smov.u32 s0;
	s0 =	smov.u32 s9  }
0x16f: {  	v2 =	vld [tilespmem:s0+$0x4C00]  }
0x170: {  	v1 =	vadd.f32 v7, v1;
	v0 =	vadd.f32 v0, v3;
	v3 =	vld [tilespmem:s3+$0xFC00]  }
0x171: {  	v7 =	vld [tilespmem:s0+$0x5C00]  }
0x172: {  	v1 =	vadd.f32 v6, v1;
	v0 =	vadd.f32 v5, v0;
	v5 =	vld [tilespmem:s3+$0x10C00]  }
0x173: {  	v6 =	vld [tilespmem:s0+$0x6C00]  }
0x174: {  	v1 =	vadd.f32 v2, v1;
	v0 =	vadd.f32 v4, v0;
	v2 =	vld [tilespmem:s3+$0x11C00]  }
0x175: {  	v4 =	vld [tilespmem:s0+$0x7C00]  }
0x176: {  	v1 =	vadd.f32 v7, v1;
	v0 =	vadd.f32 v3, v0;
	v7 =	vld [tilespmem:s3+$0x12C00]  }
0x177: {  	v8 =	vld [tilespmem:s0+$0x8C00]  }
0x178: {  	v1 =	vadd.f32 v6, v1;
	v0 =	vadd.f32 v5, v0;
	v6 =	vld [tilespmem:s3+$0x13C00]  }
0x179: {  	v5 =	vld [tilespmem:s0+$0x9C00]  }
.Ltmp1:
0x17a: {  	v1 =	vadd.f32 v4, v1;
	v4 =	vadd.f32 v2, v0;
	v2 =	vld [tilespmem:s3+$0x14C00];
	(pc) =	sbr.rel @p0 .LBB2_5-.Ltmp1, $4  }
0x17b: {  	v3 =	vld [tilespmem:s0+$0xAC00]  }
0x17c: {  	v8 =	vadd.f32 v8, v1;
	v0 =	vld [tilespmem:s0+$0xCC00];
	v7 =	vadd.f32 v7, v4  }
0x17d: {  	s9 =	sshra.s32 s2, $0x2;
	v4 =	vld [tilespmem:s0+$0xBC00]  }
0x17e: {  	s2 =	sadd.s32 $0x40, s2;
	v1 =	vld [tilespmem:s9+$0x1C00];
	v5 =	vadd.f32 v5, v8;
	v6 =	vadd.f32 v6, v7  }
0x17f: {  	v7 =	vld [tilespmem:s9+$0x2C00]  }
0x180: {  	v8 =	vld [tilespmem:s0+$0xDC00];
	v2 =	vadd.f32 v2, v6  }
0x181: {  	v40 =	vld [tilespmem:s9+$0x3C00]  }
0x182: {  	v9 =	vld [tilespmem:s0+$0xEC00];
	v3 =	vadd.f32 v3, v5;
	[tilespmem:s3+$0x15C00] =	vst v2  }
0x183: {  	v2 =	vld [tilespmem:s9+$0x4C00]  }
0x184: {  	v3 =	vadd.f32 v4, v3;
	v1 =	vadd.f32 v7, v1  }
0x185: {  	v41 =	vld [tilespmem:s9+$0x5C00]  }
0x186: {  	v42 =	vld [tilespmem:s0+$0xFC00];
	v0 =	vadd.f32 v0, v3;
	v1 =	vadd.f32 v40, v1  }
0x187: {  	v43 =	vld [tilespmem:s9+$0x6C00]  }
0x188: {  	v44 =	vld [tilespmem:s0+$0x10C00];
	v0 =	vadd.f32 v8, v0;
	v1 =	vadd.f32 v2, v1  }
0x189: {  	v45 =	vld [tilespmem:s9+$0x7C00]  }
0x18a: {  	v46 =	vld [tilespmem:s0+$0x11C00];
	v0 =	vadd.f32 v9, v0;
	v1 =	vadd.f32 v41, v1  }
0x18b: {  	v47 =	vld [tilespmem:s9+$0x8C00]  }
0x18c: {  	v48 =	vld [tilespmem:s0+$0x12C00];
	v0 =	vadd.f32 v42, v0;
	v1 =	vadd.f32 v43, v1  }
0x18d: {  	v49 =	vld [tilespmem:s9+$0x9C00]  }
0x18e: {  	v50 =	vld [tilespmem:s0+$0x13C00];
	v0 =	vadd.f32 v44, v0;
	v1 =	vadd.f32 v45, v1  }
0x18f: {  	v51 =	vld [tilespmem:s9+$0xAC00]  }
0x190: {  	v52 =	vld [tilespmem:s0+$0x14C00];
	v0 =	vadd.f32 v46, v0;
	v1 =	vadd.f32 v47, v1  }
0x191: {  	v53 =	vld [tilespmem:s9+$0xBC00]  }
0x192: {  	v0 =	vadd.f32 v48, v0;
	v1 =	vadd.f32 v49, v1  }
0x193: {  	v54 =	vld [tilespmem:s9+$0xCC00]  }
0x194: {  	v0 =	vadd.f32 v50, v0;
	v1 =	vadd.f32 v51, v1  }
0x195: {  	v55 =	vld [tilespmem:s9+$0xDC00]  }
0x196: {  	v0 =	vadd.f32 v52, v0;
	v1 =	vadd.f32 v53, v1  }
0x197: {  	v56 =	vld [tilespmem:s9+$0xEC00]  }
0x198: {  	[tilespmem:s0+$0x15C00] =	vst v0;
	v57 =	vadd.f32 v54, v1  }
0x199: {  	v58 =	vld [tilespmem:s9+$0xFC00]  }
0x19a: {  	v0 =	vadd.f32 v55, v57  }
0x19b: {  	v59 =	vld [tilespmem:s9+$0x10C00]  }
0x19c: {  	v0 =	vadd.f32 v56, v0  }
0x19d: {  	v60 =	vld [tilespmem:s9+$0x11C00]  }
0x19e: {  	v0 =	vadd.f32 v58, v0  }
0x19f: {  	v61 =	vld [tilespmem:s9+$0x12C00]  }
0x1a0: {  	v0 =	vadd.f32 v59, v0  }
0x1a1: {  	v62 =	vld [tilespmem:s9+$0x13C00]  }
0x1a2: {  	v0 =	vadd.f32 v60, v0  }
0x1a3: {  	v63 =	vld [tilespmem:s9+$0x14C00]  }
0x1a4: {  	v0 =	vadd.f32 v61, v0;
	_ =	sdelay $0x1  }
0x1a5: {  	v0 =	vadd.f32 v62, v0  }
0x1a6: {  	s31 =	sshll.u32 s31, $0x4  }
0x1a7: {  	s30 =	sadd.s32 $0x1, s30;
	s0 =	sadd.s32 s8, s31;
	v0 =	vadd.f32 v63, v0  }
0x1a8: {  	s2 =	rddreg [dreg:$0x1];
	p0 =	sne.s32 s30, $0xD;
	s0 =	sshrl.u32 s0, $0x3  }
.Ltmp2:
0x1a9: {  	s0 =	sadd.s32 s2, s0;
	[tilespmem:s9+$0x15C00] =	vst v0;
	(pc) =	sbr.rel @p0 .LBB2_2-.Ltmp2, $4  }
0x1aa: {  	[hbm4b:s0+s26] =	stream.strided.scatter [tilespmem:s29], [sflag:$0x3], $0x1000, s28, s26, $0x38;
	[tilespmem:$0x16400] =	vst v63  }
0x1ab: {  	_ =	swait.ge [sflag:s12], $0x1000  }
0x1ac: {  	[sflag:s12] =	ssyncset.done $0x0  }
0x1ad: {  	[sflag:s12] =	ssyncadd.s32 $0xFFFFF000  }
0x1ae: {  	s9 =	rddreg [dreg:$0x3]  }
0x1af: {  	s0 =	rddreg [dreg:$0x4];
	s9 =	sadd.s32 $0x1, s9  }
0x1b0: {  	p0 =	sne.s32 s9, s0  }
.Ltmp3:
0x1b1: {  	_ = 	snop;
	(pc) =	sbr.rel @p0 .LBB2_1-.Ltmp3, $1  }
0x1b2: {  	_ =	sdelay $0x3  }
0x1b3: {  	_ =	sfence.sel $0x180000  }
0x1b4: {  	[bflag:$0x0] =	sbarrier.arrive $0xFFFF  }
0x1b5: {  	_ =	strace $0x90000047  }
0x1b6: {  	s0 =	stileid.u32;
	[bflag:$0x2] =	sbarrier.arrive $0xFFFF  }
0x1b7: {  	p0 =	sne.s32 s0, $0x0;
	s0 =	rddreg [dreg:$0x2]  }
0x1b8: {  	s0 =	sadd.s32 @!p0 $0x100000, s0  }
0x1b9: {  	[sflag:s0] =	ssyncadd.tile.s32 @!p0 $0x1;
	_ =	shalt  }
.Lfunc_end2:
_tile_overlayer_lowered:
.L_overlay_start_2:
0x1ba: {  	(tag) =	ssettag $0x2  }
0x1bb: {  	s0 =	rddreg [dreg:$0x0];
	s2 =	stileid.u32  }
0x1bc: {  	s1 =	rddreg [dreg:$0x1];
	p0 =	sne.s32 s2, $0x0  }
0x1bd: {  	s3 =	rddreg [dreg:$0x2];
	[bflag:$0x3] =	sbarrier.arrive $0xFFFF;
	s2 =	simm.s32 @!p0 $0x1C03  }
0x1be: {  	[timem:s3], [sflag:s2] =	dma.local @!p0 [hbm:s0], s1  }
0x1bf: {  	s0 =	simm.s32 @!p0 $0x3  }
0x1c0: {  	_ =	swait.ge @!p0 [sflag:s0], s1  }
0x1c1: {  	s1 =	ssub.s32 @!p0 $0x0, s1;
	[sflag:s0] =	ssyncset.done @!p0 $0x0  }
0x1c2: {  	[sflag:s0] =	ssyncadd.s32 @!p0 s1  }
0x1c3: {  	[bflag:$0x3] =	sbarrier.arrive $0xFFFF  }
0x1c4: {  	_ =	shalt  }

</sc_bundles>
